<compile_context>
chip_gen: v7x
topology: tpu7x:2x2x1
jax: 0.10.2.dev20260603
libtpu: 0.0.44.dev20260713+nightly
codegen_flags: <defaults>
</compile_context>

<pallas_src>
import functools

import numpy as np
import jax
import jax.numpy as jnp
from jax import lax
from jax.experimental import pallas as pl
from jax.experimental.pallas import tpu as pltpu
from jax.experimental.pallas import tpu_sc as plsc

N = 100000
D = 208
G = 512
NSCAL = 32
EPS = 1e-5

B = 120
NB = N // B
TAIL_BASE = N - B
TAIL_SKIP = NB * B - TAIL_BASE
NBT = NB + 1
NW = 32
MAXIT = -(-NBT // NW)
GP = 512
TW = 128
CA = 96
CB = D - CA
MAXJ = -(-NBT // 16)
TFLAT = GP * TW

_HI = jax.lax.Precision.HIGHEST


def _build_group_mat():
    gid = np.zeros((D,), np.int32)
    dcol = np.zeros((D,), np.float32)
    c = 0
    f = 0
    for mul, l in ((32, 0), (32, 1), (16, 2)):
        d = 2 * l + 1
        for _ in range(mul):
            for _ in range(d):
                gid[c] = f
                dcol[c] = d
                c += 1
            f += 1
    return (gid[:, None] == gid[None, :]).astype(np.float32) / dcol[None, :]


_M_CONST = _build_group_mat()

_MESH = plsc.VectorSubcoreMesh(core_axis_name="c", subcore_axis_name="s")


@functools.partial(
    pl.kernel,
    mesh=_MESH,
    out_type=jax.ShapeDtypeStruct((NW * TFLAT,), jnp.float32),
    scratch_types=[
        pltpu.VMEM((B, D), jnp.float32),
        pltpu.VMEM((B, D), jnp.float32),
        pltpu.VMEM((B,), jnp.int32),
        pltpu.VMEM((B,), jnp.int32),
        pltpu.VMEM((TFLAT,), jnp.float32),
        pltpu.SemaphoreType.DMA,
        pltpu.SemaphoreType.DMA,
        pltpu.SemaphoreType.DMA,
        pltpu.SemaphoreType.DMA,
    ],
    compiler_params=pltpu.CompilerParams(needs_layout_passes=False),
)
def _sc_stats(x_hbm, b_hbm, out_hbm, xb0, xb1, ix0, ix1, table,
              sx0, sx1, si0, si1):
    cid = lax.axis_index("c")
    sid = lax.axis_index("s")
    half = sid % 2
    g8 = sid // 2
    zero16 = jnp.zeros((16,), jnp.float32)
    ones16 = jnp.full((16,), 1.0, jnp.float32)
    zero16i = jnp.zeros((16,), jnp.int32)
    lane = lax.iota(jnp.int32, 16)
    xbs, ixs, sxs, sis = [xb0, xb1], [ix0, ix1], [sx0, sx1], [si0, si1]

    def zrow(k, c_):
        table[pl.ds(k * 16, 16)] = zero16
        return c_

    lax.fori_loop(0, TFLAT // 16, zrow, 0)

    def bval(k):
        return cid + 2 * g8 + 16 * k

    def bbase(k):
        return jnp.where(bval(k) == NB, TAIL_BASE, bval(k) * B)

    def issue_load(k, p):
        @pl.when(bval(k) < NBT)
        def _():
            pltpu.async_copy(x_hbm.at[pl.ds(bbase(k), B)], xbs[p], sxs[p])
            pltpu.async_copy(b_hbm.at[pl.ds(bbase(k), B)], ixs[p], sis[p])

    def step(k, p):
        xb, idxb = xbs[p], ixs[p]

        @pl.when(bval(k) < NBT)
        def _():
            pltpu.make_async_copy(
                x_hbm.at[pl.ds(bbase(k), B)], xb, sxs[p]).wait()
            pltpu.make_async_copy(
                b_hbm.at[pl.ds(bbase(k), B)], idxb, sis[p]).wait()
            r0 = jnp.where(bval(k) == NB, TAIL_SKIP, 0)

            @pl.when(half == 0)
            def _():
                def row_body(r, c_):
                    gvb = plsc.load_gather(idxb, [zero16i + r])
                    tb = gvb * TW + lane
                    for cc in range(CA // 16):
                        v = xb[r, pl.ds(cc * 16, 16)]
                        plsc.addupdate_scatter(table, [tb + cc * 16], v * v)
                        if cc < NSCAL // 16:
                            plsc.addupdate_scatter(
                                table, [tb + (CA + cc * 16)], v)
                    return c_

                lax.fori_loop(r0, B, row_body, 0)

            @pl.when(half == 1)
            def _():
                def row_body(r, c_):
                    gvb = plsc.load_gather(idxb, [zero16i + r])
                    tb = gvb * TW + lane
                    for cc in range(CB // 16):
                        v = xb[r, pl.ds(CA + cc * 16, 16)]
                        plsc.addupdate_scatter(table, [tb + cc * 16], v * v)
                    plsc.addupdate_scatter(table, [tb + CB], ones16)
                    return c_

                lax.fori_loop(r0, B, row_body, 0)

        issue_load(k + 2, p)

    issue_load(0, 0)
    issue_load(1, 1)

    def pair_body(kk, c_):
        step(2 * kk, 0)
        step(2 * kk + 1, 1)
        return c_

    lax.fori_loop(0, -(-MAXJ // 2), pair_body, 0)

    pltpu.sync_copy(table, out_hbm.at[pl.ds((cid * 16 + sid) * TFLAT, TFLAT)])


def _coeff_kernel(s_ref, m_ref, w_ref, bb_ref, coef_ref):
    st = s_ref[...]
    a = jnp.zeros((GP, TW), jnp.float32)
    bt = jnp.zeros((GP, TW), jnp.float32)
    for t in range(NW):
        part = st[t * GP:(t + 1) * GP]
        if t % 2 == 0:
            a = a + part
        else:
            bt = bt + part
    cnt = jnp.maximum(bt[:, CB:CB + 1], 1.0)
    mean = a[:, CA:CA + NSCAL] / cnt
    sq = jnp.concatenate([a[:, :CA], bt[:, :CB]], axis=1)
    gs = jax.lax.dot_general(
        sq, m_ref[...], (((1,), (0,)), ((), ())),
        preferred_element_type=jnp.float32, precision=_HI) / cnt
    meanp = jnp.concatenate(
        [mean, jnp.zeros((GP, D - NSCAL), jnp.float32)], axis=1)
    var = gs - meanp * meanp
    scale = w_ref[...] * jax.lax.rsqrt(var + EPS)
    shift = bb_ref[...] - mean * scale[:, :NSCAL]
    coef_ref[...] = jnp.concatenate(
        [scale, shift, jnp.zeros((GP, 16), jnp.float32)], axis=1)


@functools.partial(
    pl.kernel,
    mesh=_MESH,
    out_type=jax.ShapeDtypeStruct((N, D), jnp.float32),
    scratch_types=[
        pltpu.VMEM((B, D), jnp.float32),
        pltpu.VMEM((B, D), jnp.float32),
        pltpu.VMEM((B, 256), jnp.float32),
        pltpu.VMEM((B, D), jnp.float32),
        pltpu.VMEM((B,), jnp.int32),
        pltpu.VMEM((B,), jnp.int32),
        pltpu.SemaphoreType.DMA,
        pltpu.SemaphoreType.DMA,
        pltpu.SemaphoreType.DMA,
        pltpu.SemaphoreType.DMA,
        pltpu.SemaphoreType.DMA,
        pltpu.SemaphoreType.DMA,
    ],
    compiler_params=pltpu.CompilerParams(needs_layout_passes=False),
)
def _sc_apply(x_hbm, b_hbm, coef_hbm, out_hbm, xb0, xb1, cb, ob, ix0, ix1,
              sx0, sx1, si0, si1, sc, so):
    cid = lax.axis_index("c")
    sid = lax.axis_index("s")
    wid = sid * 2 + cid
    xbs, ixs, sxs, sis = [xb0, xb1], [ix0, ix1], [sx0, sx1], [si0, si1]

    def bval(k):
        return wid + k * NW

    def bbase(k):
        return jnp.where(bval(k) == NB, TAIL_BASE, bval(k) * B)

    def issue_load(k, p):
        @pl.when(bval(k) < NBT)
        def _():
            pltpu.async_copy(x_hbm.at[pl.ds(bbase(k), B)], xbs[p], sxs[p])
            pltpu.async_copy(b_hbm.at[pl.ds(bbase(k), B)], ixs[p], sis[p])

    def wait_idx_issue_gather(k, p):
        @pl.when(bval(k) < NBT)
        def _():
            pltpu.make_async_copy(
                b_hbm.at[pl.ds(bbase(k), B)], ixs[p], sis[p]).wait()
            pltpu.async_copy(coef_hbm.at[ixs[p]], cb, sc)

    def wait_out(k):
        pltpu.make_async_copy(ob, out_hbm.at[pl.ds(bbase(k), B)], so).wait()

    def step(k, p):
        xb = xbs[p]

        @pl.when(bval(k) < NBT)
        def _():
            pltpu.make_async_copy(
                x_hbm.at[pl.ds(bbase(k), B)], xb, sxs[p]).wait()
            pltpu.make_async_copy(coef_hbm.at[ixs[p]], cb, sc).wait()

            @pl.when(k >= 1)
            def _():
                wait_out(k - 1)

            def row_body(r, rc):
                for c in range(D // 16):
                    v = xb[r, pl.ds(c * 16, 16)] * cb[r, pl.ds(c * 16, 16)]
                    if c < NSCAL // 16:
                        v = v + cb[r, pl.ds(D + c * 16, 16)]
                    ob[r, pl.ds(c * 16, 16)] = v
                return rc

            lax.fori_loop(0, B, row_body, 0)
            pltpu.async_copy(ob, out_hbm.at[pl.ds(bbase(k), B)], so)

        issue_load(k + 2, p)
        wait_idx_issue_gather(k + 1, 1 - p)

    issue_load(0, 0)
    issue_load(1, 1)
    wait_idx_issue_gather(0, 0)

    def pair_body(kk, c_):
        step(2 * kk, 0)
        step(2 * kk + 1, 1)
        return c_

    lax.fori_loop(0, -(-MAXIT // 2), pair_body, 0)
    wait_out((NBT - 1 - wid) // NW)


@jax.jit
def kernel(input, batch, weight, bias):
    bi = batch.astype(jnp.int32)
    wcol = jnp.concatenate(
        [weight[:32], jnp.repeat(weight[32:64], 3), jnp.repeat(weight[64:], 5)]
    ).reshape(1, D)
    bb = bias.reshape(1, NSCAL)
    m = jnp.asarray(_M_CONST)

    stats = _sc_stats(input, bi)

    coef = pl.pallas_call(
        _coeff_kernel,
        out_shape=jax.ShapeDtypeStruct((GP, 256), jnp.float32),
    )(stats.reshape(NW * GP, TW), m, wcol, bb)

    return _sc_apply(input, bi, coef)

# --- scband reference (transcript-rebuilt; emitter-appended) ---
"""Pipeline reference for scband-instance-norm-25340307046985 (READ-ONLY COPY).

The authoritative reference and input builder live on the scoring server;
editing this copy changes nothing except your own understanding.
"""

import jax, jax.numpy as jnp
import numpy as np

N = 100000
G = 512
IRREPS = [(32, 0), (32, 1), (16, 2)]  # (mul, l); dim per irrep = 2l+1 -> total 208
EPS = 1e-05


def segment_mean(data, seg, num_segments):
    s = jax.ops.segment_sum(data, seg, num_segments=num_segments)
    cnt = jax.ops.segment_sum(jnp.ones((data.shape[0],), dtype=data.dtype), seg, num_segments=num_segments)
    cnt = jnp.maximum(cnt, 1.0)
    return s / cnt.reshape((-1,) + (1,) * (data.ndim - 1))


def setup_inputs(seed: int = 0) -> dict:
    key = jax.random.key(seed)
    k1, k2 = jax.random.split(key)
    dim = sum(mul * (2 * l + 1) for mul, l in IRREPS)
    inp = jax.random.normal(k1, (N, dim), dtype=jnp.float32)
    batch = jnp.sort(jax.random.randint(k2, (N,), 0, G).astype(jnp.int64))
    num_features = sum(mul for mul, l in IRREPS)  # 80
    num_scalar = sum(mul for mul, l in IRREPS if l == 0)  # 32
    weight = jnp.ones((num_features,), dtype=jnp.float32)
    bias = jnp.zeros((num_scalar,), dtype=jnp.float32)
    return {"input": inp, "batch": batch, "weight": weight, "bias": bias}


def reference(input, batch, weight, bias):
    fields = []
    ix = 0
    iw = 0
    ib = 0
    for mul, l in IRREPS:
        d = 2 * l + 1
        field = input[:, ix:ix + mul * d]
        ix += mul * d
        field = field.reshape(-1, mul, d)
        if l == 0:
            # mean-center scalar channels per graph
            fm = segment_mean(field[:, :, 0], batch, G)  # (G, mul)
            field = field - fm[batch][:, :, None]
        # normalization == 'component'
        field_norm = jnp.mean(field ** 2, axis=-1)  # (N, mul)
        # reduce == 'mean'
        field_norm = segment_mean(field_norm, batch, G)  # (G, mul)
        field_norm = (field_norm + EPS) ** -0.5
        # affine scale
        w = weight[None, iw:iw + mul]
        iw += mul
        field_norm = field_norm * w
        field = field * field_norm[batch].reshape(-1, mul, 1)
        if d == 1:
            b = bias[ib:ib + mul]
            ib += mul
            field = field + b.reshape(mul, 1)
        fields.append(field.reshape(-1, mul * d))
    output = jnp.concatenate(fields, axis=-1)
    return output

if __name__ == "__main__":
    import jax
    _d = setup_inputs()
    print(jax.jit(kernel)(*tuple(_d.values())))

</pallas_src>

<mosaic_0001>
#map = affine_map<(d0, d1) -> (0, 0)>
#map1 = affine_map<(d0, d1) -> (0)>
module attributes {stable_mosaic.version = 14 : i64} {
  func.func @_sc_apply(%arg0: i32, %arg1: i32, %arg2: memref<100000x208xf32, #tpu.memory_space<hbm>>, %arg3: memref<100000xi32, #tpu.memory_space<hbm>>, %arg4: memref<512x256xf32, #tpu.memory_space<hbm>>, %arg5: memref<100000x208xf32, #tpu.memory_space<hbm>>, %arg6: memref<120x208xf32, #tpu.memory_space<vmem>>, %arg7: memref<120x208xf32, #tpu.memory_space<vmem>>, %arg8: memref<120x256xf32, #tpu.memory_space<vmem>>, %arg9: memref<120x208xf32, #tpu.memory_space<vmem>>, %arg10: memref<120xi32, #tpu.memory_space<vmem>>, %arg11: memref<120xi32, #tpu.memory_space<vmem>>, %arg12: memref<!tpu.dma_semaphore, #tpu.memory_space<semaphore_mem>>, %arg13: memref<!tpu.dma_semaphore, #tpu.memory_space<semaphore_mem>>, %arg14: memref<!tpu.dma_semaphore, #tpu.memory_space<semaphore_mem>>, %arg15: memref<!tpu.dma_semaphore, #tpu.memory_space<semaphore_mem>>, %arg16: memref<!tpu.dma_semaphore, #tpu.memory_space<semaphore_mem>>, %arg17: memref<!tpu.dma_semaphore, #tpu.memory_space<semaphore_mem>>) attributes {dimension_semantics = [#tpu.dimension_semantics<core_parallel>, #tpu.dimension_semantics<subcore_parallel>], iteration_bounds = array<i64: 2, 16>, scalar_prefetch = 0 : i64, scratch_operands = 12 : i64, tpu.core_type = #tpu.core_type<sc_vector_subcore>, window_params = [{transform_indices = #map}, {transform_indices = #map1}, {transform_indices = #map}, {transform_indices = #map}]} {
    %mul3A = arith.constant 2 : i32
    %mul3A_0 = arith.muli %arg1, %mul3A : i32
    %add3A = arith.addi %mul3A_0, %arg0 : i32
    %add3A_1 = arith.constant 0 : i32
    %add3A_2 = arith.addi %add3A, %add3A_1 : i32
    %lt3A = arith.constant 834 : i32
    %lt3A_3 = arith.cmpi slt, %add3A_2, %lt3A : i32
    %convert_element_type3A = arith.extui %lt3A_3 : i1 to i32
    %cond3A = arith.constant 0 : i32
    %cond3A_4 = arith.cmpi ne, %convert_element_type3A, %cond3A : i32
    scf.if %cond3A_4 {
      %add3A_56 = arith.constant 0 : i32
      %add3A_57 = arith.addi %add3A, %add3A_56 : i32
      %eq3A_58 = arith.constant 833 : i32
      %eq3A_59 = arith.cmpi eq, %add3A_57, %eq3A_58 : i32
      %add3A_60 = arith.constant 0 : i32
      %add3A_61 = arith.addi %add3A, %add3A_60 : i32
      %mul3A_62 = arith.constant 120 : i32
      %mul3A_63 = arith.muli %add3A_61, %mul3A_62 : i32
      %jit3A_64 = arith.constant 99880 : i32
      %select_n3A_65 = arith.select %eq3A_59, %jit3A_64, %mul3A_63 : i32
      %dma_start3A = arith.constant 0 : i32
      %dma_start3A_66 = tpu.memref_slice %arg2[%select_n3A_65, %dma_start3A] : memref<100000x208xf32, #tpu.memory_space<hbm>> -> memref<120x208xf32, #tpu.memory_space<hbm>>
      %dma_start3A_67 = arith.constant 0 : i32
      %dma_start3A_68 = tpu.memref_slice %arg2[%select_n3A_65, %dma_start3A_67] : memref<100000x208xf32, #tpu.memory_space<hbm>> -> memref<120x208xf32, #tpu.memory_space<hbm>>
      tpu.enqueue_dma source(%dma_start3A_68 : memref<120x208xf32, #tpu.memory_space<hbm>>) target(%arg6 : memref<120x208xf32, #tpu.memory_space<vmem>>) target_semaphore(%arg12 : memref<!tpu.dma_semaphore, #tpu.memory_space<semaphore_mem>>)
      %add3A_69 = arith.constant 0 : i32
      %add3A_70 = arith.addi %add3A, %add3A_69 : i32
      %eq3A_71 = arith.constant 833 : i32
      %eq3A_72 = arith.cmpi eq, %add3A_70, %eq3A_71 : i32
      %add3A_73 = arith.constant 0 : i32
      %add3A_74 = arith.addi %add3A, %add3A_73 : i32
      %mul3A_75 = arith.constant 120 : i32
      %mul3A_76 = arith.muli %add3A_74, %mul3A_75 : i32
      %jit3A_77 = arith.constant 99880 : i32
      %select_n3A_78 = arith.select %eq3A_72, %jit3A_77, %mul3A_76 : i32
      %dma_start3A_79 = tpu.memref_slice %arg3[%select_n3A_78] : memref<100000xi32, #tpu.memory_space<hbm>> -> memref<120xi32, #tpu.memory_space<hbm>>
      %dma_start3A_80 = tpu.memref_slice %arg3[%select_n3A_78] : memref<100000xi32, #tpu.memory_space<hbm>> -> memref<120xi32, #tpu.memory_space<hbm>>
      tpu.enqueue_dma source(%dma_start3A_80 : memref<120xi32, #tpu.memory_space<hbm>>) target(%arg10 : memref<120xi32, #tpu.memory_space<vmem>>) target_semaphore(%arg14 : memref<!tpu.dma_semaphore, #tpu.memory_space<semaphore_mem>>)
    } else {
    }
    %add3A_5 = arith.constant 32 : i32
    %add3A_6 = arith.addi %add3A, %add3A_5 : i32
    %lt3A_7 = arith.constant 834 : i32
    %lt3A_8 = arith.cmpi slt, %add3A_6, %lt3A_7 : i32
    %convert_element_type3A_9 = arith.extui %lt3A_8 : i1 to i32
    %cond3A_10 = arith.constant 0 : i32
    %cond3A_11 = arith.cmpi ne, %convert_element_type3A_9, %cond3A_10 : i32
    scf.if %cond3A_11 {
      %add3A_56 = arith.constant 32 : i32
      %add3A_57 = arith.addi %add3A, %add3A_56 : i32
      %eq3A_58 = arith.constant 833 : i32
      %eq3A_59 = arith.cmpi eq, %add3A_57, %eq3A_58 : i32
      %add3A_60 = arith.constant 32 : i32
      %add3A_61 = arith.addi %add3A, %add3A_60 : i32
      %mul3A_62 = arith.constant 120 : i32
      %mul3A_63 = arith.muli %add3A_61, %mul3A_62 : i32
      %jit3A_64 = arith.constant 99880 : i32
      %select_n3A_65 = arith.select %eq3A_59, %jit3A_64, %mul3A_63 : i32
      %dma_start3A = arith.constant 0 : i32
      %dma_start3A_66 = tpu.memref_slice %arg2[%select_n3A_65, %dma_start3A] : memref<100000x208xf32, #tpu.memory_space<hbm>> -> memref<120x208xf32, #tpu.memory_space<hbm>>
      %dma_start3A_67 = arith.constant 0 : i32
      %dma_start3A_68 = tpu.memref_slice %arg2[%select_n3A_65, %dma_start3A_67] : memref<100000x208xf32, #tpu.memory_space<hbm>> -> memref<120x208xf32, #tpu.memory_space<hbm>>
      tpu.enqueue_dma source(%dma_start3A_68 : memref<120x208xf32, #tpu.memory_space<hbm>>) target(%arg7 : memref<120x208xf32, #tpu.memory_space<vmem>>) target_semaphore(%arg13 : memref<!tpu.dma_semaphore, #tpu.memory_space<semaphore_mem>>)
      %add3A_69 = arith.constant 32 : i32
      %add3A_70 = arith.addi %add3A, %add3A_69 : i32
      %eq3A_71 = arith.constant 833 : i32
      %eq3A_72 = arith.cmpi eq, %add3A_70, %eq3A_71 : i32
      %add3A_73 = arith.constant 32 : i32
      %add3A_74 = arith.addi %add3A, %add3A_73 : i32
      %mul3A_75 = arith.constant 120 : i32
      %mul3A_76 = arith.muli %add3A_74, %mul3A_75 : i32
      %jit3A_77 = arith.constant 99880 : i32
      %select_n3A_78 = arith.select %eq3A_72, %jit3A_77, %mul3A_76 : i32
      %dma_start3A_79 = tpu.memref_slice %arg3[%select_n3A_78] : memref<100000xi32, #tpu.memory_space<hbm>> -> memref<120xi32, #tpu.memory_space<hbm>>
      %dma_start3A_80 = tpu.memref_slice %arg3[%select_n3A_78] : memref<100000xi32, #tpu.memory_space<hbm>> -> memref<120xi32, #tpu.memory_space<hbm>>
      tpu.enqueue_dma source(%dma_start3A_80 : memref<120xi32, #tpu.memory_space<hbm>>) target(%arg11 : memref<120xi32, #tpu.memory_space<vmem>>) target_semaphore(%arg15 : memref<!tpu.dma_semaphore, #tpu.memory_space<semaphore_mem>>)
    } else {
    }
    %add3A_12 = arith.constant 0 : i32
    %add3A_13 = arith.addi %add3A, %add3A_12 : i32
    %lt3A_14 = arith.constant 834 : i32
    %lt3A_15 = arith.cmpi slt, %add3A_13, %lt3A_14 : i32
    %convert_element_type3A_16 = arith.extui %lt3A_15 : i1 to i32
    %cond3A_17 = arith.constant 0 : i32
    %cond3A_18 = arith.cmpi ne, %convert_element_type3A_16, %cond3A_17 : i32
    scf.if %cond3A_18 {
      %add3A_56 = arith.constant 0 : i32
      %add3A_57 = arith.addi %add3A, %add3A_56 : i32
      %eq3A_58 = arith.constant 833 : i32
      %eq3A_59 = arith.cmpi eq, %add3A_57, %eq3A_58 : i32
      %add3A_60 = arith.constant 0 : i32
      %add3A_61 = arith.addi %add3A, %add3A_60 : i32
      %mul3A_62 = arith.constant 120 : i32
      %mul3A_63 = arith.muli %add3A_61, %mul3A_62 : i32
      %jit3A_64 = arith.constant 99880 : i32
      %select_n3A_65 = arith.select %eq3A_59, %jit3A_64, %mul3A_63 : i32
      %dma_wait3A_66 = tpu.memref_slice %arg3[%select_n3A_65] : memref<100000xi32, #tpu.memory_space<hbm>> -> memref<120xi32, #tpu.memory_space<hbm>>
      %dma_wait3A_67 = tpu.memref_slice %arg3[%select_n3A_65] : memref<100000xi32, #tpu.memory_space<hbm>> -> memref<120xi32, #tpu.memory_space<hbm>>
      tpu.wait_dma2 semaphore(%arg14 : memref<!tpu.dma_semaphore, #tpu.memory_space<semaphore_mem>>) src(%dma_wait3A_67 : memref<120xi32, #tpu.memory_space<hbm>>) dst(%arg10 : memref<120xi32, #tpu.memory_space<vmem>>)
      %dma_start3A = arith.constant 0 : i32
      %dma_start3A_68 = arith.constant 0 : i32
      %dma_start3A_69 = tpu.memref_slice %arg4[%dma_start3A, %dma_start3A_68] : memref<512x256xf32, #tpu.memory_space<hbm>> -> memref<512x256xf32, #tpu.memory_space<hbm>>
      tpu.enqueue_indirect_dma source(%dma_start3A_69 : memref<512x256xf32, #tpu.memory_space<hbm>>) target(%arg8 : memref<120x256xf32, #tpu.memory_space<vmem>>) offsets(%arg10 : memref<120xi32, #tpu.memory_space<vmem>>) semaphore(%arg16 : memref<!tpu.dma_semaphore, #tpu.memory_space<semaphore_mem>>)
    } else {
    }
    %scan3A = arith.constant 0 : i32
    %scan3A_19 = arith.constant 0 : i32
    %scan3A_20 = arith.constant 14 : i32
    %scan3A_21 = arith.addi %scan3A_19, %scan3A_20 : i32
    %scan3A_22 = arith.constant 1 : i32
    scf.for %scan3A_56 = %scan3A_19 to %scan3A_21 step %scan3A_22  : i32 {
      %mul3A_57 = arith.constant 2 : i32
      %mul3A_58 = arith.muli %mul3A_57, %scan3A_56 : i32
      %mul3A_59 = arith.constant 32 : i32
      %mul3A_60 = arith.muli %mul3A_58, %mul3A_59 : i32
      %add3A_61 = arith.addi %add3A, %mul3A_60 : i32
      %lt3A_62 = arith.constant 834 : i32
      %lt3A_63 = arith.cmpi slt, %add3A_61, %lt3A_62 : i32
      %convert_element_type3A_64 = arith.extui %lt3A_63 : i1 to i32
      %cond3A_65 = arith.constant 0 : i32
      %cond3A_66 = arith.cmpi ne, %convert_element_type3A_64, %cond3A_65 : i32
      scf.if %cond3A_66 {
        %mul3A_119 = arith.constant 32 : i32
        %mul3A_120 = arith.muli %mul3A_58, %mul3A_119 : i32
        %add3A_121 = arith.addi %add3A, %mul3A_120 : i32
        %eq3A_122 = arith.constant 833 : i32
        %eq3A_123 = arith.cmpi eq, %add3A_121, %eq3A_122 : i32
        %mul3A_124 = arith.constant 32 : i32
        %mul3A_125 = arith.muli %mul3A_58, %mul3A_124 : i32
        %add3A_126 = arith.addi %add3A, %mul3A_125 : i32
        %mul3A_127 = arith.constant 120 : i32
        %mul3A_128 = arith.muli %add3A_126, %mul3A_127 : i32
        %jit3A_129 = arith.constant 99880 : i32
        %select_n3A_130 = arith.select %eq3A_123, %jit3A_129, %mul3A_128 : i32
        %dma_wait3A_131 = arith.constant 0 : i32
        %dma_wait3A_132 = tpu.memref_slice %arg2[%select_n3A_130, %dma_wait3A_131] : memref<100000x208xf32, #tpu.memory_space<hbm>> -> memref<120x208xf32, #tpu.memory_space<hbm>>
        %dma_wait3A_133 = arith.constant 0 : i32
        %dma_wait3A_134 = tpu.memref_slice %arg2[%select_n3A_130, %dma_wait3A_133] : memref<100000x208xf32, #tpu.memory_space<hbm>> -> memref<120x208xf32, #tpu.memory_space<hbm>>
        tpu.wait_dma2 semaphore(%arg12 : memref<!tpu.dma_semaphore, #tpu.memory_space<semaphore_mem>>) src(%dma_wait3A_134 : memref<120x208xf32, #tpu.memory_space<hbm>>) dst(%arg6 : memref<120x208xf32, #tpu.memory_space<vmem>>)
        %dma_wait3A_135 = arith.constant 0 : i32
        %dma_wait3A_136 = arith.constant 0 : i32
        %dma_wait3A_137 = tpu.memref_slice %arg4[%dma_wait3A_135, %dma_wait3A_136] : memref<512x256xf32, #tpu.memory_space<hbm>> -> memref<512x256xf32, #tpu.memory_space<hbm>>
        tpu.wait_indirect_dma semaphore(%arg16 : memref<!tpu.dma_semaphore, #tpu.memory_space<semaphore_mem>>) src(%dma_wait3A_137 : memref<512x256xf32, #tpu.memory_space<hbm>>) dst(%arg8 : memref<120x256xf32, #tpu.memory_space<vmem>>)
        %ge3A = arith.constant 1 : i32
        %ge3A_138 = arith.cmpi sge, %mul3A_58, %ge3A : i32
        %convert_element_type3A_139 = arith.extui %ge3A_138 : i1 to i32
        %cond3A_140 = arith.constant 0 : i32
        %cond3A_141 = arith.cmpi ne, %convert_element_type3A_139, %cond3A_140 : i32
        scf.if %cond3A_141 {
          %sub3A_163 = arith.constant 1 : i32
          %sub3A_164 = arith.subi %mul3A_58, %sub3A_163 : i32
          %mul3A_165 = arith.constant 32 : i32
          %mul3A_166 = arith.muli %sub3A_164, %mul3A_165 : i32
          %add3A_167 = arith.addi %add3A, %mul3A_166 : i32
          %eq3A_168 = arith.constant 833 : i32
          %eq3A_169 = arith.cmpi eq, %add3A_167, %eq3A_168 : i32
          %mul3A_170 = arith.constant 32 : i32
          %mul3A_171 = arith.muli %sub3A_164, %mul3A_170 : i32
          %add3A_172 = arith.addi %add3A, %mul3A_171 : i32
          %mul3A_173 = arith.constant 120 : i32
          %mul3A_174 = arith.muli %add3A_172, %mul3A_173 : i32
          %jit3A_175 = arith.constant 99880 : i32
          %select_n3A_176 = arith.select %eq3A_169, %jit3A_175, %mul3A_174 : i32
          %dma_wait3A_177 = arith.constant 0 : i32
          %dma_wait3A_178 = tpu.memref_slice %arg5[%select_n3A_176, %dma_wait3A_177] : memref<100000x208xf32, #tpu.memory_space<hbm>> -> memref<120x208xf32, #tpu.memory_space<hbm>>
          %dma_wait3A_179 = arith.constant 0 : i32
          %dma_wait3A_180 = tpu.memref_slice %arg5[%select_n3A_176, %dma_wait3A_179] : memref<100000x208xf32, #tpu.memory_space<hbm>> -> memref<120x208xf32, #tpu.memory_space<hbm>>
          tpu.wait_dma2 semaphore(%arg17 : memref<!tpu.dma_semaphore, #tpu.memory_space<semaphore_mem>>) src(%arg9 : memref<120x208xf32, #tpu.memory_space<vmem>>) dst(%dma_wait3A_180 : memref<120x208xf32, #tpu.memory_space<hbm>>)
        } else {
        }
        %scan3A_142 = arith.constant 0 : i32
        %scan3A_143 = arith.constant 0 : i32
        %scan3A_144 = arith.constant 120 : i32
        %scan3A_145 = arith.addi %scan3A_143, %scan3A_144 : i32
        %scan3A_146 = arith.constant 1 : i32
        scf.for %scan3A_163 = %scan3A_143 to %scan3A_145 step %scan3A_146  : i32 {
          %get3A = arith.index_cast %scan3A_163 : i32 to index
          %get3A_164 = arith.constant 0 : index
          %get3A_165 = tpu.vector_load %arg6[%get3A, %get3A_164] {strides = array<i32>} : memref<120x208xf32, #tpu.memory_space<vmem>>, vector<16xf32>,
          %get3A_166 = arith.index_cast %scan3A_163 : i32 to index
          %get3A_167 = arith.constant 0 : index
          %get3A_168 = tpu.vector_load %arg8[%get3A_166, %get3A_167] {strides = array<i32>} : memref<120x256xf32, #tpu.memory_space<vmem>>, vector<16xf32>,
          %mul3A_169 = arith.mulf %get3A_165, %get3A_168 : vector<16xf32>
          %get3A_170 = arith.index_cast %scan3A_163 : i32 to index
          %get3A_171 = arith.constant 208 : index
          %get3A_172 = tpu.vector_load %arg8[%get3A_170, %get3A_171] {strides = array<i32>} : memref<120x256xf32, #tpu.memory_space<vmem>>, vector<16xf32>,
          %add3A_173 = arith.addf %mul3A_169, %get3A_172 : vector<16xf32>
          %swap3A = arith.index_cast %scan3A_163 : i32 to index
          %swap3A_174 = arith.constant 0 : index
          %swap3A_175 = tpu.vector_load %arg9[%swap3A, %swap3A_174] {strides = array<i32>} : memref<120x208xf32, #tpu.memory_space<vmem>>, vector<16xf32>,
          tpu.vector_store %arg9[%swap3A, %swap3A_174], %add3A_173 {strides = array<i32>} : memref<120x208xf32, #tpu.memory_space<vmem>>, vector<16xf32>,
          %get3A_176 = arith.index_cast %scan3A_163 : i32 to index
          %get3A_177 = arith.constant 16 : index
          %get3A_178 = tpu.vector_load %arg6[%get3A_176, %get3A_177] {strides = array<i32>} : memref<120x208xf32, #tpu.memory_space<vmem>>, vector<16xf32>,
          %get3A_179 = arith.index_cast %scan3A_163 : i32 to index
          %get3A_180 = arith.constant 16 : index
          %get3A_181 = tpu.vector_load %arg8[%get3A_179, %get3A_180] {strides = array<i32>} : memref<120x256xf32, #tpu.memory_space<vmem>>, vector<16xf32>,
          %mul3A_182 = arith.mulf %get3A_178, %get3A_181 : vector<16xf32>
          %get3A_183 = arith.index_cast %scan3A_163 : i32 to index
          %get3A_184 = arith.constant 224 : index
          %get3A_185 = tpu.vector_load %arg8[%get3A_183, %get3A_184] {strides = array<i32>} : memref<120x256xf32, #tpu.memory_space<vmem>>, vector<16xf32>,
          %add3A_186 = arith.addf %mul3A_182, %get3A_185 : vector<16xf32>
          %swap3A_187 = arith.index_cast %scan3A_163 : i32 to index
          %swap3A_188 = arith.constant 16 : index
          %swap3A_189 = tpu.vector_load %arg9[%swap3A_187, %swap3A_188] {strides = array<i32>} : memref<120x208xf32, #tpu.memory_space<vmem>>, vector<16xf32>,
          tpu.vector_store %arg9[%swap3A_187, %swap3A_188], %add3A_186 {strides = array<i32>} : memref<120x208xf32, #tpu.memory_space<vmem>>, vector<16xf32>,
          %get3A_190 = arith.index_cast %scan3A_163 : i32 to index
          %get3A_191 = arith.constant 32 : index
          %get3A_192 = tpu.vector_load %arg6[%get3A_190, %get3A_191] {strides = array<i32>} : memref<120x208xf32, #tpu.memory_space<vmem>>, vector<16xf32>,
          %get3A_193 = arith.index_cast %scan3A_163 : i32 to index
          %get3A_194 = arith.constant 32 : index
          %get3A_195 = tpu.vector_load %arg8[%get3A_193, %get3A_194] {strides = array<i32>} : memref<120x256xf32, #tpu.memory_space<vmem>>, vector<16xf32>,
          %mul3A_196 = arith.mulf %get3A_192, %get3A_195 : vector<16xf32>
          %swap3A_197 = arith.index_cast %scan3A_163 : i32 to index
          %swap3A_198 = arith.constant 32 : index
          %swap3A_199 = tpu.vector_load %arg9[%swap3A_197, %swap3A_198] {strides = array<i32>} : memref<120x208xf32, #tpu.memory_space<vmem>>, vector<16xf32>,
          tpu.vector_store %arg9[%swap3A_197, %swap3A_198], %mul3A_196 {strides = array<i32>} : memref<120x208xf32, #tpu.memory_space<vmem>>, vector<16xf32>,
          %get3A_200 = arith.index_cast %scan3A_163 : i32 to index
          %get3A_201 = arith.constant 48 : index
          %get3A_202 = tpu.vector_load %arg6[%get3A_200, %get3A_201] {strides = array<i32>} : memref<120x208xf32, #tpu.memory_space<vmem>>, vector<16xf32>,
          %get3A_203 = arith.index_cast %scan3A_163 : i32 to index
          %get3A_204 = arith.constant 48 : index
          %get3A_205 = tpu.vector_load %arg8[%get3A_203, %get3A_204] {strides = array<i32>} : memref<120x256xf32, #tpu.memory_space<vmem>>, vector<16xf32>,
          %mul3A_206 = arith.mulf %get3A_202, %get3A_205 : vector<16xf32>
          %swap3A_207 = arith.index_cast %scan3A_163 : i32 to index
          %swap3A_208 = arith.constant 48 : index
          %swap3A_209 = tpu.vector_load %arg9[%swap3A_207, %swap3A_208] {strides = array<i32>} : memref<120x208xf32, #tpu.memory_space<vmem>>, vector<16xf32>,
          tpu.vector_store %arg9[%swap3A_207, %swap3A_208], %mul3A_206 {strides = array<i32>} : memref<120x208xf32, #tpu.memory_space<vmem>>, vector<16xf32>,
          %get3A_210 = arith.index_cast %scan3A_163 : i32 to index
          %get3A_211 = arith.constant 64 : index
          %get3A_212 = tpu.vector_load %arg6[%get3A_210, %get3A_211] {strides = array<i32>} : memref<120x208xf32, #tpu.memory_space<vmem>>, vector<16xf32>,
          %get3A_213 = arith.index_cast %scan3A_163 : i32 to index
          %get3A_214 = arith.constant 64 : index
          %get3A_215 = tpu.vector_load %arg8[%get3A_213, %get3A_214] {strides = array<i32>} : memref<120x256xf32, #tpu.memory_space<vmem>>, vector<16xf32>,
          %mul3A_216 = arith.mulf %get3A_212, %get3A_215 : vector<16xf32>
          %swap3A_217 = arith.index_cast %scan3A_163 : i32 to index
          %swap3A_218 = arith.constant 64 : index
          %swap3A_219 = tpu.vector_load %arg9[%swap3A_217, %swap3A_218] {strides = array<i32>} : memref<120x208xf32, #tpu.memory_space<vmem>>, vector<16xf32>,
          tpu.vector_store %arg9[%swap3A_217, %swap3A_218], %mul3A_216 {strides = array<i32>} : memref<120x208xf32, #tpu.memory_space<vmem>>, vector<16xf32>,
          %get3A_220 = arith.index_cast %scan3A_163 : i32 to index
          %get3A_221 = arith.constant 80 : index
          %get3A_222 = tpu.vector_load %arg6[%get3A_220, %get3A_221] {strides = array<i32>} : memref<120x208xf32, #tpu.memory_space<vmem>>, vector<16xf32>,
          %get3A_223 = arith.index_cast %scan3A_163 : i32 to index
          %get3A_224 = arith.constant 80 : index
          %get3A_225 = tpu.vector_load %arg8[%get3A_223, %get3A_224] {strides = array<i32>} : memref<120x256xf32, #tpu.memory_space<vmem>>, vector<16xf32>,
          %mul3A_226 = arith.mulf %get3A_222, %get3A_225 : vector<16xf32>
          %swap3A_227 = arith.index_cast %scan3A_163 : i32 to index
          %swap3A_228 = arith.constant 80 : index
          %swap3A_229 = tpu.vector_load %arg9[%swap3A_227, %swap3A_228] {strides = array<i32>} : memref<120x208xf32, #tpu.memory_space<vmem>>, vector<16xf32>,
          tpu.vector_store %arg9[%swap3A_227, %swap3A_228], %mul3A_226 {strides = array<i32>} : memref<120x208xf32, #tpu.memory_space<vmem>>, vector<16xf32>,
          %get3A_230 = arith.index_cast %scan3A_163 : i32 to index
          %get3A_231 = arith.constant 96 : index
          %get3A_232 = tpu.vector_load %arg6[%get3A_230, %get3A_231] {strides = array<i32>} : memref<120x208xf32, #tpu.memory_space<vmem>>, vector<16xf32>,
          %get3A_233 = arith.index_cast %scan3A_163 : i32 to index
          %get3A_234 = arith.constant 96 : index
          %get3A_235 = tpu.vector_load %arg8[%get3A_233, %get3A_234] {strides = array<i32>} : memref<120x256xf32, #tpu.memory_space<vmem>>, vector<16xf32>,
          %mul3A_236 = arith.mulf %get3A_232, %get3A_235 : vector<16xf32>
          %swap3A_237 = arith.index_cast %scan3A_163 : i32 to index
          %swap3A_238 = arith.constant 96 : index
          %swap3A_239 = tpu.vector_load %arg9[%swap3A_237, %swap3A_238] {strides = array<i32>} : memref<120x208xf32, #tpu.memory_space<vmem>>, vector<16xf32>,
          tpu.vector_store %arg9[%swap3A_237, %swap3A_238], %mul3A_236 {strides = array<i32>} : memref<120x208xf32, #tpu.memory_space<vmem>>, vector<16xf32>,
          %get3A_240 = arith.index_cast %scan3A_163 : i32 to index
          %get3A_241 = arith.constant 112 : index
          %get3A_242 = tpu.vector_load %arg6[%get3A_240, %get3A_241] {strides = array<i32>} : memref<120x208xf32, #tpu.memory_space<vmem>>, vector<16xf32>,
          %get3A_243 = arith.index_cast %scan3A_163 : i32 to index
          %get3A_244 = arith.constant 112 : index
          %get3A_245 = tpu.vector_load %arg8[%get3A_243, %get3A_244] {strides = array<i32>} : memref<120x256xf32, #tpu.memory_space<vmem>>, vector<16xf32>,
          %mul3A_246 = arith.mulf %get3A_242, %get3A_245 : vector<16xf32>
          %swap3A_247 = arith.index_cast %scan3A_163 : i32 to index
          %swap3A_248 = arith.constant 112 : index
          %swap3A_249 = tpu.vector_load %arg9[%swap3A_247, %swap3A_248] {strides = array<i32>} : memref<120x208xf32, #tpu.memory_space<vmem>>, vector<16xf32>,
          tpu.vector_store %arg9[%swap3A_247, %swap3A_248], %mul3A_246 {strides = array<i32>} : memref<120x208xf32, #tpu.memory_space<vmem>>, vector<16xf32>,
          %get3A_250 = arith.index_cast %scan3A_163 : i32 to index
          %get3A_251 = arith.constant 128 : index
          %get3A_252 = tpu.vector_load %arg6[%get3A_250, %get3A_251] {strides = array<i32>} : memref<120x208xf32, #tpu.memory_space<vmem>>, vector<16xf32>,
          %get3A_253 = arith.index_cast %scan3A_163 : i32 to index
          %get3A_254 = arith.constant 128 : index
          %get3A_255 = tpu.vector_load %arg8[%get3A_253, %get3A_254] {strides = array<i32>} : memref<120x256xf32, #tpu.memory_space<vmem>>, vector<16xf32>,
          %mul3A_256 = arith.mulf %get3A_252, %get3A_255 : vector<16xf32>
          %swap3A_257 = arith.index_cast %scan3A_163 : i32 to index
          %swap3A_258 = arith.constant 128 : index
          %swap3A_259 = tpu.vector_load %arg9[%swap3A_257, %swap3A_258] {strides = array<i32>} : memref<120x208xf32, #tpu.memory_space<vmem>>, vector<16xf32>,
          tpu.vector_store %arg9[%swap3A_257, %swap3A_258], %mul3A_256 {strides = array<i32>} : memref<120x208xf32, #tpu.memory_space<vmem>>, vector<16xf32>,
          %get3A_260 = arith.index_cast %scan3A_163 : i32 to index
          %get3A_261 = arith.constant 144 : index
          %get3A_262 = tpu.vector_load %arg6[%get3A_260, %get3A_261] {strides = array<i32>} : memref<120x208xf32, #tpu.memory_space<vmem>>, vector<16xf32>,
          %get3A_263 = arith.index_cast %scan3A_163 : i32 to index
          %get3A_264 = arith.constant 144 : index
          %get3A_265 = tpu.vector_load %arg8[%get3A_263, %get3A_264] {strides = array<i32>} : memref<120x256xf32, #tpu.memory_space<vmem>>, vector<16xf32>,
          %mul3A_266 = arith.mulf %get3A_262, %get3A_265 : vector<16xf32>
          %swap3A_267 = arith.index_cast %scan3A_163 : i32 to index
          %swap3A_268 = arith.constant 144 : index
          %swap3A_269 = tpu.vector_load %arg9[%swap3A_267, %swap3A_268] {strides = array<i32>} : memref<120x208xf32, #tpu.memory_space<vmem>>, vector<16xf32>,
          tpu.vector_store %arg9[%swap3A_267, %swap3A_268], %mul3A_266 {strides = array<i32>} : memref<120x208xf32, #tpu.memory_space<vmem>>, vector<16xf32>,
          %get3A_270 = arith.index_cast %scan3A_163 : i32 to index
          %get3A_271 = arith.constant 160 : index
          %get3A_272 = tpu.vector_load %arg6[%get3A_270, %get3A_271] {strides = array<i32>} : memref<120x208xf32, #tpu.memory_space<vmem>>, vector<16xf32>,
          %get3A_273 = arith.index_cast %scan3A_163 : i32 to index
          %get3A_274 = arith.constant 160 : index
          %get3A_275 = tpu.vector_load %arg8[%get3A_273, %get3A_274] {strides = array<i32>} : memref<120x256xf32, #tpu.memory_space<vmem>>, vector<16xf32>,
          %mul3A_276 = arith.mulf %get3A_272, %get3A_275 : vector<16xf32>
          %swap3A_277 = arith.index_cast %scan3A_163 : i32 to index
          %swap3A_278 = arith.constant 160 : index
          %swap3A_279 = tpu.vector_load %arg9[%swap3A_277, %swap3A_278] {strides = array<i32>} : memref<120x208xf32, #tpu.memory_space<vmem>>, vector<16xf32>,
          tpu.vector_store %arg9[%swap3A_277, %swap3A_278], %mul3A_276 {strides = array<i32>} : memref<120x208xf32, #tpu.memory_space<vmem>>, vector<16xf32>,
          %get3A_280 = arith.index_cast %scan3A_163 : i32 to index
          %get3A_281 = arith.constant 176 : index
          %get3A_282 = tpu.vector_load %arg6[%get3A_280, %get3A_281] {strides = array<i32>} : memref<120x208xf32, #tpu.memory_space<vmem>>, vector<16xf32>,
          %get3A_283 = arith.index_cast %scan3A_163 : i32 to index
          %get3A_284 = arith.constant 176 : index
          %get3A_285 = tpu.vector_load %arg8[%get3A_283, %get3A_284] {strides = array<i32>} : memref<120x256xf32, #tpu.memory_space<vmem>>, vector<16xf32>,
          %mul3A_286 = arith.mulf %get3A_282, %get3A_285 : vector<16xf32>
          %swap3A_287 = arith.index_cast %scan3A_163 : i32 to index
          %swap3A_288 = arith.constant 176 : index
          %swap3A_289 = tpu.vector_load %arg9[%swap3A_287, %swap3A_288] {strides = array<i32>} : memref<120x208xf32, #tpu.memory_space<vmem>>, vector<16xf32>,
          tpu.vector_store %arg9[%swap3A_287, %swap3A_288], %mul3A_286 {strides = array<i32>} : memref<120x208xf32, #tpu.memory_space<vmem>>, vector<16xf32>,
          %get3A_290 = arith.index_cast %scan3A_163 : i32 to index
          %get3A_291 = arith.constant 192 : index
          %get3A_292 = tpu.vector_load %arg6[%get3A_290, %get3A_291] {strides = array<i32>} : memref<120x208xf32, #tpu.memory_space<vmem>>, vector<16xf32>,
          %get3A_293 = arith.index_cast %scan3A_163 : i32 to index
          %get3A_294 = arith.constant 192 : index
          %get3A_295 = tpu.vector_load %arg8[%get3A_293, %get3A_294] {strides = array<i32>} : memref<120x256xf32, #tpu.memory_space<vmem>>, vector<16xf32>,
          %mul3A_296 = arith.mulf %get3A_292, %get3A_295 : vector<16xf32>
          %swap3A_297 = arith.index_cast %scan3A_163 : i32 to index
          %swap3A_298 = arith.constant 192 : index
          %swap3A_299 = tpu.vector_load %arg9[%swap3A_297, %swap3A_298] {strides = array<i32>} : memref<120x208xf32, #tpu.memory_space<vmem>>, vector<16xf32>,
          tpu.vector_store %arg9[%swap3A_297, %swap3A_298], %mul3A_296 {strides = array<i32>} : memref<120x208xf32, #tpu.memory_space<vmem>>, vector<16xf32>,
        }
        %scan3A_147 = arith.constant 120 : i32
        %mul3A_148 = arith.constant 32 : i32
        %mul3A_149 = arith.muli %mul3A_58, %mul3A_148 : i32
        %add3A_150 = arith.addi %add3A, %mul3A_149 : i32
        %eq3A_151 = arith.constant 833 : i32
        %eq3A_152 = arith.cmpi eq, %add3A_150, %eq3A_151 : i32
        %mul3A_153 = arith.constant 32 : i32
        %mul3A_154 = arith.muli %mul3A_58, %mul3A_153 : i32
        %add3A_155 = arith.addi %add3A, %mul3A_154 : i32
        %mul3A_156 = arith.constant 120 : i32
        %mul3A_157 = arith.muli %add3A_155, %mul3A_156 : i32
        %jit3A_158 = arith.constant 99880 : i32
        %select_n3A_159 = arith.select %eq3A_152, %jit3A_158, %mul3A_157 : i32
        %dma_start3A = arith.constant 0 : i32
        %dma_start3A_160 = tpu.memref_slice %arg5[%select_n3A_159, %dma_start3A] : memref<100000x208xf32, #tpu.memory_space<hbm>> -> memref<120x208xf32, #tpu.memory_space<hbm>>
        %dma_start3A_161 = arith.constant 0 : i32
        %dma_start3A_162 = tpu.memref_slice %arg5[%select_n3A_159, %dma_start3A_161] : memref<100000x208xf32, #tpu.memory_space<hbm>> -> memref<120x208xf32, #tpu.memory_space<hbm>>
        tpu.enqueue_dma source(%arg9 : memref<120x208xf32, #tpu.memory_space<vmem>>) target(%dma_start3A_162 : memref<120x208xf32, #tpu.memory_space<hbm>>) target_semaphore(%arg17 : memref<!tpu.dma_semaphore, #tpu.memory_space<semaphore_mem>>)
      } else {
      }
      %add3A_67 = arith.constant 2 : i32
      %add3A_68 = arith.addi %mul3A_58, %add3A_67 : i32
      %mul3A_69 = arith.constant 32 : i32
      %mul3A_70 = arith.muli %add3A_68, %mul3A_69 : i32
      %add3A_71 = arith.addi %add3A, %mul3A_70 : i32
      %lt3A_72 = arith.constant 834 : i32
      %lt3A_73 = arith.cmpi slt, %add3A_71, %lt3A_72 : i32
      %convert_element_type3A_74 = arith.extui %lt3A_73 : i1 to i32
      %cond3A_75 = arith.constant 0 : i32
      %cond3A_76 = arith.cmpi ne, %convert_element_type3A_74, %cond3A_75 : i32
      scf.if %cond3A_76 {
        %mul3A_119 = arith.constant 32 : i32
        %mul3A_120 = arith.muli %add3A_68, %mul3A_119 : i32
        %add3A_121 = arith.addi %add3A, %mul3A_120 : i32
        %eq3A_122 = arith.constant 833 : i32
        %eq3A_123 = arith.cmpi eq, %add3A_121, %eq3A_122 : i32
        %mul3A_124 = arith.constant 32 : i32
        %mul3A_125 = arith.muli %add3A_68, %mul3A_124 : i32
        %add3A_126 = arith.addi %add3A, %mul3A_125 : i32
        %mul3A_127 = arith.constant 120 : i32
        %mul3A_128 = arith.muli %add3A_126, %mul3A_127 : i32
        %jit3A_129 = arith.constant 99880 : i32
        %select_n3A_130 = arith.select %eq3A_123, %jit3A_129, %mul3A_128 : i32
        %dma_start3A = arith.constant 0 : i32
        %dma_start3A_131 = tpu.memref_slice %arg2[%select_n3A_130, %dma_start3A] : memref<100000x208xf32, #tpu.memory_space<hbm>> -> memref<120x208xf32, #tpu.memory_space<hbm>>
        %dma_start3A_132 = arith.constant 0 : i32
        %dma_start3A_133 = tpu.memref_slice %arg2[%select_n3A_130, %dma_start3A_132] : memref<100000x208xf32, #tpu.memory_space<hbm>> -> memref<120x208xf32, #tpu.memory_space<hbm>>
        tpu.enqueue_dma source(%dma_start3A_133 : memref<120x208xf32, #tpu.memory_space<hbm>>) target(%arg6 : memref<120x208xf32, #tpu.memory_space<vmem>>) target_semaphore(%arg12 : memref<!tpu.dma_semaphore, #tpu.memory_space<semaphore_mem>>)
        %mul3A_134 = arith.constant 32 : i32
        %mul3A_135 = arith.muli %add3A_68, %mul3A_134 : i32
        %add3A_136 = arith.addi %add3A, %mul3A_135 : i32
        %eq3A_137 = arith.constant 833 : i32
        %eq3A_138 = arith.cmpi eq, %add3A_136, %eq3A_137 : i32
        %mul3A_139 = arith.constant 32 : i32
        %mul3A_140 = arith.muli %add3A_68, %mul3A_139 : i32
        %add3A_141 = arith.addi %add3A, %mul3A_140 : i32
        %mul3A_142 = arith.constant 120 : i32
        %mul3A_143 = arith.muli %add3A_141, %mul3A_142 : i32
        %jit3A_144 = arith.constant 99880 : i32
        %select_n3A_145 = arith.select %eq3A_138, %jit3A_144, %mul3A_143 : i32
        %dma_start3A_146 = tpu.memref_slice %arg3[%select_n3A_145] : memref<100000xi32, #tpu.memory_space<hbm>> -> memref<120xi32, #tpu.memory_space<hbm>>
        %dma_start3A_147 = tpu.memref_slice %arg3[%select_n3A_145] : memref<100000xi32, #tpu.memory_space<hbm>> -> memref<120xi32, #tpu.memory_space<hbm>>
        tpu.enqueue_dma source(%dma_start3A_147 : memref<120xi32, #tpu.memory_space<hbm>>) target(%arg10 : memref<120xi32, #tpu.memory_space<vmem>>) target_semaphore(%arg14 : memref<!tpu.dma_semaphore, #tpu.memory_space<semaphore_mem>>)
      } else {
      }
      %add3A_77 = arith.constant 1 : i32
      %add3A_78 = arith.addi %mul3A_58, %add3A_77 : i32
      %mul3A_79 = arith.constant 32 : i32
      %mul3A_80 = arith.muli %add3A_78, %mul3A_79 : i32
      %add3A_81 = arith.addi %add3A, %mul3A_80 : i32
      %lt3A_82 = arith.constant 834 : i32
      %lt3A_83 = arith.cmpi slt, %add3A_81, %lt3A_82 : i32
      %convert_element_type3A_84 = arith.extui %lt3A_83 : i1 to i32
      %cond3A_85 = arith.constant 0 : i32
      %cond3A_86 = arith.cmpi ne, %convert_element_type3A_84, %cond3A_85 : i32
      scf.if %cond3A_86 {
        %mul3A_119 = arith.constant 32 : i32
        %mul3A_120 = arith.muli %add3A_78, %mul3A_119 : i32
        %add3A_121 = arith.addi %add3A, %mul3A_120 : i32
        %eq3A_122 = arith.constant 833 : i32
        %eq3A_123 = arith.cmpi eq, %add3A_121, %eq3A_122 : i32
        %mul3A_124 = arith.constant 32 : i32
        %mul3A_125 = arith.muli %add3A_78, %mul3A_124 : i32
        %add3A_126 = arith.addi %add3A, %mul3A_125 : i32
        %mul3A_127 = arith.constant 120 : i32
        %mul3A_128 = arith.muli %add3A_126, %mul3A_127 : i32
        %jit3A_129 = arith.constant 99880 : i32
        %select_n3A_130 = arith.select %eq3A_123, %jit3A_129, %mul3A_128 : i32
        %dma_wait3A_131 = tpu.memref_slice %arg3[%select_n3A_130] : memref<100000xi32, #tpu.memory_space<hbm>> -> memref<120xi32, #tpu.memory_space<hbm>>
        %dma_wait3A_132 = tpu.memref_slice %arg3[%select_n3A_130] : memref<100000xi32, #tpu.memory_space<hbm>> -> memref<120xi32, #tpu.memory_space<hbm>>
        tpu.wait_dma2 semaphore(%arg15 : memref<!tpu.dma_semaphore, #tpu.memory_space<semaphore_mem>>) src(%dma_wait3A_132 : memref<120xi32, #tpu.memory_space<hbm>>) dst(%arg11 : memref<120xi32, #tpu.memory_space<vmem>>)
        %dma_start3A = arith.constant 0 : i32
        %dma_start3A_133 = arith.constant 0 : i32
        %dma_start3A_134 = tpu.memref_slice %arg4[%dma_start3A, %dma_start3A_133] : memref<512x256xf32, #tpu.memory_space<hbm>> -> memref<512x256xf32, #tpu.memory_space<hbm>>
        tpu.enqueue_indirect_dma source(%dma_start3A_134 : memref<512x256xf32, #tpu.memory_space<hbm>>) target(%arg8 : memref<120x256xf32, #tpu.memory_space<vmem>>) offsets(%arg11 : memref<120xi32, #tpu.memory_space<vmem>>) semaphore(%arg16 : memref<!tpu.dma_semaphore, #tpu.memory_space<semaphore_mem>>)
      } else {
      }
      %mul3A_87 = arith.constant 2 : i32
      %mul3A_88 = arith.muli %mul3A_87, %scan3A_56 : i32
      %add3A_89 = arith.constant 1 : i32
      %add3A_90 = arith.addi %mul3A_88, %add3A_89 : i32
      %mul3A_91 = arith.constant 32 : i32
      %mul3A_92 = arith.muli %add3A_90, %mul3A_91 : i32
      %add3A_93 = arith.addi %add3A, %mul3A_92 : i32
      %lt3A_94 = arith.constant 834 : i32
      %lt3A_95 = arith.cmpi slt, %add3A_93, %lt3A_94 : i32
      %convert_element_type3A_96 = arith.extui %lt3A_95 : i1 to i32
      %cond3A_97 = arith.constant 0 : i32
      %cond3A_98 = arith.cmpi ne, %convert_element_type3A_96, %cond3A_97 : i32
      scf.if %cond3A_98 {
        %mul3A_119 = arith.constant 32 : i32
        %mul3A_120 = arith.muli %add3A_90, %mul3A_119 : i32
        %add3A_121 = arith.addi %add3A, %mul3A_120 : i32
        %eq3A_122 = arith.constant 833 : i32
        %eq3A_123 = arith.cmpi eq, %add3A_121, %eq3A_122 : i32
        %mul3A_124 = arith.constant 32 : i32
        %mul3A_125 = arith.muli %add3A_90, %mul3A_124 : i32
        %add3A_126 = arith.addi %add3A, %mul3A_125 : i32
        %mul3A_127 = arith.constant 120 : i32
        %mul3A_128 = arith.muli %add3A_126, %mul3A_127 : i32
        %jit3A_129 = arith.constant 99880 : i32
        %select_n3A_130 = arith.select %eq3A_123, %jit3A_129, %mul3A_128 : i32
        %dma_wait3A_131 = arith.constant 0 : i32
        %dma_wait3A_132 = tpu.memref_slice %arg2[%select_n3A_130, %dma_wait3A_131] : memref<100000x208xf32, #tpu.memory_space<hbm>> -> memref<120x208xf32, #tpu.memory_space<hbm>>
        %dma_wait3A_133 = arith.constant 0 : i32
        %dma_wait3A_134 = tpu.memref_slice %arg2[%select_n3A_130, %dma_wait3A_133] : memref<100000x208xf32, #tpu.memory_space<hbm>> -> memref<120x208xf32, #tpu.memory_space<hbm>>
        tpu.wait_dma2 semaphore(%arg13 : memref<!tpu.dma_semaphore, #tpu.memory_space<semaphore_mem>>) src(%dma_wait3A_134 : memref<120x208xf32, #tpu.memory_space<hbm>>) dst(%arg7 : memref<120x208xf32, #tpu.memory_space<vmem>>)
        %dma_wait3A_135 = arith.constant 0 : i32
        %dma_wait3A_136 = arith.constant 0 : i32
        %dma_wait3A_137 = tpu.memref_slice %arg4[%dma_wait3A_135, %dma_wait3A_136] : memref<512x256xf32, #tpu.memory_space<hbm>> -> memref<512x256xf32, #tpu.memory_space<hbm>>
        tpu.wait_indirect_dma semaphore(%arg16 : memref<!tpu.dma_semaphore, #tpu.memory_space<semaphore_mem>>) src(%dma_wait3A_137 : memref<512x256xf32, #tpu.memory_space<hbm>>) dst(%arg8 : memref<120x256xf32, #tpu.memory_space<vmem>>)
        %ge3A = arith.constant 1 : i32
        %ge3A_138 = arith.cmpi sge, %add3A_90, %ge3A : i32
        %convert_element_type3A_139 = arith.extui %ge3A_138 : i1 to i32
        %cond3A_140 = arith.constant 0 : i32
        %cond3A_141 = arith.cmpi ne, %convert_element_type3A_139, %cond3A_140 : i32
        scf.if %cond3A_141 {
          %sub3A_163 = arith.constant 1 : i32
          %sub3A_164 = arith.subi %add3A_90, %sub3A_163 : i32
          %mul3A_165 = arith.constant 32 : i32
          %mul3A_166 = arith.muli %sub3A_164, %mul3A_165 : i32
          %add3A_167 = arith.addi %add3A, %mul3A_166 : i32
          %eq3A_168 = arith.constant 833 : i32
          %eq3A_169 = arith.cmpi eq, %add3A_167, %eq3A_168 : i32
          %mul3A_170 = arith.constant 32 : i32
          %mul3A_171 = arith.muli %sub3A_164, %mul3A_170 : i32
          %add3A_172 = arith.addi %add3A, %mul3A_171 : i32
          %mul3A_173 = arith.constant 120 : i32
          %mul3A_174 = arith.muli %add3A_172, %mul3A_173 : i32
          %jit3A_175 = arith.constant 99880 : i32
          %select_n3A_176 = arith.select %eq3A_169, %jit3A_175, %mul3A_174 : i32
          %dma_wait3A_177 = arith.constant 0 : i32
          %dma_wait3A_178 = tpu.memref_slice %arg5[%select_n3A_176, %dma_wait3A_177] : memref<100000x208xf32, #tpu.memory_space<hbm>> -> memref<120x208xf32, #tpu.memory_space<hbm>>
          %dma_wait3A_179 = arith.constant 0 : i32
          %dma_wait3A_180 = tpu.memref_slice %arg5[%select_n3A_176, %dma_wait3A_179] : memref<100000x208xf32, #tpu.memory_space<hbm>> -> memref<120x208xf32, #tpu.memory_space<hbm>>
          tpu.wait_dma2 semaphore(%arg17 : memref<!tpu.dma_semaphore, #tpu.memory_space<semaphore_mem>>) src(%arg9 : memref<120x208xf32, #tpu.memory_space<vmem>>) dst(%dma_wait3A_180 : memref<120x208xf32, #tpu.memory_space<hbm>>)
        } else {
        }
        %scan3A_142 = arith.constant 0 : i32
        %scan3A_143 = arith.constant 0 : i32
        %scan3A_144 = arith.constant 120 : i32
        %scan3A_145 = arith.addi %scan3A_143, %scan3A_144 : i32
        %scan3A_146 = arith.constant 1 : i32
        scf.for %scan3A_163 = %scan3A_143 to %scan3A_145 step %scan3A_146  : i32 {
          %get3A = arith.index_cast %scan3A_163 : i32 to index
          %get3A_164 = arith.constant 0 : index
          %get3A_165 = tpu.vector_load %arg7[%get3A, %get3A_164] {strides = array<i32>} : memref<120x208xf32, #tpu.memory_space<vmem>>, vector<16xf32>,
          %get3A_166 = arith.index_cast %scan3A_163 : i32 to index
          %get3A_167 = arith.constant 0 : index
          %get3A_168 = tpu.vector_load %arg8[%get3A_166, %get3A_167] {strides = array<i32>} : memref<120x256xf32, #tpu.memory_space<vmem>>, vector<16xf32>,
          %mul3A_169 = arith.mulf %get3A_165, %get3A_168 : vector<16xf32>
          %get3A_170 = arith.index_cast %scan3A_163 : i32 to index
          %get3A_171 = arith.constant 208 : index
          %get3A_172 = tpu.vector_load %arg8[%get3A_170, %get3A_171] {strides = array<i32>} : memref<120x256xf32, #tpu.memory_space<vmem>>, vector<16xf32>,
          %add3A_173 = arith.addf %mul3A_169, %get3A_172 : vector<16xf32>
          %swap3A = arith.index_cast %scan3A_163 : i32 to index
          %swap3A_174 = arith.constant 0 : index
          %swap3A_175 = tpu.vector_load %arg9[%swap3A, %swap3A_174] {strides = array<i32>} : memref<120x208xf32, #tpu.memory_space<vmem>>, vector<16xf32>,
          tpu.vector_store %arg9[%swap3A, %swap3A_174], %add3A_173 {strides = array<i32>} : memref<120x208xf32, #tpu.memory_space<vmem>>, vector<16xf32>,
          %get3A_176 = arith.index_cast %scan3A_163 : i32 to index
          %get3A_177 = arith.constant 16 : index
          %get3A_178 = tpu.vector_load %arg7[%get3A_176, %get3A_177] {strides = array<i32>} : memref<120x208xf32, #tpu.memory_space<vmem>>, vector<16xf32>,
          %get3A_179 = arith.index_cast %scan3A_163 : i32 to index
          %get3A_180 = arith.constant 16 : index
          %get3A_181 = tpu.vector_load %arg8[%get3A_179, %get3A_180] {strides = array<i32>} : memref<120x256xf32, #tpu.memory_space<vmem>>, vector<16xf32>,
          %mul3A_182 = arith.mulf %get3A_178, %get3A_181 : vector<16xf32>
          %get3A_183 = arith.index_cast %scan3A_163 : i32 to index
          %get3A_184 = arith.constant 224 : index
          %get3A_185 = tpu.vector_load %arg8[%get3A_183, %get3A_184] {strides = array<i32>} : memref<120x256xf32, #tpu.memory_space<vmem>>, vector<16xf32>,
          %add3A_186 = arith.addf %mul3A_182, %get3A_185 : vector<16xf32>
          %swap3A_187 = arith.index_cast %scan3A_163 : i32 to index
          %swap3A_188 = arith.constant 16 : index
          %swap3A_189 = tpu.vector_load %arg9[%swap3A_187, %swap3A_188] {strides = array<i32>} : memref<120x208xf32, #tpu.memory_space<vmem>>, vector<16xf32>,
          tpu.vector_store %arg9[%swap3A_187, %swap3A_188], %add3A_186 {strides = array<i32>} : memref<120x208xf32, #tpu.memory_space<vmem>>, vector<16xf32>,
          %get3A_190 = arith.index_cast %scan3A_163 : i32 to index
          %get3A_191 = arith.constant 32 : index
          %get3A_192 = tpu.vector_load %arg7[%get3A_190, %get3A_191] {strides = array<i32>} : memref<120x208xf32, #tpu.memory_space<vmem>>, vector<16xf32>,
          %get3A_193 = arith.index_cast %scan3A_163 : i32 to index
          %get3A_194 = arith.constant 32 : index
          %get3A_195 = tpu.vector_load %arg8[%get3A_193, %get3A_194] {strides = array<i32>} : memref<120x256xf32, #tpu.memory_space<vmem>>, vector<16xf32>,
          %mul3A_196 = arith.mulf %get3A_192, %get3A_195 : vector<16xf32>
          %swap3A_197 = arith.index_cast %scan3A_163 : i32 to index
          %swap3A_198 = arith.constant 32 : index
          %swap3A_199 = tpu.vector_load %arg9[%swap3A_197, %swap3A_198] {strides = array<i32>} : memref<120x208xf32, #tpu.memory_space<vmem>>, vector<16xf32>,
          tpu.vector_store %arg9[%swap3A_197, %swap3A_198], %mul3A_196 {strides = array<i32>} : memref<120x208xf32, #tpu.memory_space<vmem>>, vector<16xf32>,
          %get3A_200 = arith.index_cast %scan3A_163 : i32 to index
          %get3A_201 = arith.constant 48 : index
          %get3A_202 = tpu.vector_load %arg7[%get3A_200, %get3A_201] {strides = array<i32>} : memref<120x208xf32, #tpu.memory_space<vmem>>, vector<16xf32>,
          %get3A_203 = arith.index_cast %scan3A_163 : i32 to index
          %get3A_204 = arith.constant 48 : index
          %get3A_205 = tpu.vector_load %arg8[%get3A_203, %get3A_204] {strides = array<i32>} : memref<120x256xf32, #tpu.memory_space<vmem>>, vector<16xf32>,
          %mul3A_206 = arith.mulf %get3A_202, %get3A_205 : vector<16xf32>
          %swap3A_207 = arith.index_cast %scan3A_163 : i32 to index
          %swap3A_208 = arith.constant 48 : index
          %swap3A_209 = tpu.vector_load %arg9[%swap3A_207, %swap3A_208] {strides = array<i32>} : memref<120x208xf32, #tpu.memory_space<vmem>>, vector<16xf32>,
          tpu.vector_store %arg9[%swap3A_207, %swap3A_208], %mul3A_206 {strides = array<i32>} : memref<120x208xf32, #tpu.memory_space<vmem>>, vector<16xf32>,
          %get3A_210 = arith.index_cast %scan3A_163 : i32 to index
          %get3A_211 = arith.constant 64 : index
          %get3A_212 = tpu.vector_load %arg7[%get3A_210, %get3A_211] {strides = array<i32>} : memref<120x208xf32, #tpu.memory_space<vmem>>, vector<16xf32>,
          %get3A_213 = arith.index_cast %scan3A_163 : i32 to index
          %get3A_214 = arith.constant 64 : index
          %get3A_215 = tpu.vector_load %arg8[%get3A_213, %get3A_214] {strides = array<i32>} : memref<120x256xf32, #tpu.memory_space<vmem>>, vector<16xf32>,
          %mul3A_216 = arith.mulf %get3A_212, %get3A_215 : vector<16xf32>
          %swap3A_217 = arith.index_cast %scan3A_163 : i32 to index
          %swap3A_218 = arith.constant 64 : index
          %swap3A_219 = tpu.vector_load %arg9[%swap3A_217, %swap3A_218] {strides = array<i32>} : memref<120x208xf32, #tpu.memory_space<vmem>>, vector<16xf32>,
          tpu.vector_store %arg9[%swap3A_217, %swap3A_218], %mul3A_216 {strides = array<i32>} : memref<120x208xf32, #tpu.memory_space<vmem>>, vector<16xf32>,
          %get3A_220 = arith.index_cast %scan3A_163 : i32 to index
          %get3A_221 = arith.constant 80 : index
          %get3A_222 = tpu.vector_load %arg7[%get3A_220, %get3A_221] {strides = array<i32>} : memref<120x208xf32, #tpu.memory_space<vmem>>, vector<16xf32>,
          %get3A_223 = arith.index_cast %scan3A_163 : i32 to index
          %get3A_224 = arith.constant 80 : index
          %get3A_225 = tpu.vector_load %arg8[%get3A_223, %get3A_224] {strides = array<i32>} : memref<120x256xf32, #tpu.memory_space<vmem>>, vector<16xf32>,
          %mul3A_226 = arith.mulf %get3A_222, %get3A_225 : vector<16xf32>
          %swap3A_227 = arith.index_cast %scan3A_163 : i32 to index
          %swap3A_228 = arith.constant 80 : index
          %swap3A_229 = tpu.vector_load %arg9[%swap3A_227, %swap3A_228] {strides = array<i32>} : memref<120x208xf32, #tpu.memory_space<vmem>>, vector<16xf32>,
          tpu.vector_store %arg9[%swap3A_227, %swap3A_228], %mul3A_226 {strides = array<i32>} : memref<120x208xf32, #tpu.memory_space<vmem>>, vector<16xf32>,
          %get3A_230 = arith.index_cast %scan3A_163 : i32 to index
          %get3A_231 = arith.constant 96 : index
          %get3A_232 = tpu.vector_load %arg7[%get3A_230, %get3A_231] {strides = array<i32>} : memref<120x208xf32, #tpu.memory_space<vmem>>, vector<16xf32>,
          %get3A_233 = arith.index_cast %scan3A_163 : i32 to index
          %get3A_234 = arith.constant 96 : index
          %get3A_235 = tpu.vector_load %arg8[%get3A_233, %get3A_234] {strides = array<i32>} : memref<120x256xf32, #tpu.memory_space<vmem>>, vector<16xf32>,
          %mul3A_236 = arith.mulf %get3A_232, %get3A_235 : vector<16xf32>
          %swap3A_237 = arith.index_cast %scan3A_163 : i32 to index
          %swap3A_238 = arith.constant 96 : index
          %swap3A_239 = tpu.vector_load %arg9[%swap3A_237, %swap3A_238] {strides = array<i32>} : memref<120x208xf32, #tpu.memory_space<vmem>>, vector<16xf32>,
          tpu.vector_store %arg9[%swap3A_237, %swap3A_238], %mul3A_236 {strides = array<i32>} : memref<120x208xf32, #tpu.memory_space<vmem>>, vector<16xf32>,
          %get3A_240 = arith.index_cast %scan3A_163 : i32 to index
          %get3A_241 = arith.constant 112 : index
          %get3A_242 = tpu.vector_load %arg7[%get3A_240, %get3A_241] {strides = array<i32>} : memref<120x208xf32, #tpu.memory_space<vmem>>, vector<16xf32>,
          %get3A_243 = arith.index_cast %scan3A_163 : i32 to index
          %get3A_244 = arith.constant 112 : index
          %get3A_245 = tpu.vector_load %arg8[%get3A_243, %get3A_244] {strides = array<i32>} : memref<120x256xf32, #tpu.memory_space<vmem>>, vector<16xf32>,
          %mul3A_246 = arith.mulf %get3A_242, %get3A_245 : vector<16xf32>
          %swap3A_247 = arith.index_cast %scan3A_163 : i32 to index
          %swap3A_248 = arith.constant 112 : index
          %swap3A_249 = tpu.vector_load %arg9[%swap3A_247, %swap3A_248] {strides = array<i32>} : memref<120x208xf32, #tpu.memory_space<vmem>>, vector<16xf32>,
          tpu.vector_store %arg9[%swap3A_247, %swap3A_248], %mul3A_246 {strides = array<i32>} : memref<120x208xf32, #tpu.memory_space<vmem>>, vector<16xf32>,
          %get3A_250 = arith.index_cast %scan3A_163 : i32 to index
          %get3A_251 = arith.constant 128 : index
          %get3A_252 = tpu.vector_load %arg7[%get3A_250, %get3A_251] {strides = array<i32>} : memref<120x208xf32, #tpu.memory_space<vmem>>, vector<16xf32>,
          %get3A_253 = arith.index_cast %scan3A_163 : i32 to index
          %get3A_254 = arith.constant 128 : index
          %get3A_255 = tpu.vector_load %arg8[%get3A_253, %get3A_254] {strides = array<i32>} : memref<120x256xf32, #tpu.memory_space<vmem>>, vector<16xf32>,
          %mul3A_256 = arith.mulf %get3A_252, %get3A_255 : vector<16xf32>
          %swap3A_257 = arith.index_cast %scan3A_163 : i32 to index
          %swap3A_258 = arith.constant 128 : index
          %swap3A_259 = tpu.vector_load %arg9[%swap3A_257, %swap3A_258] {strides = array<i32>} : memref<120x208xf32, #tpu.memory_space<vmem>>, vector<16xf32>,
          tpu.vector_store %arg9[%swap3A_257, %swap3A_258], %mul3A_256 {strides = array<i32>} : memref<120x208xf32, #tpu.memory_space<vmem>>, vector<16xf32>,
          %get3A_260 = arith.index_cast %scan3A_163 : i32 to index
          %get3A_261 = arith.constant 144 : index
          %get3A_262 = tpu.vector_load %arg7[%get3A_260, %get3A_261] {strides = array<i32>} : memref<120x208xf32, #tpu.memory_space<vmem>>, vector<16xf32>,
          %get3A_263 = arith.index_cast %scan3A_163 : i32 to index
          %get3A_264 = arith.constant 144 : index
          %get3A_265 = tpu.vector_load %arg8[%get3A_263, %get3A_264] {strides = array<i32>} : memref<120x256xf32, #tpu.memory_space<vmem>>, vector<16xf32>,
          %mul3A_266 = arith.mulf %get3A_262, %get3A_265 : vector<16xf32>
          %swap3A_267 = arith.index_cast %scan3A_163 : i32 to index
          %swap3A_268 = arith.constant 144 : index
          %swap3A_269 = tpu.vector_load %arg9[%swap3A_267, %swap3A_268] {strides = array<i32>} : memref<120x208xf32, #tpu.memory_space<vmem>>, vector<16xf32>,
          tpu.vector_store %arg9[%swap3A_267, %swap3A_268], %mul3A_266 {strides = array<i32>} : memref<120x208xf32, #tpu.memory_space<vmem>>, vector<16xf32>,
          %get3A_270 = arith.index_cast %scan3A_163 : i32 to index
          %get3A_271 = arith.constant 160 : index
          %get3A_272 = tpu.vector_load %arg7[%get3A_270, %get3A_271] {strides = array<i32>} : memref<120x208xf32, #tpu.memory_space<vmem>>, vector<16xf32>,
          %get3A_273 = arith.index_cast %scan3A_163 : i32 to index
          %get3A_274 = arith.constant 160 : index
          %get3A_275 = tpu.vector_load %arg8[%get3A_273, %get3A_274] {strides = array<i32>} : memref<120x256xf32, #tpu.memory_space<vmem>>, vector<16xf32>,
          %mul3A_276 = arith.mulf %get3A_272, %get3A_275 : vector<16xf32>
          %swap3A_277 = arith.index_cast %scan3A_163 : i32 to index
          %swap3A_278 = arith.constant 160 : index
          %swap3A_279 = tpu.vector_load %arg9[%swap3A_277, %swap3A_278] {strides = array<i32>} : memref<120x208xf32, #tpu.memory_space<vmem>>, vector<16xf32>,
          tpu.vector_store %arg9[%swap3A_277, %swap3A_278], %mul3A_276 {strides = array<i32>} : memref<120x208xf32, #tpu.memory_space<vmem>>, vector<16xf32>,
          %get3A_280 = arith.index_cast %scan3A_163 : i32 to index
          %get3A_281 = arith.constant 176 : index
          %get3A_282 = tpu.vector_load %arg7[%get3A_280, %get3A_281] {strides = array<i32>} : memref<120x208xf32, #tpu.memory_space<vmem>>, vector<16xf32>,
          %get3A_283 = arith.index_cast %scan3A_163 : i32 to index
          %get3A_284 = arith.constant 176 : index
          %get3A_285 = tpu.vector_load %arg8[%get3A_283, %get3A_284] {strides = array<i32>} : memref<120x256xf32, #tpu.memory_space<vmem>>, vector<16xf32>,
          %mul3A_286 = arith.mulf %get3A_282, %get3A_285 : vector<16xf32>
          %swap3A_287 = arith.index_cast %scan3A_163 : i32 to index
          %swap3A_288 = arith.constant 176 : index
          %swap3A_289 = tpu.vector_load %arg9[%swap3A_287, %swap3A_288] {strides = array<i32>} : memref<120x208xf32, #tpu.memory_space<vmem>>, vector<16xf32>,
          tpu.vector_store %arg9[%swap3A_287, %swap3A_288], %mul3A_286 {strides = array<i32>} : memref<120x208xf32, #tpu.memory_space<vmem>>, vector<16xf32>,
          %get3A_290 = arith.index_cast %scan3A_163 : i32 to index
          %get3A_291 = arith.constant 192 : index
          %get3A_292 = tpu.vector_load %arg7[%get3A_290, %get3A_291] {strides = array<i32>} : memref<120x208xf32, #tpu.memory_space<vmem>>, vector<16xf32>,
          %get3A_293 = arith.index_cast %scan3A_163 : i32 to index
          %get3A_294 = arith.constant 192 : index
          %get3A_295 = tpu.vector_load %arg8[%get3A_293, %get3A_294] {strides = array<i32>} : memref<120x256xf32, #tpu.memory_space<vmem>>, vector<16xf32>,
          %mul3A_296 = arith.mulf %get3A_292, %get3A_295 : vector<16xf32>
          %swap3A_297 = arith.index_cast %scan3A_163 : i32 to index
          %swap3A_298 = arith.constant 192 : index
          %swap3A_299 = tpu.vector_load %arg9[%swap3A_297, %swap3A_298] {strides = array<i32>} : memref<120x208xf32, #tpu.memory_space<vmem>>, vector<16xf32>,
          tpu.vector_store %arg9[%swap3A_297, %swap3A_298], %mul3A_296 {strides = array<i32>} : memref<120x208xf32, #tpu.memory_space<vmem>>, vector<16xf32>,
        }
        %scan3A_147 = arith.constant 120 : i32
        %mul3A_148 = arith.constant 32 : i32
        %mul3A_149 = arith.muli %add3A_90, %mul3A_148 : i32
        %add3A_150 = arith.addi %add3A, %mul3A_149 : i32
        %eq3A_151 = arith.constant 833 : i32
        %eq3A_152 = arith.cmpi eq, %add3A_150, %eq3A_151 : i32
        %mul3A_153 = arith.constant 32 : i32
        %mul3A_154 = arith.muli %add3A_90, %mul3A_153 : i32
        %add3A_155 = arith.addi %add3A, %mul3A_154 : i32
        %mul3A_156 = arith.constant 120 : i32
        %mul3A_157 = arith.muli %add3A_155, %mul3A_156 : i32
        %jit3A_158 = arith.constant 99880 : i32
        %select_n3A_159 = arith.select %eq3A_152, %jit3A_158, %mul3A_157 : i32
        %dma_start3A = arith.constant 0 : i32
        %dma_start3A_160 = tpu.memref_slice %arg5[%select_n3A_159, %dma_start3A] : memref<100000x208xf32, #tpu.memory_space<hbm>> -> memref<120x208xf32, #tpu.memory_space<hbm>>
        %dma_start3A_161 = arith.constant 0 : i32
        %dma_start3A_162 = tpu.memref_slice %arg5[%select_n3A_159, %dma_start3A_161] : memref<100000x208xf32, #tpu.memory_space<hbm>> -> memref<120x208xf32, #tpu.memory_space<hbm>>
        tpu.enqueue_dma source(%arg9 : memref<120x208xf32, #tpu.memory_space<vmem>>) target(%dma_start3A_162 : memref<120x208xf32, #tpu.memory_space<hbm>>) target_semaphore(%arg17 : memref<!tpu.dma_semaphore, #tpu.memory_space<semaphore_mem>>)
      } else {
      }
      %add3A_99 = arith.constant 2 : i32
      %add3A_100 = arith.addi %add3A_90, %add3A_99 : i32
      %mul3A_101 = arith.constant 32 : i32
      %mul3A_102 = arith.muli %add3A_100, %mul3A_101 : i32
      %add3A_103 = arith.addi %add3A, %mul3A_102 : i32
      %lt3A_104 = arith.constant 834 : i32
      %lt3A_105 = arith.cmpi slt, %add3A_103, %lt3A_104 : i32
      %convert_element_type3A_106 = arith.extui %lt3A_105 : i1 to i32
      %cond3A_107 = arith.constant 0 : i32
      %cond3A_108 = arith.cmpi ne, %convert_element_type3A_106, %cond3A_107 : i32
      scf.if %cond3A_108 {
        %mul3A_119 = arith.constant 32 : i32
        %mul3A_120 = arith.muli %add3A_100, %mul3A_119 : i32
        %add3A_121 = arith.addi %add3A, %mul3A_120 : i32
        %eq3A_122 = arith.constant 833 : i32
        %eq3A_123 = arith.cmpi eq, %add3A_121, %eq3A_122 : i32
        %mul3A_124 = arith.constant 32 : i32
        %mul3A_125 = arith.muli %add3A_100, %mul3A_124 : i32
        %add3A_126 = arith.addi %add3A, %mul3A_125 : i32
        %mul3A_127 = arith.constant 120 : i32
        %mul3A_128 = arith.muli %add3A_126, %mul3A_127 : i32
        %jit3A_129 = arith.constant 99880 : i32
        %select_n3A_130 = arith.select %eq3A_123, %jit3A_129, %mul3A_128 : i32
        %dma_start3A = arith.constant 0 : i32
        %dma_start3A_131 = tpu.memref_slice %arg2[%select_n3A_130, %dma_start3A] : memref<100000x208xf32, #tpu.memory_space<hbm>> -> memref<120x208xf32, #tpu.memory_space<hbm>>
        %dma_start3A_132 = arith.constant 0 : i32
        %dma_start3A_133 = tpu.memref_slice %arg2[%select_n3A_130, %dma_start3A_132] : memref<100000x208xf32, #tpu.memory_space<hbm>> -> memref<120x208xf32, #tpu.memory_space<hbm>>
        tpu.enqueue_dma source(%dma_start3A_133 : memref<120x208xf32, #tpu.memory_space<hbm>>) target(%arg7 : memref<120x208xf32, #tpu.memory_space<vmem>>) target_semaphore(%arg13 : memref<!tpu.dma_semaphore, #tpu.memory_space<semaphore_mem>>)
        %mul3A_134 = arith.constant 32 : i32
        %mul3A_135 = arith.muli %add3A_100, %mul3A_134 : i32
        %add3A_136 = arith.addi %add3A, %mul3A_135 : i32
        %eq3A_137 = arith.constant 833 : i32
        %eq3A_138 = arith.cmpi eq, %add3A_136, %eq3A_137 : i32
        %mul3A_139 = arith.constant 32 : i32
        %mul3A_140 = arith.muli %add3A_100, %mul3A_139 : i32
        %add3A_141 = arith.addi %add3A, %mul3A_140 : i32
        %mul3A_142 = arith.constant 120 : i32
        %mul3A_143 = arith.muli %add3A_141, %mul3A_142 : i32
        %jit3A_144 = arith.constant 99880 : i32
        %select_n3A_145 = arith.select %eq3A_138, %jit3A_144, %mul3A_143 : i32
        %dma_start3A_146 = tpu.memref_slice %arg3[%select_n3A_145] : memref<100000xi32, #tpu.memory_space<hbm>> -> memref<120xi32, #tpu.memory_space<hbm>>
        %dma_start3A_147 = tpu.memref_slice %arg3[%select_n3A_145] : memref<100000xi32, #tpu.memory_space<hbm>> -> memref<120xi32, #tpu.memory_space<hbm>>
        tpu.enqueue_dma source(%dma_start3A_147 : memref<120xi32, #tpu.memory_space<hbm>>) target(%arg11 : memref<120xi32, #tpu.memory_space<vmem>>) target_semaphore(%arg15 : memref<!tpu.dma_semaphore, #tpu.memory_space<semaphore_mem>>)
      } else {
      }
      %add3A_109 = arith.constant 1 : i32
      %add3A_110 = arith.addi %add3A_90, %add3A_109 : i32
      %mul3A_111 = arith.constant 32 : i32
      %mul3A_112 = arith.muli %add3A_110, %mul3A_111 : i32
      %add3A_113 = arith.addi %add3A, %mul3A_112 : i32
      %lt3A_114 = arith.constant 834 : i32
      %lt3A_115 = arith.cmpi slt, %add3A_113, %lt3A_114 : i32
      %convert_element_type3A_116 = arith.extui %lt3A_115 : i1 to i32
      %cond3A_117 = arith.constant 0 : i32
      %cond3A_118 = arith.cmpi ne, %convert_element_type3A_116, %cond3A_117 : i32
      scf.if %cond3A_118 {
        %mul3A_119 = arith.constant 32 : i32
        %mul3A_120 = arith.muli %add3A_110, %mul3A_119 : i32
        %add3A_121 = arith.addi %add3A, %mul3A_120 : i32
        %eq3A_122 = arith.constant 833 : i32
        %eq3A_123 = arith.cmpi eq, %add3A_121, %eq3A_122 : i32
        %mul3A_124 = arith.constant 32 : i32
        %mul3A_125 = arith.muli %add3A_110, %mul3A_124 : i32
        %add3A_126 = arith.addi %add3A, %mul3A_125 : i32
        %mul3A_127 = arith.constant 120 : i32
        %mul3A_128 = arith.muli %add3A_126, %mul3A_127 : i32
        %jit3A_129 = arith.constant 99880 : i32
        %select_n3A_130 = arith.select %eq3A_123, %jit3A_129, %mul3A_128 : i32
        %dma_wait3A_131 = tpu.memref_slice %arg3[%select_n3A_130] : memref<100000xi32, #tpu.memory_space<hbm>> -> memref<120xi32, #tpu.memory_space<hbm>>
        %dma_wait3A_132 = tpu.memref_slice %arg3[%select_n3A_130] : memref<100000xi32, #tpu.memory_space<hbm>> -> memref<120xi32, #tpu.memory_space<hbm>>
        tpu.wait_dma2 semaphore(%arg14 : memref<!tpu.dma_semaphore, #tpu.memory_space<semaphore_mem>>) src(%dma_wait3A_132 : memref<120xi32, #tpu.memory_space<hbm>>) dst(%arg10 : memref<120xi32, #tpu.memory_space<vmem>>)
        %dma_start3A = arith.constant 0 : i32
        %dma_start3A_133 = arith.constant 0 : i32
        %dma_start3A_134 = tpu.memref_slice %arg4[%dma_start3A, %dma_start3A_133] : memref<512x256xf32, #tpu.memory_space<hbm>> -> memref<512x256xf32, #tpu.memory_space<hbm>>
        tpu.enqueue_indirect_dma source(%dma_start3A_134 : memref<512x256xf32, #tpu.memory_space<hbm>>) target(%arg8 : memref<120x256xf32, #tpu.memory_space<vmem>>) offsets(%arg10 : memref<120xi32, #tpu.memory_space<vmem>>) semaphore(%arg16 : memref<!tpu.dma_semaphore, #tpu.memory_space<semaphore_mem>>)
      } else {
      }
    }
    %scan3A_23 = arith.constant 14 : i32
    %sub3A = arith.constant 833 : i32
    %sub3A_24 = arith.subi %sub3A, %add3A : i32
    %jit3A = arith.constant 32 : i32
    %div3A = arith.divsi %sub3A_24, %jit3A : i32
    %sign3A = arith.constant 0 : i32
    %sign3A_25 = arith.cmpi sgt, %sub3A_24, %sign3A : i32
    %sign3A_26 = arith.extui %sign3A_25 : i1 to i32
    %sign3A_27 = arith.constant 0 : i32
    %sign3A_28 = arith.cmpi slt, %sub3A_24, %sign3A_27 : i32
    %sign3A_29 = arith.extui %sign3A_28 : i1 to i32
    %sign3A_30 = arith.subi %sign3A_26, %sign3A_29 : i32
    %sign3A_31 = arith.constant 0 : i32
    %sign3A_32 = arith.cmpi sgt, %jit3A, %sign3A_31 : i32
    %sign3A_33 = arith.extui %sign3A_32 : i1 to i32
    %sign3A_34 = arith.constant 0 : i32
    %sign3A_35 = arith.cmpi slt, %jit3A, %sign3A_34 : i32
    %sign3A_36 = arith.extui %sign3A_35 : i1 to i32
    %sign3A_37 = arith.subi %sign3A_33, %sign3A_36 : i32
    %ne3A = arith.cmpi ne, %sign3A_30, %sign3A_37 : i32
    %rem3A = arith.remsi %sub3A_24, %jit3A : i32
    %ne3A_38 = arith.constant 0 : i32
    %ne3A_39 = arith.cmpi ne, %rem3A, %ne3A_38 : i32
    %and3A = arith.andi %ne3A, %ne3A_39 : i1
    %sub3A_40 = arith.constant 1 : i32
    %sub3A_41 = arith.subi %div3A, %sub3A_40 : i32
    %select_n3A = arith.select %and3A, %sub3A_41, %div3A : i32
    %mul3A_42 = arith.constant 32 : i32
    %mul3A_43 = arith.muli %select_n3A, %mul3A_42 : i32
    %add3A_44 = arith.addi %add3A, %mul3A_43 : i32
    %eq3A = arith.constant 833 : i32
    %eq3A_45 = arith.cmpi eq, %add3A_44, %eq3A : i32
    %mul3A_46 = arith.constant 32 : i32
    %mul3A_47 = arith.muli %select_n3A, %mul3A_46 : i32
    %add3A_48 = arith.addi %add3A, %mul3A_47 : i32
    %mul3A_49 = arith.constant 120 : i32
    %mul3A_50 = arith.muli %add3A_48, %mul3A_49 : i32
    %jit3A_51 = arith.constant 99880 : i32
    %select_n3A_52 = arith.select %eq3A_45, %jit3A_51, %mul3A_50 : i32
    %dma_wait3A = arith.constant 0 : i32
    %dma_wait3A_53 = tpu.memref_slice %arg5[%select_n3A_52, %dma_wait3A] : memref<100000x208xf32, #tpu.memory_space<hbm>> -> memref<120x208xf32, #tpu.memory_space<hbm>>
    %dma_wait3A_54 = arith.constant 0 : i32
    %dma_wait3A_55 = tpu.memref_slice %arg5[%select_n3A_52, %dma_wait3A_54] : memref<100000x208xf32, #tpu.memory_space<hbm>> -> memref<120x208xf32, #tpu.memory_space<hbm>>
    tpu.wait_dma2 semaphore(%arg17 : memref<!tpu.dma_semaphore, #tpu.memory_space<semaphore_mem>>) src(%arg9 : memref<120x208xf32, #tpu.memory_space<vmem>>) dst(%dma_wait3A_55 : memref<120x208xf32, #tpu.memory_space<hbm>>)
    return
  }
}

#map = affine_map<(d0, d1) -> (0, 0)>
#map1 = affine_map<(d0, d1) -> (0)>
module attributes {stable_mosaic.version = 14 : i64} {
  func.func @_sc_stats(%arg0: i32, %arg1: i32, %arg2: memref<100000x208xf32, #tpu.memory_space<hbm>>, %arg3: memref<100000xi32, #tpu.memory_space<hbm>>, %arg4: memref<2097152xf32, #tpu.memory_space<hbm>>, %arg5: memref<120x208xf32, #tpu.memory_space<vmem>>, %arg6: memref<120x208xf32, #tpu.memory_space<vmem>>, %arg7: memref<120xi32, #tpu.memory_space<vmem>>, %arg8: memref<120xi32, #tpu.memory_space<vmem>>, %arg9: memref<65536xf32, #tpu.memory_space<vmem>>, %arg10: memref<!tpu.dma_semaphore, #tpu.memory_space<semaphore_mem>>, %arg11: memref<!tpu.dma_semaphore, #tpu.memory_space<semaphore_mem>>, %arg12: memref<!tpu.dma_semaphore, #tpu.memory_space<semaphore_mem>>, %arg13: memref<!tpu.dma_semaphore, #tpu.memory_space<semaphore_mem>>) attributes {dimension_semantics = [#tpu.dimension_semantics<core_parallel>, #tpu.dimension_semantics<subcore_parallel>], iteration_bounds = array<i64: 2, 16>, scalar_prefetch = 0 : i64, scratch_operands = 9 : i64, tpu.core_type = #tpu.core_type<sc_vector_subcore>, window_params = [{transform_indices = #map}, {transform_indices = #map1}, {transform_indices = #map1}]} {
    %jit3A = arith.constant 2 : i32
    %eq3A = arith.constant 0 : i32
    %eq3A_0 = arith.cmpi eq, %jit3A, %eq3A : i32
    %jit3A_1 = arith.constant 1 : i32
    %select_n3A = arith.select %eq3A_0, %jit3A_1, %jit3A : i32
    %rem3A = arith.remsi %arg1, %select_n3A : i32
    %ne3A = arith.constant 0 : i32
    %ne3A_2 = arith.cmpi ne, %rem3A, %ne3A : i32
    %lt3A = arith.constant 0 : i32
    %lt3A_3 = arith.cmpi slt, %rem3A, %lt3A : i32
    %lt3A_4 = arith.constant 0 : i32
    %lt3A_5 = arith.cmpi slt, %select_n3A, %lt3A_4 : i32
    %ne3A_6 = arith.xori %lt3A_3, %lt3A_5 : i1
    %and3A = arith.andi %ne3A_6, %ne3A_2 : i1
    %add3A = arith.addi %rem3A, %select_n3A : i32
    %select_n3A_7 = arith.select %and3A, %add3A, %rem3A : i32
    %jit3A_8 = arith.constant 2 : i32
    %div3A = arith.divsi %arg1, %jit3A_8 : i32
    %sign3A = arith.constant 0 : i32
    %sign3A_9 = arith.cmpi sgt, %arg1, %sign3A : i32
    %sign3A_10 = arith.extui %sign3A_9 : i1 to i32
    %sign3A_11 = arith.constant 0 : i32
    %sign3A_12 = arith.cmpi slt, %arg1, %sign3A_11 : i32
    %sign3A_13 = arith.extui %sign3A_12 : i1 to i32
    %sign3A_14 = arith.subi %sign3A_10, %sign3A_13 : i32
    %sign3A_15 = arith.constant 0 : i32
    %sign3A_16 = arith.cmpi sgt, %jit3A_8, %sign3A_15 : i32
    %sign3A_17 = arith.extui %sign3A_16 : i1 to i32
    %sign3A_18 = arith.constant 0 : i32
    %sign3A_19 = arith.cmpi slt, %jit3A_8, %sign3A_18 : i32
    %sign3A_20 = arith.extui %sign3A_19 : i1 to i32
    %sign3A_21 = arith.subi %sign3A_17, %sign3A_20 : i32
    %ne3A_22 = arith.cmpi ne, %sign3A_14, %sign3A_21 : i32
    %rem3A_23 = arith.remsi %arg1, %jit3A_8 : i32
    %ne3A_24 = arith.constant 0 : i32
    %ne3A_25 = arith.cmpi ne, %rem3A_23, %ne3A_24 : i32
    %and3A_26 = arith.andi %ne3A_22, %ne3A_25 : i1
    %sub3A = arith.constant 1 : i32
    %sub3A_27 = arith.subi %div3A, %sub3A : i32
    %select_n3A_28 = arith.select %and3A_26, %sub3A_27, %div3A : i32
    %broadcast_in_dim3A = arith.constant 0.000000e+00 : f32
    %broadcast_in_dim3A_29 = vector.broadcast %broadcast_in_dim3A : f32 to vector<16xf32>
    %broadcast_in_dim3A_30 = arith.constant 1.000000e+00 : f32
    %broadcast_in_dim3A_31 = vector.broadcast %broadcast_in_dim3A_30 : f32 to vector<16xf32>
    %broadcast_in_dim3A_32 = arith.constant 0 : i32
    %broadcast_in_dim3A_33 = vector.broadcast %broadcast_in_dim3A_32 : i32 to vector<16xi32>
    %iota3A = tpu.iota {dimensions = array<i32: 0>} : vector<16xi32>
    %scan3A = arith.constant 0 : i32
    %scan3A_34 = arith.constant 0 : i32
    %scan3A_35 = arith.constant 4096 : i32
    %scan3A_36 = arith.addi %scan3A_34, %scan3A_35 : i32
    %scan3A_37 = arith.constant 1 : i32
    scf.for %scan3A_67 = %scan3A_34 to %scan3A_36 step %scan3A_37  : i32 {
      %mul3A_68 = arith.constant 16 : i32
      %mul3A_69 = arith.muli %scan3A_67, %mul3A_68 : i32
      %swap3A = arith.index_cast %mul3A_69 : i32 to index
      %swap3A_70 = tpu.vector_load %arg9[%swap3A] {strides = array<i32>} : memref<65536xf32, #tpu.memory_space<vmem>>, vector<16xf32>,
      tpu.vector_store %arg9[%swap3A], %broadcast_in_dim3A_29 {strides = array<i32>} : memref<65536xf32, #tpu.memory_space<vmem>>, vector<16xf32>,
    }
    %scan3A_38 = arith.constant 4096 : i32
    %mul3A = arith.constant 2 : i32
    %mul3A_39 = arith.muli %mul3A, %select_n3A_28 : i32
    %add3A_40 = arith.addi %arg0, %mul3A_39 : i32
    %add3A_41 = arith.constant 0 : i32
    %add3A_42 = arith.addi %add3A_40, %add3A_41 : i32
    %lt3A_43 = arith.constant 834 : i32
    %lt3A_44 = arith.cmpi slt, %add3A_42, %lt3A_43 : i32
    %convert_element_type3A = arith.extui %lt3A_44 : i1 to i32
    %cond3A = arith.constant 0 : i32
    %cond3A_45 = arith.cmpi ne, %convert_element_type3A, %cond3A : i32
    scf.if %cond3A_45 {
      %mul3A_67 = arith.constant 2 : i32
      %mul3A_68 = arith.muli %mul3A_67, %select_n3A_28 : i32
      %add3A_69 = arith.addi %arg0, %mul3A_68 : i32
      %add3A_70 = arith.constant 0 : i32
      %add3A_71 = arith.addi %add3A_69, %add3A_70 : i32
      %eq3A_72 = arith.constant 833 : i32
      %eq3A_73 = arith.cmpi eq, %add3A_71, %eq3A_72 : i32
      %mul3A_74 = arith.constant 2 : i32
      %mul3A_75 = arith.muli %mul3A_74, %select_n3A_28 : i32
      %add3A_76 = arith.addi %arg0, %mul3A_75 : i32
      %add3A_77 = arith.constant 0 : i32
      %add3A_78 = arith.addi %add3A_76, %add3A_77 : i32
      %mul3A_79 = arith.constant 120 : i32
      %mul3A_80 = arith.muli %add3A_78, %mul3A_79 : i32
      %jit3A_81 = arith.constant 99880 : i32
      %select_n3A_82 = arith.select %eq3A_73, %jit3A_81, %mul3A_80 : i32
      %dma_start3A = arith.constant 0 : i32
      %dma_start3A_83 = tpu.memref_slice %arg2[%select_n3A_82, %dma_start3A] : memref<100000x208xf32, #tpu.memory_space<hbm>> -> memref<120x208xf32, #tpu.memory_space<hbm>>
      %dma_start3A_84 = arith.constant 0 : i32
      %dma_start3A_85 = tpu.memref_slice %arg2[%select_n3A_82, %dma_start3A_84] : memref<100000x208xf32, #tpu.memory_space<hbm>> -> memref<120x208xf32, #tpu.memory_space<hbm>>
      tpu.enqueue_dma source(%dma_start3A_85 : memref<120x208xf32, #tpu.memory_space<hbm>>) target(%arg5 : memref<120x208xf32, #tpu.memory_space<vmem>>) target_semaphore(%arg10 : memref<!tpu.dma_semaphore, #tpu.memory_space<semaphore_mem>>)
      %mul3A_86 = arith.constant 2 : i32
      %mul3A_87 = arith.muli %mul3A_86, %select_n3A_28 : i32
      %add3A_88 = arith.addi %arg0, %mul3A_87 : i32
      %add3A_89 = arith.constant 0 : i32
      %add3A_90 = arith.addi %add3A_88, %add3A_89 : i32
      %eq3A_91 = arith.constant 833 : i32
      %eq3A_92 = arith.cmpi eq, %add3A_90, %eq3A_91 : i32
      %mul3A_93 = arith.constant 2 : i32
      %mul3A_94 = arith.muli %mul3A_93, %select_n3A_28 : i32
      %add3A_95 = arith.addi %arg0, %mul3A_94 : i32
      %add3A_96 = arith.constant 0 : i32
      %add3A_97 = arith.addi %add3A_95, %add3A_96 : i32
      %mul3A_98 = arith.constant 120 : i32
      %mul3A_99 = arith.muli %add3A_97, %mul3A_98 : i32
      %jit3A_100 = arith.constant 99880 : i32
      %select_n3A_101 = arith.select %eq3A_92, %jit3A_100, %mul3A_99 : i32
      %dma_start3A_102 = tpu.memref_slice %arg3[%select_n3A_101] : memref<100000xi32, #tpu.memory_space<hbm>> -> memref<120xi32, #tpu.memory_space<hbm>>
      %dma_start3A_103 = tpu.memref_slice %arg3[%select_n3A_101] : memref<100000xi32, #tpu.memory_space<hbm>> -> memref<120xi32, #tpu.memory_space<hbm>>
      tpu.enqueue_dma source(%dma_start3A_103 : memref<120xi32, #tpu.memory_space<hbm>>) target(%arg7 : memref<120xi32, #tpu.memory_space<vmem>>) target_semaphore(%arg12 : memref<!tpu.dma_semaphore, #tpu.memory_space<semaphore_mem>>)
    } else {
    }
    %mul3A_46 = arith.constant 2 : i32
    %mul3A_47 = arith.muli %mul3A_46, %select_n3A_28 : i32
    %add3A_48 = arith.addi %arg0, %mul3A_47 : i32
    %add3A_49 = arith.constant 16 : i32
    %add3A_50 = arith.addi %add3A_48, %add3A_49 : i32
    %lt3A_51 = arith.constant 834 : i32
    %lt3A_52 = arith.cmpi slt, %add3A_50, %lt3A_51 : i32
    %convert_element_type3A_53 = arith.extui %lt3A_52 : i1 to i32
    %cond3A_54 = arith.constant 0 : i32
    %cond3A_55 = arith.cmpi ne, %convert_element_type3A_53, %cond3A_54 : i32
    scf.if %cond3A_55 {
      %mul3A_67 = arith.constant 2 : i32
      %mul3A_68 = arith.muli %mul3A_67, %select_n3A_28 : i32
      %add3A_69 = arith.addi %arg0, %mul3A_68 : i32
      %add3A_70 = arith.constant 16 : i32
      %add3A_71 = arith.addi %add3A_69, %add3A_70 : i32
      %eq3A_72 = arith.constant 833 : i32
      %eq3A_73 = arith.cmpi eq, %add3A_71, %eq3A_72 : i32
      %mul3A_74 = arith.constant 2 : i32
      %mul3A_75 = arith.muli %mul3A_74, %select_n3A_28 : i32
      %add3A_76 = arith.addi %arg0, %mul3A_75 : i32
      %add3A_77 = arith.constant 16 : i32
      %add3A_78 = arith.addi %add3A_76, %add3A_77 : i32
      %mul3A_79 = arith.constant 120 : i32
      %mul3A_80 = arith.muli %add3A_78, %mul3A_79 : i32
      %jit3A_81 = arith.constant 99880 : i32
      %select_n3A_82 = arith.select %eq3A_73, %jit3A_81, %mul3A_80 : i32
      %dma_start3A = arith.constant 0 : i32
      %dma_start3A_83 = tpu.memref_slice %arg2[%select_n3A_82, %dma_start3A] : memref<100000x208xf32, #tpu.memory_space<hbm>> -> memref<120x208xf32, #tpu.memory_space<hbm>>
      %dma_start3A_84 = arith.constant 0 : i32
      %dma_start3A_85 = tpu.memref_slice %arg2[%select_n3A_82, %dma_start3A_84] : memref<100000x208xf32, #tpu.memory_space<hbm>> -> memref<120x208xf32, #tpu.memory_space<hbm>>
      tpu.enqueue_dma source(%dma_start3A_85 : memref<120x208xf32, #tpu.memory_space<hbm>>) target(%arg6 : memref<120x208xf32, #tpu.memory_space<vmem>>) target_semaphore(%arg11 : memref<!tpu.dma_semaphore, #tpu.memory_space<semaphore_mem>>)
      %mul3A_86 = arith.constant 2 : i32
      %mul3A_87 = arith.muli %mul3A_86, %select_n3A_28 : i32
      %add3A_88 = arith.addi %arg0, %mul3A_87 : i32
      %add3A_89 = arith.constant 16 : i32
      %add3A_90 = arith.addi %add3A_88, %add3A_89 : i32
      %eq3A_91 = arith.constant 833 : i32
      %eq3A_92 = arith.cmpi eq, %add3A_90, %eq3A_91 : i32
      %mul3A_93 = arith.constant 2 : i32
      %mul3A_94 = arith.muli %mul3A_93, %select_n3A_28 : i32
      %add3A_95 = arith.addi %arg0, %mul3A_94 : i32
      %add3A_96 = arith.constant 16 : i32
      %add3A_97 = arith.addi %add3A_95, %add3A_96 : i32
      %mul3A_98 = arith.constant 120 : i32
      %mul3A_99 = arith.muli %add3A_97, %mul3A_98 : i32
      %jit3A_100 = arith.constant 99880 : i32
      %select_n3A_101 = arith.select %eq3A_92, %jit3A_100, %mul3A_99 : i32
      %dma_start3A_102 = tpu.memref_slice %arg3[%select_n3A_101] : memref<100000xi32, #tpu.memory_space<hbm>> -> memref<120xi32, #tpu.memory_space<hbm>>
      %dma_start3A_103 = tpu.memref_slice %arg3[%select_n3A_101] : memref<100000xi32, #tpu.memory_space<hbm>> -> memref<120xi32, #tpu.memory_space<hbm>>
      tpu.enqueue_dma source(%dma_start3A_103 : memref<120xi32, #tpu.memory_space<hbm>>) target(%arg8 : memref<120xi32, #tpu.memory_space<vmem>>) target_semaphore(%arg13 : memref<!tpu.dma_semaphore, #tpu.memory_space<semaphore_mem>>)
    } else {
    }
    %scan3A_56 = arith.constant 0 : i32
    %scan3A_57 = arith.constant 0 : i32
    %scan3A_58 = arith.constant 27 : i32
    %scan3A_59 = arith.addi %scan3A_57, %scan3A_58 : i32
    %scan3A_60 = arith.constant 1 : i32
    scf.for %scan3A_67 = %scan3A_57 to %scan3A_59 step %scan3A_60  : i32 {
      %mul3A_68 = arith.constant 2 : i32
      %mul3A_69 = arith.muli %mul3A_68, %scan3A_67 : i32
      %mul3A_70 = arith.constant 2 : i32
      %mul3A_71 = arith.muli %mul3A_70, %select_n3A_28 : i32
      %add3A_72 = arith.addi %arg0, %mul3A_71 : i32
      %mul3A_73 = arith.constant 16 : i32
      %mul3A_74 = arith.muli %mul3A_73, %mul3A_69 : i32
      %add3A_75 = arith.addi %add3A_72, %mul3A_74 : i32
      %lt3A_76 = arith.constant 834 : i32
      %lt3A_77 = arith.cmpi slt, %add3A_75, %lt3A_76 : i32
      %convert_element_type3A_78 = arith.extui %lt3A_77 : i1 to i32
      %cond3A_79 = arith.constant 0 : i32
      %cond3A_80 = arith.cmpi ne, %convert_element_type3A_78, %cond3A_79 : i32
      scf.if %cond3A_80 {
        %mul3A_122 = arith.constant 2 : i32
        %mul3A_123 = arith.muli %mul3A_122, %select_n3A_28 : i32
        %add3A_124 = arith.addi %arg0, %mul3A_123 : i32
        %mul3A_125 = arith.constant 16 : i32
        %mul3A_126 = arith.muli %mul3A_125, %mul3A_69 : i32
        %add3A_127 = arith.addi %add3A_124, %mul3A_126 : i32
        %eq3A_128 = arith.constant 833 : i32
        %eq3A_129 = arith.cmpi eq, %add3A_127, %eq3A_128 : i32
        %mul3A_130 = arith.constant 2 : i32
        %mul3A_131 = arith.muli %mul3A_130, %select_n3A_28 : i32
        %add3A_132 = arith.addi %arg0, %mul3A_131 : i32
        %mul3A_133 = arith.constant 16 : i32
        %mul3A_134 = arith.muli %mul3A_133, %mul3A_69 : i32
        %add3A_135 = arith.addi %add3A_132, %mul3A_134 : i32
        %mul3A_136 = arith.constant 120 : i32
        %mul3A_137 = arith.muli %add3A_135, %mul3A_136 : i32
        %jit3A_138 = arith.constant 99880 : i32
        %select_n3A_139 = arith.select %eq3A_129, %jit3A_138, %mul3A_137 : i32
        %dma_wait3A = arith.constant 0 : i32
        %dma_wait3A_140 = tpu.memref_slice %arg2[%select_n3A_139, %dma_wait3A] : memref<100000x208xf32, #tpu.memory_space<hbm>> -> memref<120x208xf32, #tpu.memory_space<hbm>>
        %dma_wait3A_141 = arith.constant 0 : i32
        %dma_wait3A_142 = tpu.memref_slice %arg2[%select_n3A_139, %dma_wait3A_141] : memref<100000x208xf32, #tpu.memory_space<hbm>> -> memref<120x208xf32, #tpu.memory_space<hbm>>
        tpu.wait_dma2 semaphore(%arg10 : memref<!tpu.dma_semaphore, #tpu.memory_space<semaphore_mem>>) src(%dma_wait3A_142 : memref<120x208xf32, #tpu.memory_space<hbm>>) dst(%arg5 : memref<120x208xf32, #tpu.memory_space<vmem>>)
        %mul3A_143 = arith.constant 2 : i32
        %mul3A_144 = arith.muli %mul3A_143, %select_n3A_28 : i32
        %add3A_145 = arith.addi %arg0, %mul3A_144 : i32
        %mul3A_146 = arith.constant 16 : i32
        %mul3A_147 = arith.muli %mul3A_146, %mul3A_69 : i32
        %add3A_148 = arith.addi %add3A_145, %mul3A_147 : i32
        %eq3A_149 = arith.constant 833 : i32
        %eq3A_150 = arith.cmpi eq, %add3A_148, %eq3A_149 : i32
        %mul3A_151 = arith.constant 2 : i32
        %mul3A_152 = arith.muli %mul3A_151, %select_n3A_28 : i32
        %add3A_153 = arith.addi %arg0, %mul3A_152 : i32
        %mul3A_154 = arith.constant 16 : i32
        %mul3A_155 = arith.muli %mul3A_154, %mul3A_69 : i32
        %add3A_156 = arith.addi %add3A_153, %mul3A_155 : i32
        %mul3A_157 = arith.constant 120 : i32
        %mul3A_158 = arith.muli %add3A_156, %mul3A_157 : i32
        %jit3A_159 = arith.constant 99880 : i32
        %select_n3A_160 = arith.select %eq3A_150, %jit3A_159, %mul3A_158 : i32
        %dma_wait3A_161 = tpu.memref_slice %arg3[%select_n3A_160] : memref<100000xi32, #tpu.memory_space<hbm>> -> memref<120xi32, #tpu.memory_space<hbm>>
        %dma_wait3A_162 = tpu.memref_slice %arg3[%select_n3A_160] : memref<100000xi32, #tpu.memory_space<hbm>> -> memref<120xi32, #tpu.memory_space<hbm>>
        tpu.wait_dma2 semaphore(%arg12 : memref<!tpu.dma_semaphore, #tpu.memory_space<semaphore_mem>>) src(%dma_wait3A_162 : memref<120xi32, #tpu.memory_space<hbm>>) dst(%arg7 : memref<120xi32, #tpu.memory_space<vmem>>)
        %mul3A_163 = arith.constant 2 : i32
        %mul3A_164 = arith.muli %mul3A_163, %select_n3A_28 : i32
        %add3A_165 = arith.addi %arg0, %mul3A_164 : i32
        %mul3A_166 = arith.constant 16 : i32
        %mul3A_167 = arith.muli %mul3A_166, %mul3A_69 : i32
        %add3A_168 = arith.addi %add3A_165, %mul3A_167 : i32
        %eq3A_169 = arith.constant 833 : i32
        %eq3A_170 = arith.cmpi eq, %add3A_168, %eq3A_169 : i32
        %jit3A_171 = arith.constant 80 : i32
        %jit3A_172 = arith.constant 0 : i32
        %select_n3A_173 = arith.select %eq3A_170, %jit3A_171, %jit3A_172 : i32
        %eq3A_174 = arith.constant 0 : i32
        %eq3A_175 = arith.cmpi eq, %select_n3A_7, %eq3A_174 : i32
        %convert_element_type3A_176 = arith.extui %eq3A_175 : i1 to i32
        %cond3A_177 = arith.constant 0 : i32
        %cond3A_178 = arith.cmpi ne, %convert_element_type3A_176, %cond3A_177 : i32
        scf.if %cond3A_178 {
          %while3A = arith.constant 0 : i32
          %while3A_184 = arith.constant 120 : i32
          %while3A_185 = arith.subi %while3A_184, %select_n3A_173 : i32
          %while3A_186 = arith.addi %select_n3A_173, %while3A_185 : i32
          %while3A_187 = arith.constant 1 : i32
          %while3A_188 = arith.divsi %while3A_185, %while3A_187 : i32
          %while3A_189 = arith.muli %while3A_188, %while3A_187 : i32
          %while3A_190 = arith.addi %select_n3A_173, %while3A_189 : i32
          %while3A_191 = arith.constant 1 : i32
          scf.for %while3A_193 = %select_n3A_173 to %while3A_190 step %while3A_191  : i32 {
            %add3A_194 = vector.broadcast %while3A_193 : i32 to vector<16xi32>
            %add3A_195 = arith.addi %broadcast_in_dim3A_33, %add3A_194 : vector<16xi32>
            %gather3A = tpu.vector_load_idx %arg7[%add3A_195] : memref<120xi32, #tpu.memory_space<vmem>>[vector<16xi32>], vector<16xi32>,
            %mul3A_196 = arith.constant 128 : i32
            %mul3A_197 = vector.broadcast %mul3A_196 : i32 to vector<16xi32>
            %mul3A_198 = arith.muli %gather3A, %mul3A_197 : vector<16xi32>
            %add3A_199 = arith.addi %mul3A_198, %iota3A : vector<16xi32>
            %get3A = arith.index_cast %while3A_193 : i32 to index
            %get3A_200 = arith.constant 0 : index
            %get3A_201 = tpu.vector_load %arg5[%get3A, %get3A_200] {strides = array<i32>} : memref<120x208xf32, #tpu.memory_space<vmem>>, vector<16xf32>,
            %add3A_202 = arith.constant 0 : i32
            %add3A_203 = vector.broadcast %add3A_202 : i32 to vector<16xi32>
            %add3A_204 = arith.addi %add3A_199, %add3A_203 : vector<16xi32>
            %mul3A_205 = arith.mulf %get3A_201, %get3A_201 : vector<16xf32>
            tpu.vector_store_idx %arg9[%add3A_204], %mul3A_205 {add = true} : memref<65536xf32, #tpu.memory_space<vmem>>[vector<16xi32>], vector<16xf32>,
            %add3A_206 = arith.constant 96 : i32
            %add3A_207 = vector.broadcast %add3A_206 : i32 to vector<16xi32>
            %add3A_208 = arith.addi %add3A_199, %add3A_207 : vector<16xi32>
            tpu.vector_store_idx %arg9[%add3A_208], %get3A_201 {add = true} : memref<65536xf32, #tpu.memory_space<vmem>>[vector<16xi32>], vector<16xf32>,
            %get3A_209 = arith.index_cast %while3A_193 : i32 to index
            %get3A_210 = arith.constant 16 : index
            %get3A_211 = tpu.vector_load %arg5[%get3A_209, %get3A_210] {strides = array<i32>} : memref<120x208xf32, #tpu.memory_space<vmem>>, vector<16xf32>,
            %add3A_212 = arith.constant 16 : i32
            %add3A_213 = vector.broadcast %add3A_212 : i32 to vector<16xi32>
            %add3A_214 = arith.addi %add3A_199, %add3A_213 : vector<16xi32>
            %mul3A_215 = arith.mulf %get3A_211, %get3A_211 : vector<16xf32>
            tpu.vector_store_idx %arg9[%add3A_214], %mul3A_215 {add = true} : memref<65536xf32, #tpu.memory_space<vmem>>[vector<16xi32>], vector<16xf32>,
            %add3A_216 = arith.constant 112 : i32
            %add3A_217 = vector.broadcast %add3A_216 : i32 to vector<16xi32>
            %add3A_218 = arith.addi %add3A_199, %add3A_217 : vector<16xi32>
            tpu.vector_store_idx %arg9[%add3A_218], %get3A_211 {add = true} : memref<65536xf32, #tpu.memory_space<vmem>>[vector<16xi32>], vector<16xf32>,
            %get3A_219 = arith.index_cast %while3A_193 : i32 to index
            %get3A_220 = arith.constant 32 : index
            %get3A_221 = tpu.vector_load %arg5[%get3A_219, %get3A_220] {strides = array<i32>} : memref<120x208xf32, #tpu.memory_space<vmem>>, vector<16xf32>,
            %add3A_222 = arith.constant 32 : i32
            %add3A_223 = vector.broadcast %add3A_222 : i32 to vector<16xi32>
            %add3A_224 = arith.addi %add3A_199, %add3A_223 : vector<16xi32>
            %mul3A_225 = arith.mulf %get3A_221, %get3A_221 : vector<16xf32>
            tpu.vector_store_idx %arg9[%add3A_224], %mul3A_225 {add = true} : memref<65536xf32, #tpu.memory_space<vmem>>[vector<16xi32>], vector<16xf32>,
            %get3A_226 = arith.index_cast %while3A_193 : i32 to index
            %get3A_227 = arith.constant 48 : index
            %get3A_228 = tpu.vector_load %arg5[%get3A_226, %get3A_227] {strides = array<i32>} : memref<120x208xf32, #tpu.memory_space<vmem>>, vector<16xf32>,
            %add3A_229 = arith.constant 48 : i32
            %add3A_230 = vector.broadcast %add3A_229 : i32 to vector<16xi32>
            %add3A_231 = arith.addi %add3A_199, %add3A_230 : vector<16xi32>
            %mul3A_232 = arith.mulf %get3A_228, %get3A_228 : vector<16xf32>
            tpu.vector_store_idx %arg9[%add3A_231], %mul3A_232 {add = true} : memref<65536xf32, #tpu.memory_space<vmem>>[vector<16xi32>], vector<16xf32>,
            %get3A_233 = arith.index_cast %while3A_193 : i32 to index
            %get3A_234 = arith.constant 64 : index
            %get3A_235 = tpu.vector_load %arg5[%get3A_233, %get3A_234] {strides = array<i32>} : memref<120x208xf32, #tpu.memory_space<vmem>>, vector<16xf32>,
            %add3A_236 = arith.constant 64 : i32
            %add3A_237 = vector.broadcast %add3A_236 : i32 to vector<16xi32>
            %add3A_238 = arith.addi %add3A_199, %add3A_237 : vector<16xi32>
            %mul3A_239 = arith.mulf %get3A_235, %get3A_235 : vector<16xf32>
            tpu.vector_store_idx %arg9[%add3A_238], %mul3A_239 {add = true} : memref<65536xf32, #tpu.memory_space<vmem>>[vector<16xi32>], vector<16xf32>,
            %get3A_240 = arith.index_cast %while3A_193 : i32 to index
            %get3A_241 = arith.constant 80 : index
            %get3A_242 = tpu.vector_load %arg5[%get3A_240, %get3A_241] {strides = array<i32>} : memref<120x208xf32, #tpu.memory_space<vmem>>, vector<16xf32>,
            %add3A_243 = arith.constant 80 : i32
            %add3A_244 = vector.broadcast %add3A_243 : i32 to vector<16xi32>
            %add3A_245 = arith.addi %add3A_199, %add3A_244 : vector<16xi32>
            %mul3A_246 = arith.mulf %get3A_242, %get3A_242 : vector<16xf32>
            tpu.vector_store_idx %arg9[%add3A_245], %mul3A_246 {add = true} : memref<65536xf32, #tpu.memory_space<vmem>>[vector<16xi32>], vector<16xf32>,
          }
          %while3A_192 = arith.constant 1 : i32
          scf.for %while3A_193 = %while3A_190 to %while3A_186 step %while3A_192  : i32 {
            %add3A_194 = vector.broadcast %while3A_193 : i32 to vector<16xi32>
            %add3A_195 = arith.addi %broadcast_in_dim3A_33, %add3A_194 : vector<16xi32>
            %gather3A = tpu.vector_load_idx %arg7[%add3A_195] : memref<120xi32, #tpu.memory_space<vmem>>[vector<16xi32>], vector<16xi32>,
            %mul3A_196 = arith.constant 128 : i32
            %mul3A_197 = vector.broadcast %mul3A_196 : i32 to vector<16xi32>
            %mul3A_198 = arith.muli %gather3A, %mul3A_197 : vector<16xi32>
            %add3A_199 = arith.addi %mul3A_198, %iota3A : vector<16xi32>
            %get3A = arith.index_cast %while3A_193 : i32 to index
            %get3A_200 = arith.constant 0 : index
            %get3A_201 = tpu.vector_load %arg5[%get3A, %get3A_200] {strides = array<i32>} : memref<120x208xf32, #tpu.memory_space<vmem>>, vector<16xf32>,
            %add3A_202 = arith.constant 0 : i32
            %add3A_203 = vector.broadcast %add3A_202 : i32 to vector<16xi32>
            %add3A_204 = arith.addi %add3A_199, %add3A_203 : vector<16xi32>
            %mul3A_205 = arith.mulf %get3A_201, %get3A_201 : vector<16xf32>
            tpu.vector_store_idx %arg9[%add3A_204], %mul3A_205 {add = true} : memref<65536xf32, #tpu.memory_space<vmem>>[vector<16xi32>], vector<16xf32>,
            %add3A_206 = arith.constant 96 : i32
            %add3A_207 = vector.broadcast %add3A_206 : i32 to vector<16xi32>
            %add3A_208 = arith.addi %add3A_199, %add3A_207 : vector<16xi32>
            tpu.vector_store_idx %arg9[%add3A_208], %get3A_201 {add = true} : memref<65536xf32, #tpu.memory_space<vmem>>[vector<16xi32>], vector<16xf32>,
            %get3A_209 = arith.index_cast %while3A_193 : i32 to index
            %get3A_210 = arith.constant 16 : index
            %get3A_211 = tpu.vector_load %arg5[%get3A_209, %get3A_210] {strides = array<i32>} : memref<120x208xf32, #tpu.memory_space<vmem>>, vector<16xf32>,
            %add3A_212 = arith.constant 16 : i32
            %add3A_213 = vector.broadcast %add3A_212 : i32 to vector<16xi32>
            %add3A_214 = arith.addi %add3A_199, %add3A_213 : vector<16xi32>
            %mul3A_215 = arith.mulf %get3A_211, %get3A_211 : vector<16xf32>
            tpu.vector_store_idx %arg9[%add3A_214], %mul3A_215 {add = true} : memref<65536xf32, #tpu.memory_space<vmem>>[vector<16xi32>], vector<16xf32>,
            %add3A_216 = arith.constant 112 : i32
            %add3A_217 = vector.broadcast %add3A_216 : i32 to vector<16xi32>
            %add3A_218 = arith.addi %add3A_199, %add3A_217 : vector<16xi32>
            tpu.vector_store_idx %arg9[%add3A_218], %get3A_211 {add = true} : memref<65536xf32, #tpu.memory_space<vmem>>[vector<16xi32>], vector<16xf32>,
            %get3A_219 = arith.index_cast %while3A_193 : i32 to index
            %get3A_220 = arith.constant 32 : index
            %get3A_221 = tpu.vector_load %arg5[%get3A_219, %get3A_220] {strides = array<i32>} : memref<120x208xf32, #tpu.memory_space<vmem>>, vector<16xf32>,
            %add3A_222 = arith.constant 32 : i32
            %add3A_223 = vector.broadcast %add3A_222 : i32 to vector<16xi32>
            %add3A_224 = arith.addi %add3A_199, %add3A_223 : vector<16xi32>
            %mul3A_225 = arith.mulf %get3A_221, %get3A_221 : vector<16xf32>
            tpu.vector_store_idx %arg9[%add3A_224], %mul3A_225 {add = true} : memref<65536xf32, #tpu.memory_space<vmem>>[vector<16xi32>], vector<16xf32>,
            %get3A_226 = arith.index_cast %while3A_193 : i32 to index
            %get3A_227 = arith.constant 48 : index
            %get3A_228 = tpu.vector_load %arg5[%get3A_226, %get3A_227] {strides = array<i32>} : memref<120x208xf32, #tpu.memory_space<vmem>>, vector<16xf32>,
            %add3A_229 = arith.constant 48 : i32
            %add3A_230 = vector.broadcast %add3A_229 : i32 to vector<16xi32>
            %add3A_231 = arith.addi %add3A_199, %add3A_230 : vector<16xi32>
            %mul3A_232 = arith.mulf %get3A_228, %get3A_228 : vector<16xf32>
            tpu.vector_store_idx %arg9[%add3A_231], %mul3A_232 {add = true} : memref<65536xf32, #tpu.memory_space<vmem>>[vector<16xi32>], vector<16xf32>,
            %get3A_233 = arith.index_cast %while3A_193 : i32 to index
            %get3A_234 = arith.constant 64 : index
            %get3A_235 = tpu.vector_load %arg5[%get3A_233, %get3A_234] {strides = array<i32>} : memref<120x208xf32, #tpu.memory_space<vmem>>, vector<16xf32>,
            %add3A_236 = arith.constant 64 : i32
            %add3A_237 = vector.broadcast %add3A_236 : i32 to vector<16xi32>
            %add3A_238 = arith.addi %add3A_199, %add3A_237 : vector<16xi32>
            %mul3A_239 = arith.mulf %get3A_235, %get3A_235 : vector<16xf32>
            tpu.vector_store_idx %arg9[%add3A_238], %mul3A_239 {add = true} : memref<65536xf32, #tpu.memory_space<vmem>>[vector<16xi32>], vector<16xf32>,
            %get3A_240 = arith.index_cast %while3A_193 : i32 to index
            %get3A_241 = arith.constant 80 : index
            %get3A_242 = tpu.vector_load %arg5[%get3A_240, %get3A_241] {strides = array<i32>} : memref<120x208xf32, #tpu.memory_space<vmem>>, vector<16xf32>,
            %add3A_243 = arith.constant 80 : i32
            %add3A_244 = vector.broadcast %add3A_243 : i32 to vector<16xi32>
            %add3A_245 = arith.addi %add3A_199, %add3A_244 : vector<16xi32>
            %mul3A_246 = arith.mulf %get3A_242, %get3A_242 : vector<16xf32>
            tpu.vector_store_idx %arg9[%add3A_245], %mul3A_246 {add = true} : memref<65536xf32, #tpu.memory_space<vmem>>[vector<16xi32>], vector<16xf32>,
          }
        } else {
        }
        %eq3A_179 = arith.constant 1 : i32
        %eq3A_180 = arith.cmpi eq, %select_n3A_7, %eq3A_179 : i32
        %convert_element_type3A_181 = arith.extui %eq3A_180 : i1 to i32
        %cond3A_182 = arith.constant 0 : i32
        %cond3A_183 = arith.cmpi ne, %convert_element_type3A_181, %cond3A_182 : i32
        scf.if %cond3A_183 {
          %while3A = arith.constant 0 : i32
          %while3A_184 = arith.constant 120 : i32
          %while3A_185 = arith.subi %while3A_184, %select_n3A_173 : i32
          %while3A_186 = arith.addi %select_n3A_173, %while3A_185 : i32
          %while3A_187 = arith.constant 1 : i32
          %while3A_188 = arith.divsi %while3A_185, %while3A_187 : i32
          %while3A_189 = arith.muli %while3A_188, %while3A_187 : i32
          %while3A_190 = arith.addi %select_n3A_173, %while3A_189 : i32
          %while3A_191 = arith.constant 1 : i32
          scf.for %while3A_193 = %select_n3A_173 to %while3A_190 step %while3A_191  : i32 {
            %add3A_194 = vector.broadcast %while3A_193 : i32 to vector<16xi32>
            %add3A_195 = arith.addi %broadcast_in_dim3A_33, %add3A_194 : vector<16xi32>
            %gather3A = tpu.vector_load_idx %arg7[%add3A_195] : memref<120xi32, #tpu.memory_space<vmem>>[vector<16xi32>], vector<16xi32>,
            %mul3A_196 = arith.constant 128 : i32
            %mul3A_197 = vector.broadcast %mul3A_196 : i32 to vector<16xi32>
            %mul3A_198 = arith.muli %gather3A, %mul3A_197 : vector<16xi32>
            %add3A_199 = arith.addi %mul3A_198, %iota3A : vector<16xi32>
            %get3A = arith.index_cast %while3A_193 : i32 to index
            %get3A_200 = arith.constant 96 : index
            %get3A_201 = tpu.vector_load %arg5[%get3A, %get3A_200] {strides = array<i32>} : memref<120x208xf32, #tpu.memory_space<vmem>>, vector<16xf32>,
            %add3A_202 = arith.constant 0 : i32
            %add3A_203 = vector.broadcast %add3A_202 : i32 to vector<16xi32>
            %add3A_204 = arith.addi %add3A_199, %add3A_203 : vector<16xi32>
            %mul3A_205 = arith.mulf %get3A_201, %get3A_201 : vector<16xf32>
            tpu.vector_store_idx %arg9[%add3A_204], %mul3A_205 {add = true} : memref<65536xf32, #tpu.memory_space<vmem>>[vector<16xi32>], vector<16xf32>,
            %get3A_206 = arith.index_cast %while3A_193 : i32 to index
            %get3A_207 = arith.constant 112 : index
            %get3A_208 = tpu.vector_load %arg5[%get3A_206, %get3A_207] {strides = array<i32>} : memref<120x208xf32, #tpu.memory_space<vmem>>, vector<16xf32>,
            %add3A_209 = arith.constant 16 : i32
            %add3A_210 = vector.broadcast %add3A_209 : i32 to vector<16xi32>
            %add3A_211 = arith.addi %add3A_199, %add3A_210 : vector<16xi32>
            %mul3A_212 = arith.mulf %get3A_208, %get3A_208 : vector<16xf32>
            tpu.vector_store_idx %arg9[%add3A_211], %mul3A_212 {add = true} : memref<65536xf32, #tpu.memory_space<vmem>>[vector<16xi32>], vector<16xf32>,
            %get3A_213 = arith.index_cast %while3A_193 : i32 to index
            %get3A_214 = arith.constant 128 : index
            %get3A_215 = tpu.vector_load %arg5[%get3A_213, %get3A_214] {strides = array<i32>} : memref<120x208xf32, #tpu.memory_space<vmem>>, vector<16xf32>,
            %add3A_216 = arith.constant 32 : i32
            %add3A_217 = vector.broadcast %add3A_216 : i32 to vector<16xi32>
            %add3A_218 = arith.addi %add3A_199, %add3A_217 : vector<16xi32>
            %mul3A_219 = arith.mulf %get3A_215, %get3A_215 : vector<16xf32>
            tpu.vector_store_idx %arg9[%add3A_218], %mul3A_219 {add = true} : memref<65536xf32, #tpu.memory_space<vmem>>[vector<16xi32>], vector<16xf32>,
            %get3A_220 = arith.index_cast %while3A_193 : i32 to index
            %get3A_221 = arith.constant 144 : index
            %get3A_222 = tpu.vector_load %arg5[%get3A_220, %get3A_221] {strides = array<i32>} : memref<120x208xf32, #tpu.memory_space<vmem>>, vector<16xf32>,
            %add3A_223 = arith.constant 48 : i32
            %add3A_224 = vector.broadcast %add3A_223 : i32 to vector<16xi32>
            %add3A_225 = arith.addi %add3A_199, %add3A_224 : vector<16xi32>
            %mul3A_226 = arith.mulf %get3A_222, %get3A_222 : vector<16xf32>
            tpu.vector_store_idx %arg9[%add3A_225], %mul3A_226 {add = true} : memref<65536xf32, #tpu.memory_space<vmem>>[vector<16xi32>], vector<16xf32>,
            %get3A_227 = arith.index_cast %while3A_193 : i32 to index
            %get3A_228 = arith.constant 160 : index
            %get3A_229 = tpu.vector_load %arg5[%get3A_227, %get3A_228] {strides = array<i32>} : memref<120x208xf32, #tpu.memory_space<vmem>>, vector<16xf32>,
            %add3A_230 = arith.constant 64 : i32
            %add3A_231 = vector.broadcast %add3A_230 : i32 to vector<16xi32>
            %add3A_232 = arith.addi %add3A_199, %add3A_231 : vector<16xi32>
            %mul3A_233 = arith.mulf %get3A_229, %get3A_229 : vector<16xf32>
            tpu.vector_store_idx %arg9[%add3A_232], %mul3A_233 {add = true} : memref<65536xf32, #tpu.memory_space<vmem>>[vector<16xi32>], vector<16xf32>,
            %get3A_234 = arith.index_cast %while3A_193 : i32 to index
            %get3A_235 = arith.constant 176 : index
            %get3A_236 = tpu.vector_load %arg5[%get3A_234, %get3A_235] {strides = array<i32>} : memref<120x208xf32, #tpu.memory_space<vmem>>, vector<16xf32>,
            %add3A_237 = arith.constant 80 : i32
            %add3A_238 = vector.broadcast %add3A_237 : i32 to vector<16xi32>
            %add3A_239 = arith.addi %add3A_199, %add3A_238 : vector<16xi32>
            %mul3A_240 = arith.mulf %get3A_236, %get3A_236 : vector<16xf32>
            tpu.vector_store_idx %arg9[%add3A_239], %mul3A_240 {add = true} : memref<65536xf32, #tpu.memory_space<vmem>>[vector<16xi32>], vector<16xf32>,
            %get3A_241 = arith.index_cast %while3A_193 : i32 to index
            %get3A_242 = arith.constant 192 : index
            %get3A_243 = tpu.vector_load %arg5[%get3A_241, %get3A_242] {strides = array<i32>} : memref<120x208xf32, #tpu.memory_space<vmem>>, vector<16xf32>,
            %add3A_244 = arith.constant 96 : i32
            %add3A_245 = vector.broadcast %add3A_244 : i32 to vector<16xi32>
            %add3A_246 = arith.addi %add3A_199, %add3A_245 : vector<16xi32>
            %mul3A_247 = arith.mulf %get3A_243, %get3A_243 : vector<16xf32>
            tpu.vector_store_idx %arg9[%add3A_246], %mul3A_247 {add = true} : memref<65536xf32, #tpu.memory_space<vmem>>[vector<16xi32>], vector<16xf32>,
            %add3A_248 = arith.constant 112 : i32
            %add3A_249 = vector.broadcast %add3A_248 : i32 to vector<16xi32>
            %add3A_250 = arith.addi %add3A_199, %add3A_249 : vector<16xi32>
            tpu.vector_store_idx %arg9[%add3A_250], %broadcast_in_dim3A_31 {add = true} : memref<65536xf32, #tpu.memory_space<vmem>>[vector<16xi32>], vector<16xf32>,
          }
          %while3A_192 = arith.constant 1 : i32
          scf.for %while3A_193 = %while3A_190 to %while3A_186 step %while3A_192  : i32 {
            %add3A_194 = vector.broadcast %while3A_193 : i32 to vector<16xi32>
            %add3A_195 = arith.addi %broadcast_in_dim3A_33, %add3A_194 : vector<16xi32>
            %gather3A = tpu.vector_load_idx %arg7[%add3A_195] : memref<120xi32, #tpu.memory_space<vmem>>[vector<16xi32>], vector<16xi32>,
            %mul3A_196 = arith.constant 128 : i32
            %mul3A_197 = vector.broadcast %mul3A_196 : i32 to vector<16xi32>
            %mul3A_198 = arith.muli %gather3A, %mul3A_197 : vector<16xi32>
            %add3A_199 = arith.addi %mul3A_198, %iota3A : vector<16xi32>
            %get3A = arith.index_cast %while3A_193 : i32 to index
            %get3A_200 = arith.constant 96 : index
            %get3A_201 = tpu.vector_load %arg5[%get3A, %get3A_200] {strides = array<i32>} : memref<120x208xf32, #tpu.memory_space<vmem>>, vector<16xf32>,
            %add3A_202 = arith.constant 0 : i32
            %add3A_203 = vector.broadcast %add3A_202 : i32 to vector<16xi32>
            %add3A_204 = arith.addi %add3A_199, %add3A_203 : vector<16xi32>
            %mul3A_205 = arith.mulf %get3A_201, %get3A_201 : vector<16xf32>
            tpu.vector_store_idx %arg9[%add3A_204], %mul3A_205 {add = true} : memref<65536xf32, #tpu.memory_space<vmem>>[vector<16xi32>], vector<16xf32>,
            %get3A_206 = arith.index_cast %while3A_193 : i32 to index
            %get3A_207 = arith.constant 112 : index
            %get3A_208 = tpu.vector_load %arg5[%get3A_206, %get3A_207] {strides = array<i32>} : memref<120x208xf32, #tpu.memory_space<vmem>>, vector<16xf32>,
            %add3A_209 = arith.constant 16 : i32
            %add3A_210 = vector.broadcast %add3A_209 : i32 to vector<16xi32>
            %add3A_211 = arith.addi %add3A_199, %add3A_210 : vector<16xi32>
            %mul3A_212 = arith.mulf %get3A_208, %get3A_208 : vector<16xf32>
            tpu.vector_store_idx %arg9[%add3A_211], %mul3A_212 {add = true} : memref<65536xf32, #tpu.memory_space<vmem>>[vector<16xi32>], vector<16xf32>,
            %get3A_213 = arith.index_cast %while3A_193 : i32 to index
            %get3A_214 = arith.constant 128 : index
            %get3A_215 = tpu.vector_load %arg5[%get3A_213, %get3A_214] {strides = array<i32>} : memref<120x208xf32, #tpu.memory_space<vmem>>, vector<16xf32>,
            %add3A_216 = arith.constant 32 : i32
            %add3A_217 = vector.broadcast %add3A_216 : i32 to vector<16xi32>
            %add3A_218 = arith.addi %add3A_199, %add3A_217 : vector<16xi32>
            %mul3A_219 = arith.mulf %get3A_215, %get3A_215 : vector<16xf32>
            tpu.vector_store_idx %arg9[%add3A_218], %mul3A_219 {add = true} : memref<65536xf32, #tpu.memory_space<vmem>>[vector<16xi32>], vector<16xf32>,
            %get3A_220 = arith.index_cast %while3A_193 : i32 to index
            %get3A_221 = arith.constant 144 : index
            %get3A_222 = tpu.vector_load %arg5[%get3A_220, %get3A_221] {strides = array<i32>} : memref<120x208xf32, #tpu.memory_space<vmem>>, vector<16xf32>,
            %add3A_223 = arith.constant 48 : i32
            %add3A_224 = vector.broadcast %add3A_223 : i32 to vector<16xi32>
            %add3A_225 = arith.addi %add3A_199, %add3A_224 : vector<16xi32>
            %mul3A_226 = arith.mulf %get3A_222, %get3A_222 : vector<16xf32>
            tpu.vector_store_idx %arg9[%add3A_225], %mul3A_226 {add = true} : memref<65536xf32, #tpu.memory_space<vmem>>[vector<16xi32>], vector<16xf32>,
            %get3A_227 = arith.index_cast %while3A_193 : i32 to index
            %get3A_228 = arith.constant 160 : index
            %get3A_229 = tpu.vector_load %arg5[%get3A_227, %get3A_228] {strides = array<i32>} : memref<120x208xf32, #tpu.memory_space<vmem>>, vector<16xf32>,
            %add3A_230 = arith.constant 64 : i32
            %add3A_231 = vector.broadcast %add3A_230 : i32 to vector<16xi32>
            %add3A_232 = arith.addi %add3A_199, %add3A_231 : vector<16xi32>
            %mul3A_233 = arith.mulf %get3A_229, %get3A_229 : vector<16xf32>
            tpu.vector_store_idx %arg9[%add3A_232], %mul3A_233 {add = true} : memref<65536xf32, #tpu.memory_space<vmem>>[vector<16xi32>], vector<16xf32>,
            %get3A_234 = arith.index_cast %while3A_193 : i32 to index
            %get3A_235 = arith.constant 176 : index
            %get3A_236 = tpu.vector_load %arg5[%get3A_234, %get3A_235] {strides = array<i32>} : memref<120x208xf32, #tpu.memory_space<vmem>>, vector<16xf32>,
            %add3A_237 = arith.constant 80 : i32
            %add3A_238 = vector.broadcast %add3A_237 : i32 to vector<16xi32>
            %add3A_239 = arith.addi %add3A_199, %add3A_238 : vector<16xi32>
            %mul3A_240 = arith.mulf %get3A_236, %get3A_236 : vector<16xf32>
            tpu.vector_store_idx %arg9[%add3A_239], %mul3A_240 {add = true} : memref<65536xf32, #tpu.memory_space<vmem>>[vector<16xi32>], vector<16xf32>,
            %get3A_241 = arith.index_cast %while3A_193 : i32 to index
            %get3A_242 = arith.constant 192 : index
            %get3A_243 = tpu.vector_load %arg5[%get3A_241, %get3A_242] {strides = array<i32>} : memref<120x208xf32, #tpu.memory_space<vmem>>, vector<16xf32>,
            %add3A_244 = arith.constant 96 : i32
            %add3A_245 = vector.broadcast %add3A_244 : i32 to vector<16xi32>
            %add3A_246 = arith.addi %add3A_199, %add3A_245 : vector<16xi32>
            %mul3A_247 = arith.mulf %get3A_243, %get3A_243 : vector<16xf32>
            tpu.vector_store_idx %arg9[%add3A_246], %mul3A_247 {add = true} : memref<65536xf32, #tpu.memory_space<vmem>>[vector<16xi32>], vector<16xf32>,
            %add3A_248 = arith.constant 112 : i32
            %add3A_249 = vector.broadcast %add3A_248 : i32 to vector<16xi32>
            %add3A_250 = arith.addi %add3A_199, %add3A_249 : vector<16xi32>
            tpu.vector_store_idx %arg9[%add3A_250], %broadcast_in_dim3A_31 {add = true} : memref<65536xf32, #tpu.memory_space<vmem>>[vector<16xi32>], vector<16xf32>,
          }
        } else {
        }
      } else {
      }
      %add3A_81 = arith.constant 2 : i32
      %add3A_82 = arith.addi %mul3A_69, %add3A_81 : i32
      %mul3A_83 = arith.constant 2 : i32
      %mul3A_84 = arith.muli %mul3A_83, %select_n3A_28 : i32
      %add3A_85 = arith.addi %arg0, %mul3A_84 : i32
      %mul3A_86 = arith.constant 16 : i32
      %mul3A_87 = arith.muli %mul3A_86, %add3A_82 : i32
      %add3A_88 = arith.addi %add3A_85, %mul3A_87 : i32
      %lt3A_89 = arith.constant 834 : i32
      %lt3A_90 = arith.cmpi slt, %add3A_88, %lt3A_89 : i32
      %convert_element_type3A_91 = arith.extui %lt3A_90 : i1 to i32
      %cond3A_92 = arith.constant 0 : i32
      %cond3A_93 = arith.cmpi ne, %convert_element_type3A_91, %cond3A_92 : i32
      scf.if %cond3A_93 {
        %mul3A_122 = arith.constant 2 : i32
        %mul3A_123 = arith.muli %mul3A_122, %select_n3A_28 : i32
        %add3A_124 = arith.addi %arg0, %mul3A_123 : i32
        %mul3A_125 = arith.constant 16 : i32
        %mul3A_126 = arith.muli %mul3A_125, %add3A_82 : i32
        %add3A_127 = arith.addi %add3A_124, %mul3A_126 : i32
        %eq3A_128 = arith.constant 833 : i32
        %eq3A_129 = arith.cmpi eq, %add3A_127, %eq3A_128 : i32
        %mul3A_130 = arith.constant 2 : i32
        %mul3A_131 = arith.muli %mul3A_130, %select_n3A_28 : i32
        %add3A_132 = arith.addi %arg0, %mul3A_131 : i32
        %mul3A_133 = arith.constant 16 : i32
        %mul3A_134 = arith.muli %mul3A_133, %add3A_82 : i32
        %add3A_135 = arith.addi %add3A_132, %mul3A_134 : i32
        %mul3A_136 = arith.constant 120 : i32
        %mul3A_137 = arith.muli %add3A_135, %mul3A_136 : i32
        %jit3A_138 = arith.constant 99880 : i32
        %select_n3A_139 = arith.select %eq3A_129, %jit3A_138, %mul3A_137 : i32
        %dma_start3A = arith.constant 0 : i32
        %dma_start3A_140 = tpu.memref_slice %arg2[%select_n3A_139, %dma_start3A] : memref<100000x208xf32, #tpu.memory_space<hbm>> -> memref<120x208xf32, #tpu.memory_space<hbm>>
        %dma_start3A_141 = arith.constant 0 : i32
        %dma_start3A_142 = tpu.memref_slice %arg2[%select_n3A_139, %dma_start3A_141] : memref<100000x208xf32, #tpu.memory_space<hbm>> -> memref<120x208xf32, #tpu.memory_space<hbm>>
        tpu.enqueue_dma source(%dma_start3A_142 : memref<120x208xf32, #tpu.memory_space<hbm>>) target(%arg5 : memref<120x208xf32, #tpu.memory_space<vmem>>) target_semaphore(%arg10 : memref<!tpu.dma_semaphore, #tpu.memory_space<semaphore_mem>>)
        %mul3A_143 = arith.constant 2 : i32
        %mul3A_144 = arith.muli %mul3A_143, %select_n3A_28 : i32
        %add3A_145 = arith.addi %arg0, %mul3A_144 : i32
        %mul3A_146 = arith.constant 16 : i32
        %mul3A_147 = arith.muli %mul3A_146, %add3A_82 : i32
        %add3A_148 = arith.addi %add3A_145, %mul3A_147 : i32
        %eq3A_149 = arith.constant 833 : i32
        %eq3A_150 = arith.cmpi eq, %add3A_148, %eq3A_149 : i32
        %mul3A_151 = arith.constant 2 : i32
        %mul3A_152 = arith.muli %mul3A_151, %select_n3A_28 : i32
        %add3A_153 = arith.addi %arg0, %mul3A_152 : i32
        %mul3A_154 = arith.constant 16 : i32
        %mul3A_155 = arith.muli %mul3A_154, %add3A_82 : i32
        %add3A_156 = arith.addi %add3A_153, %mul3A_155 : i32
        %mul3A_157 = arith.constant 120 : i32
        %mul3A_158 = arith.muli %add3A_156, %mul3A_157 : i32
        %jit3A_159 = arith.constant 99880 : i32
        %select_n3A_160 = arith.select %eq3A_150, %jit3A_159, %mul3A_158 : i32
        %dma_start3A_161 = tpu.memref_slice %arg3[%select_n3A_160] : memref<100000xi32, #tpu.memory_space<hbm>> -> memref<120xi32, #tpu.memory_space<hbm>>
        %dma_start3A_162 = tpu.memref_slice %arg3[%select_n3A_160] : memref<100000xi32, #tpu.memory_space<hbm>> -> memref<120xi32, #tpu.memory_space<hbm>>
        tpu.enqueue_dma source(%dma_start3A_162 : memref<120xi32, #tpu.memory_space<hbm>>) target(%arg7 : memref<120xi32, #tpu.memory_space<vmem>>) target_semaphore(%arg12 : memref<!tpu.dma_semaphore, #tpu.memory_space<semaphore_mem>>)
      } else {
      }
      %mul3A_94 = arith.constant 2 : i32
      %mul3A_95 = arith.muli %mul3A_94, %scan3A_67 : i32
      %add3A_96 = arith.constant 1 : i32
      %add3A_97 = arith.addi %mul3A_95, %add3A_96 : i32
      %mul3A_98 = arith.constant 2 : i32
      %mul3A_99 = arith.muli %mul3A_98, %select_n3A_28 : i32
      %add3A_100 = arith.addi %arg0, %mul3A_99 : i32
      %mul3A_101 = arith.constant 16 : i32
      %mul3A_102 = arith.muli %mul3A_101, %add3A_97 : i32
      %add3A_103 = arith.addi %add3A_100, %mul3A_102 : i32
      %lt3A_104 = arith.constant 834 : i32
      %lt3A_105 = arith.cmpi slt, %add3A_103, %lt3A_104 : i32
      %convert_element_type3A_106 = arith.extui %lt3A_105 : i1 to i32
      %cond3A_107 = arith.constant 0 : i32
      %cond3A_108 = arith.cmpi ne, %convert_element_type3A_106, %cond3A_107 : i32
      scf.if %cond3A_108 {
        %mul3A_122 = arith.constant 2 : i32
        %mul3A_123 = arith.muli %mul3A_122, %select_n3A_28 : i32
        %add3A_124 = arith.addi %arg0, %mul3A_123 : i32
        %mul3A_125 = arith.constant 16 : i32
        %mul3A_126 = arith.muli %mul3A_125, %add3A_97 : i32
        %add3A_127 = arith.addi %add3A_124, %mul3A_126 : i32
        %eq3A_128 = arith.constant 833 : i32
        %eq3A_129 = arith.cmpi eq, %add3A_127, %eq3A_128 : i32
        %mul3A_130 = arith.constant 2 : i32
        %mul3A_131 = arith.muli %mul3A_130, %select_n3A_28 : i32
        %add3A_132 = arith.addi %arg0, %mul3A_131 : i32
        %mul3A_133 = arith.constant 16 : i32
        %mul3A_134 = arith.muli %mul3A_133, %add3A_97 : i32
        %add3A_135 = arith.addi %add3A_132, %mul3A_134 : i32
        %mul3A_136 = arith.constant 120 : i32
        %mul3A_137 = arith.muli %add3A_135, %mul3A_136 : i32
        %jit3A_138 = arith.constant 99880 : i32
        %select_n3A_139 = arith.select %eq3A_129, %jit3A_138, %mul3A_137 : i32
        %dma_wait3A = arith.constant 0 : i32
        %dma_wait3A_140 = tpu.memref_slice %arg2[%select_n3A_139, %dma_wait3A] : memref<100000x208xf32, #tpu.memory_space<hbm>> -> memref<120x208xf32, #tpu.memory_space<hbm>>
        %dma_wait3A_141 = arith.constant 0 : i32
        %dma_wait3A_142 = tpu.memref_slice %arg2[%select_n3A_139, %dma_wait3A_141] : memref<100000x208xf32, #tpu.memory_space<hbm>> -> memref<120x208xf32, #tpu.memory_space<hbm>>
        tpu.wait_dma2 semaphore(%arg11 : memref<!tpu.dma_semaphore, #tpu.memory_space<semaphore_mem>>) src(%dma_wait3A_142 : memref<120x208xf32, #tpu.memory_space<hbm>>) dst(%arg6 : memref<120x208xf32, #tpu.memory_space<vmem>>)
        %mul3A_143 = arith.constant 2 : i32
        %mul3A_144 = arith.muli %mul3A_143, %select_n3A_28 : i32
        %add3A_145 = arith.addi %arg0, %mul3A_144 : i32
        %mul3A_146 = arith.constant 16 : i32
        %mul3A_147 = arith.muli %mul3A_146, %add3A_97 : i32
        %add3A_148 = arith.addi %add3A_145, %mul3A_147 : i32
        %eq3A_149 = arith.constant 833 : i32
        %eq3A_150 = arith.cmpi eq, %add3A_148, %eq3A_149 : i32
        %mul3A_151 = arith.constant 2 : i32
        %mul3A_152 = arith.muli %mul3A_151, %select_n3A_28 : i32
        %add3A_153 = arith.addi %arg0, %mul3A_152 : i32
        %mul3A_154 = arith.constant 16 : i32
        %mul3A_155 = arith.muli %mul3A_154, %add3A_97 : i32
        %add3A_156 = arith.addi %add3A_153, %mul3A_155 : i32
        %mul3A_157 = arith.constant 120 : i32
        %mul3A_158 = arith.muli %add3A_156, %mul3A_157 : i32
        %jit3A_159 = arith.constant 99880 : i32
        %select_n3A_160 = arith.select %eq3A_150, %jit3A_159, %mul3A_158 : i32
        %dma_wait3A_161 = tpu.memref_slice %arg3[%select_n3A_160] : memref<100000xi32, #tpu.memory_space<hbm>> -> memref<120xi32, #tpu.memory_space<hbm>>
        %dma_wait3A_162 = tpu.memref_slice %arg3[%select_n3A_160] : memref<100000xi32, #tpu.memory_space<hbm>> -> memref<120xi32, #tpu.memory_space<hbm>>
        tpu.wait_dma2 semaphore(%arg13 : memref<!tpu.dma_semaphore, #tpu.memory_space<semaphore_mem>>) src(%dma_wait3A_162 : memref<120xi32, #tpu.memory_space<hbm>>) dst(%arg8 : memref<120xi32, #tpu.memory_space<vmem>>)
        %mul3A_163 = arith.constant 2 : i32
        %mul3A_164 = arith.muli %mul3A_163, %select_n3A_28 : i32
        %add3A_165 = arith.addi %arg0, %mul3A_164 : i32
        %mul3A_166 = arith.constant 16 : i32
        %mul3A_167 = arith.muli %mul3A_166, %add3A_97 : i32
        %add3A_168 = arith.addi %add3A_165, %mul3A_167 : i32
        %eq3A_169 = arith.constant 833 : i32
        %eq3A_170 = arith.cmpi eq, %add3A_168, %eq3A_169 : i32
        %jit3A_171 = arith.constant 80 : i32
        %jit3A_172 = arith.constant 0 : i32
        %select_n3A_173 = arith.select %eq3A_170, %jit3A_171, %jit3A_172 : i32
        %eq3A_174 = arith.constant 0 : i32
        %eq3A_175 = arith.cmpi eq, %select_n3A_7, %eq3A_174 : i32
        %convert_element_type3A_176 = arith.extui %eq3A_175 : i1 to i32
        %cond3A_177 = arith.constant 0 : i32
        %cond3A_178 = arith.cmpi ne, %convert_element_type3A_176, %cond3A_177 : i32
        scf.if %cond3A_178 {
          %while3A = arith.constant 0 : i32
          %while3A_184 = arith.constant 120 : i32
          %while3A_185 = arith.subi %while3A_184, %select_n3A_173 : i32
          %while3A_186 = arith.addi %select_n3A_173, %while3A_185 : i32
          %while3A_187 = arith.constant 1 : i32
          %while3A_188 = arith.divsi %while3A_185, %while3A_187 : i32
          %while3A_189 = arith.muli %while3A_188, %while3A_187 : i32
          %while3A_190 = arith.addi %select_n3A_173, %while3A_189 : i32
          %while3A_191 = arith.constant 1 : i32
          scf.for %while3A_193 = %select_n3A_173 to %while3A_190 step %while3A_191  : i32 {
            %add3A_194 = vector.broadcast %while3A_193 : i32 to vector<16xi32>
            %add3A_195 = arith.addi %broadcast_in_dim3A_33, %add3A_194 : vector<16xi32>
            %gather3A = tpu.vector_load_idx %arg8[%add3A_195] : memref<120xi32, #tpu.memory_space<vmem>>[vector<16xi32>], vector<16xi32>,
            %mul3A_196 = arith.constant 128 : i32
            %mul3A_197 = vector.broadcast %mul3A_196 : i32 to vector<16xi32>
            %mul3A_198 = arith.muli %gather3A, %mul3A_197 : vector<16xi32>
            %add3A_199 = arith.addi %mul3A_198, %iota3A : vector<16xi32>
            %get3A = arith.index_cast %while3A_193 : i32 to index
            %get3A_200 = arith.constant 0 : index
            %get3A_201 = tpu.vector_load %arg6[%get3A, %get3A_200] {strides = array<i32>} : memref<120x208xf32, #tpu.memory_space<vmem>>, vector<16xf32>,
            %add3A_202 = arith.constant 0 : i32
            %add3A_203 = vector.broadcast %add3A_202 : i32 to vector<16xi32>
            %add3A_204 = arith.addi %add3A_199, %add3A_203 : vector<16xi32>
            %mul3A_205 = arith.mulf %get3A_201, %get3A_201 : vector<16xf32>
            tpu.vector_store_idx %arg9[%add3A_204], %mul3A_205 {add = true} : memref<65536xf32, #tpu.memory_space<vmem>>[vector<16xi32>], vector<16xf32>,
            %add3A_206 = arith.constant 96 : i32
            %add3A_207 = vector.broadcast %add3A_206 : i32 to vector<16xi32>
            %add3A_208 = arith.addi %add3A_199, %add3A_207 : vector<16xi32>
            tpu.vector_store_idx %arg9[%add3A_208], %get3A_201 {add = true} : memref<65536xf32, #tpu.memory_space<vmem>>[vector<16xi32>], vector<16xf32>,
            %get3A_209 = arith.index_cast %while3A_193 : i32 to index
            %get3A_210 = arith.constant 16 : index
            %get3A_211 = tpu.vector_load %arg6[%get3A_209, %get3A_210] {strides = array<i32>} : memref<120x208xf32, #tpu.memory_space<vmem>>, vector<16xf32>,
            %add3A_212 = arith.constant 16 : i32
            %add3A_213 = vector.broadcast %add3A_212 : i32 to vector<16xi32>
            %add3A_214 = arith.addi %add3A_199, %add3A_213 : vector<16xi32>
            %mul3A_215 = arith.mulf %get3A_211, %get3A_211 : vector<16xf32>
            tpu.vector_store_idx %arg9[%add3A_214], %mul3A_215 {add = true} : memref<65536xf32, #tpu.memory_space<vmem>>[vector<16xi32>], vector<16xf32>,
            %add3A_216 = arith.constant 112 : i32
            %add3A_217 = vector.broadcast %add3A_216 : i32 to vector<16xi32>
            %add3A_218 = arith.addi %add3A_199, %add3A_217 : vector<16xi32>
            tpu.vector_store_idx %arg9[%add3A_218], %get3A_211 {add = true} : memref<65536xf32, #tpu.memory_space<vmem>>[vector<16xi32>], vector<16xf32>,
            %get3A_219 = arith.index_cast %while3A_193 : i32 to index
            %get3A_220 = arith.constant 32 : index
            %get3A_221 = tpu.vector_load %arg6[%get3A_219, %get3A_220] {strides = array<i32>} : memref<120x208xf32, #tpu.memory_space<vmem>>, vector<16xf32>,
            %add3A_222 = arith.constant 32 : i32
            %add3A_223 = vector.broadcast %add3A_222 : i32 to vector<16xi32>
            %add3A_224 = arith.addi %add3A_199, %add3A_223 : vector<16xi32>
            %mul3A_225 = arith.mulf %get3A_221, %get3A_221 : vector<16xf32>
            tpu.vector_store_idx %arg9[%add3A_224], %mul3A_225 {add = true} : memref<65536xf32, #tpu.memory_space<vmem>>[vector<16xi32>], vector<16xf32>,
            %get3A_226 = arith.index_cast %while3A_193 : i32 to index
            %get3A_227 = arith.constant 48 : index
            %get3A_228 = tpu.vector_load %arg6[%get3A_226, %get3A_227] {strides = array<i32>} : memref<120x208xf32, #tpu.memory_space<vmem>>, vector<16xf32>,
            %add3A_229 = arith.constant 48 : i32
            %add3A_230 = vector.broadcast %add3A_229 : i32 to vector<16xi32>
            %add3A_231 = arith.addi %add3A_199, %add3A_230 : vector<16xi32>
            %mul3A_232 = arith.mulf %get3A_228, %get3A_228 : vector<16xf32>
            tpu.vector_store_idx %arg9[%add3A_231], %mul3A_232 {add = true} : memref<65536xf32, #tpu.memory_space<vmem>>[vector<16xi32>], vector<16xf32>,
            %get3A_233 = arith.index_cast %while3A_193 : i32 to index
            %get3A_234 = arith.constant 64 : index
            %get3A_235 = tpu.vector_load %arg6[%get3A_233, %get3A_234] {strides = array<i32>} : memref<120x208xf32, #tpu.memory_space<vmem>>, vector<16xf32>,
            %add3A_236 = arith.constant 64 : i32
            %add3A_237 = vector.broadcast %add3A_236 : i32 to vector<16xi32>
            %add3A_238 = arith.addi %add3A_199, %add3A_237 : vector<16xi32>
            %mul3A_239 = arith.mulf %get3A_235, %get3A_235 : vector<16xf32>
            tpu.vector_store_idx %arg9[%add3A_238], %mul3A_239 {add = true} : memref<65536xf32, #tpu.memory_space<vmem>>[vector<16xi32>], vector<16xf32>,
            %get3A_240 = arith.index_cast %while3A_193 : i32 to index
            %get3A_241 = arith.constant 80 : index
            %get3A_242 = tpu.vector_load %arg6[%get3A_240, %get3A_241] {strides = array<i32>} : memref<120x208xf32, #tpu.memory_space<vmem>>, vector<16xf32>,
            %add3A_243 = arith.constant 80 : i32
            %add3A_244 = vector.broadcast %add3A_243 : i32 to vector<16xi32>
            %add3A_245 = arith.addi %add3A_199, %add3A_244 : vector<16xi32>
            %mul3A_246 = arith.mulf %get3A_242, %get3A_242 : vector<16xf32>
            tpu.vector_store_idx %arg9[%add3A_245], %mul3A_246 {add = true} : memref<65536xf32, #tpu.memory_space<vmem>>[vector<16xi32>], vector<16xf32>,
          }
          %while3A_192 = arith.constant 1 : i32
          scf.for %while3A_193 = %while3A_190 to %while3A_186 step %while3A_192  : i32 {
            %add3A_194 = vector.broadcast %while3A_193 : i32 to vector<16xi32>
            %add3A_195 = arith.addi %broadcast_in_dim3A_33, %add3A_194 : vector<16xi32>
            %gather3A = tpu.vector_load_idx %arg8[%add3A_195] : memref<120xi32, #tpu.memory_space<vmem>>[vector<16xi32>], vector<16xi32>,
            %mul3A_196 = arith.constant 128 : i32
            %mul3A_197 = vector.broadcast %mul3A_196 : i32 to vector<16xi32>
            %mul3A_198 = arith.muli %gather3A, %mul3A_197 : vector<16xi32>
            %add3A_199 = arith.addi %mul3A_198, %iota3A : vector<16xi32>
            %get3A = arith.index_cast %while3A_193 : i32 to index
            %get3A_200 = arith.constant 0 : index
            %get3A_201 = tpu.vector_load %arg6[%get3A, %get3A_200] {strides = array<i32>} : memref<120x208xf32, #tpu.memory_space<vmem>>, vector<16xf32>,
            %add3A_202 = arith.constant 0 : i32
            %add3A_203 = vector.broadcast %add3A_202 : i32 to vector<16xi32>
            %add3A_204 = arith.addi %add3A_199, %add3A_203 : vector<16xi32>
            %mul3A_205 = arith.mulf %get3A_201, %get3A_201 : vector<16xf32>
            tpu.vector_store_idx %arg9[%add3A_204], %mul3A_205 {add = true} : memref<65536xf32, #tpu.memory_space<vmem>>[vector<16xi32>], vector<16xf32>,
            %add3A_206 = arith.constant 96 : i32
            %add3A_207 = vector.broadcast %add3A_206 : i32 to vector<16xi32>
            %add3A_208 = arith.addi %add3A_199, %add3A_207 : vector<16xi32>
            tpu.vector_store_idx %arg9[%add3A_208], %get3A_201 {add = true} : memref<65536xf32, #tpu.memory_space<vmem>>[vector<16xi32>], vector<16xf32>,
            %get3A_209 = arith.index_cast %while3A_193 : i32 to index
            %get3A_210 = arith.constant 16 : index
            %get3A_211 = tpu.vector_load %arg6[%get3A_209, %get3A_210] {strides = array<i32>} : memref<120x208xf32, #tpu.memory_space<vmem>>, vector<16xf32>,
            %add3A_212 = arith.constant 16 : i32
            %add3A_213 = vector.broadcast %add3A_212 : i32 to vector<16xi32>
            %add3A_214 = arith.addi %add3A_199, %add3A_213 : vector<16xi32>
            %mul3A_215 = arith.mulf %get3A_211, %get3A_211 : vector<16xf32>
            tpu.vector_store_idx %arg9[%add3A_214], %mul3A_215 {add = true} : memref<65536xf32, #tpu.memory_space<vmem>>[vector<16xi32>], vector<16xf32>,
            %add3A_216 = arith.constant 112 : i32
            %add3A_217 = vector.broadcast %add3A_216 : i32 to vector<16xi32>
            %add3A_218 = arith.addi %add3A_199, %add3A_217 : vector<16xi32>
            tpu.vector_store_idx %arg9[%add3A_218], %get3A_211 {add = true} : memref<65536xf32, #tpu.memory_space<vmem>>[vector<16xi32>], vector<16xf32>,
            %get3A_219 = arith.index_cast %while3A_193 : i32 to index
            %get3A_220 = arith.constant 32 : index
            %get3A_221 = tpu.vector_load %arg6[%get3A_219, %get3A_220] {strides = array<i32>} : memref<120x208xf32, #tpu.memory_space<vmem>>, vector<16xf32>,
            %add3A_222 = arith.constant 32 : i32
            %add3A_223 = vector.broadcast %add3A_222 : i32 to vector<16xi32>
            %add3A_224 = arith.addi %add3A_199, %add3A_223 : vector<16xi32>
            %mul3A_225 = arith.mulf %get3A_221, %get3A_221 : vector<16xf32>
            tpu.vector_store_idx %arg9[%add3A_224], %mul3A_225 {add = true} : memref<65536xf32, #tpu.memory_space<vmem>>[vector<16xi32>], vector<16xf32>,
            %get3A_226 = arith.index_cast %while3A_193 : i32 to index
            %get3A_227 = arith.constant 48 : index
            %get3A_228 = tpu.vector_load %arg6[%get3A_226, %get3A_227] {strides = array<i32>} : memref<120x208xf32, #tpu.memory_space<vmem>>, vector<16xf32>,
            %add3A_229 = arith.constant 48 : i32
            %add3A_230 = vector.broadcast %add3A_229 : i32 to vector<16xi32>
            %add3A_231 = arith.addi %add3A_199, %add3A_230 : vector<16xi32>
            %mul3A_232 = arith.mulf %get3A_228, %get3A_228 : vector<16xf32>
            tpu.vector_store_idx %arg9[%add3A_231], %mul3A_232 {add = true} : memref<65536xf32, #tpu.memory_space<vmem>>[vector<16xi32>], vector<16xf32>,
            %get3A_233 = arith.index_cast %while3A_193 : i32 to index
            %get3A_234 = arith.constant 64 : index
            %get3A_235 = tpu.vector_load %arg6[%get3A_233, %get3A_234] {strides = array<i32>} : memref<120x208xf32, #tpu.memory_space<vmem>>, vector<16xf32>,
            %add3A_236 = arith.constant 64 : i32
            %add3A_237 = vector.broadcast %add3A_236 : i32 to vector<16xi32>
            %add3A_238 = arith.addi %add3A_199, %add3A_237 : vector<16xi32>
            %mul3A_239 = arith.mulf %get3A_235, %get3A_235 : vector<16xf32>
            tpu.vector_store_idx %arg9[%add3A_238], %mul3A_239 {add = true} : memref<65536xf32, #tpu.memory_space<vmem>>[vector<16xi32>], vector<16xf32>,
            %get3A_240 = arith.index_cast %while3A_193 : i32 to index
            %get3A_241 = arith.constant 80 : index
            %get3A_242 = tpu.vector_load %arg6[%get3A_240, %get3A_241] {strides = array<i32>} : memref<120x208xf32, #tpu.memory_space<vmem>>, vector<16xf32>,
            %add3A_243 = arith.constant 80 : i32
            %add3A_244 = vector.broadcast %add3A_243 : i32 to vector<16xi32>
            %add3A_245 = arith.addi %add3A_199, %add3A_244 : vector<16xi32>
            %mul3A_246 = arith.mulf %get3A_242, %get3A_242 : vector<16xf32>
            tpu.vector_store_idx %arg9[%add3A_245], %mul3A_246 {add = true} : memref<65536xf32, #tpu.memory_space<vmem>>[vector<16xi32>], vector<16xf32>,
          }
        } else {
        }
        %eq3A_179 = arith.constant 1 : i32
        %eq3A_180 = arith.cmpi eq, %select_n3A_7, %eq3A_179 : i32
        %convert_element_type3A_181 = arith.extui %eq3A_180 : i1 to i32
        %cond3A_182 = arith.constant 0 : i32
        %cond3A_183 = arith.cmpi ne, %convert_element_type3A_181, %cond3A_182 : i32
        scf.if %cond3A_183 {
          %while3A = arith.constant 0 : i32
          %while3A_184 = arith.constant 120 : i32
          %while3A_185 = arith.subi %while3A_184, %select_n3A_173 : i32
          %while3A_186 = arith.addi %select_n3A_173, %while3A_185 : i32
          %while3A_187 = arith.constant 1 : i32
          %while3A_188 = arith.divsi %while3A_185, %while3A_187 : i32
          %while3A_189 = arith.muli %while3A_188, %while3A_187 : i32
          %while3A_190 = arith.addi %select_n3A_173, %while3A_189 : i32
          %while3A_191 = arith.constant 1 : i32
          scf.for %while3A_193 = %select_n3A_173 to %while3A_190 step %while3A_191  : i32 {
            %add3A_194 = vector.broadcast %while3A_193 : i32 to vector<16xi32>
            %add3A_195 = arith.addi %broadcast_in_dim3A_33, %add3A_194 : vector<16xi32>
            %gather3A = tpu.vector_load_idx %arg8[%add3A_195] : memref<120xi32, #tpu.memory_space<vmem>>[vector<16xi32>], vector<16xi32>,
            %mul3A_196 = arith.constant 128 : i32
            %mul3A_197 = vector.broadcast %mul3A_196 : i32 to vector<16xi32>
            %mul3A_198 = arith.muli %gather3A, %mul3A_197 : vector<16xi32>
            %add3A_199 = arith.addi %mul3A_198, %iota3A : vector<16xi32>
            %get3A = arith.index_cast %while3A_193 : i32 to index
            %get3A_200 = arith.constant 96 : index
            %get3A_201 = tpu.vector_load %arg6[%get3A, %get3A_200] {strides = array<i32>} : memref<120x208xf32, #tpu.memory_space<vmem>>, vector<16xf32>,
            %add3A_202 = arith.constant 0 : i32
            %add3A_203 = vector.broadcast %add3A_202 : i32 to vector<16xi32>
            %add3A_204 = arith.addi %add3A_199, %add3A_203 : vector<16xi32>
            %mul3A_205 = arith.mulf %get3A_201, %get3A_201 : vector<16xf32>
            tpu.vector_store_idx %arg9[%add3A_204], %mul3A_205 {add = true} : memref<65536xf32, #tpu.memory_space<vmem>>[vector<16xi32>], vector<16xf32>,
            %get3A_206 = arith.index_cast %while3A_193 : i32 to index
            %get3A_207 = arith.constant 112 : index
            %get3A_208 = tpu.vector_load %arg6[%get3A_206, %get3A_207] {strides = array<i32>} : memref<120x208xf32, #tpu.memory_space<vmem>>, vector<16xf32>,
            %add3A_209 = arith.constant 16 : i32
            %add3A_210 = vector.broadcast %add3A_209 : i32 to vector<16xi32>
            %add3A_211 = arith.addi %add3A_199, %add3A_210 : vector<16xi32>
            %mul3A_212 = arith.mulf %get3A_208, %get3A_208 : vector<16xf32>
            tpu.vector_store_idx %arg9[%add3A_211], %mul3A_212 {add = true} : memref<65536xf32, #tpu.memory_space<vmem>>[vector<16xi32>], vector<16xf32>,
            %get3A_213 = arith.index_cast %while3A_193 : i32 to index
            %get3A_214 = arith.constant 128 : index
            %get3A_215 = tpu.vector_load %arg6[%get3A_213, %get3A_214] {strides = array<i32>} : memref<120x208xf32, #tpu.memory_space<vmem>>, vector<16xf32>,
            %add3A_216 = arith.constant 32 : i32
            %add3A_217 = vector.broadcast %add3A_216 : i32 to vector<16xi32>
            %add3A_218 = arith.addi %add3A_199, %add3A_217 : vector<16xi32>
            %mul3A_219 = arith.mulf %get3A_215, %get3A_215 : vector<16xf32>
            tpu.vector_store_idx %arg9[%add3A_218], %mul3A_219 {add = true} : memref<65536xf32, #tpu.memory_space<vmem>>[vector<16xi32>], vector<16xf32>,
            %get3A_220 = arith.index_cast %while3A_193 : i32 to index
            %get3A_221 = arith.constant 144 : index
            %get3A_222 = tpu.vector_load %arg6[%get3A_220, %get3A_221] {strides = array<i32>} : memref<120x208xf32, #tpu.memory_space<vmem>>, vector<16xf32>,
            %add3A_223 = arith.constant 48 : i32
            %add3A_224 = vector.broadcast %add3A_223 : i32 to vector<16xi32>
            %add3A_225 = arith.addi %add3A_199, %add3A_224 : vector<16xi32>
            %mul3A_226 = arith.mulf %get3A_222, %get3A_222 : vector<16xf32>
            tpu.vector_store_idx %arg9[%add3A_225], %mul3A_226 {add = true} : memref<65536xf32, #tpu.memory_space<vmem>>[vector<16xi32>], vector<16xf32>,
            %get3A_227 = arith.index_cast %while3A_193 : i32 to index
            %get3A_228 = arith.constant 160 : index
            %get3A_229 = tpu.vector_load %arg6[%get3A_227, %get3A_228] {strides = array<i32>} : memref<120x208xf32, #tpu.memory_space<vmem>>, vector<16xf32>,
            %add3A_230 = arith.constant 64 : i32
            %add3A_231 = vector.broadcast %add3A_230 : i32 to vector<16xi32>
            %add3A_232 = arith.addi %add3A_199, %add3A_231 : vector<16xi32>
            %mul3A_233 = arith.mulf %get3A_229, %get3A_229 : vector<16xf32>
            tpu.vector_store_idx %arg9[%add3A_232], %mul3A_233 {add = true} : memref<65536xf32, #tpu.memory_space<vmem>>[vector<16xi32>], vector<16xf32>,
            %get3A_234 = arith.index_cast %while3A_193 : i32 to index
            %get3A_235 = arith.constant 176 : index
            %get3A_236 = tpu.vector_load %arg6[%get3A_234, %get3A_235] {strides = array<i32>} : memref<120x208xf32, #tpu.memory_space<vmem>>, vector<16xf32>,
            %add3A_237 = arith.constant 80 : i32
            %add3A_238 = vector.broadcast %add3A_237 : i32 to vector<16xi32>
            %add3A_239 = arith.addi %add3A_199, %add3A_238 : vector<16xi32>
            %mul3A_240 = arith.mulf %get3A_236, %get3A_236 : vector<16xf32>
            tpu.vector_store_idx %arg9[%add3A_239], %mul3A_240 {add = true} : memref<65536xf32, #tpu.memory_space<vmem>>[vector<16xi32>], vector<16xf32>,
            %get3A_241 = arith.index_cast %while3A_193 : i32 to index
            %get3A_242 = arith.constant 192 : index
            %get3A_243 = tpu.vector_load %arg6[%get3A_241, %get3A_242] {strides = array<i32>} : memref<120x208xf32, #tpu.memory_space<vmem>>, vector<16xf32>,
            %add3A_244 = arith.constant 96 : i32
            %add3A_245 = vector.broadcast %add3A_244 : i32 to vector<16xi32>
            %add3A_246 = arith.addi %add3A_199, %add3A_245 : vector<16xi32>
            %mul3A_247 = arith.mulf %get3A_243, %get3A_243 : vector<16xf32>
            tpu.vector_store_idx %arg9[%add3A_246], %mul3A_247 {add = true} : memref<65536xf32, #tpu.memory_space<vmem>>[vector<16xi32>], vector<16xf32>,
            %add3A_248 = arith.constant 112 : i32
            %add3A_249 = vector.broadcast %add3A_248 : i32 to vector<16xi32>
            %add3A_250 = arith.addi %add3A_199, %add3A_249 : vector<16xi32>
            tpu.vector_store_idx %arg9[%add3A_250], %broadcast_in_dim3A_31 {add = true} : memref<65536xf32, #tpu.memory_space<vmem>>[vector<16xi32>], vector<16xf32>,
          }
          %while3A_192 = arith.constant 1 : i32
          scf.for %while3A_193 = %while3A_190 to %while3A_186 step %while3A_192  : i32 {
            %add3A_194 = vector.broadcast %while3A_193 : i32 to vector<16xi32>
            %add3A_195 = arith.addi %broadcast_in_dim3A_33, %add3A_194 : vector<16xi32>
            %gather3A = tpu.vector_load_idx %arg8[%add3A_195] : memref<120xi32, #tpu.memory_space<vmem>>[vector<16xi32>], vector<16xi32>,
            %mul3A_196 = arith.constant 128 : i32
            %mul3A_197 = vector.broadcast %mul3A_196 : i32 to vector<16xi32>
            %mul3A_198 = arith.muli %gather3A, %mul3A_197 : vector<16xi32>
            %add3A_199 = arith.addi %mul3A_198, %iota3A : vector<16xi32>
            %get3A = arith.index_cast %while3A_193 : i32 to index
            %get3A_200 = arith.constant 96 : index
            %get3A_201 = tpu.vector_load %arg6[%get3A, %get3A_200] {strides = array<i32>} : memref<120x208xf32, #tpu.memory_space<vmem>>, vector<16xf32>,
            %add3A_202 = arith.constant 0 : i32
            %add3A_203 = vector.broadcast %add3A_202 : i32 to vector<16xi32>
            %add3A_204 = arith.addi %add3A_199, %add3A_203 : vector<16xi32>
            %mul3A_205 = arith.mulf %get3A_201, %get3A_201 : vector<16xf32>
            tpu.vector_store_idx %arg9[%add3A_204], %mul3A_205 {add = true} : memref<65536xf32, #tpu.memory_space<vmem>>[vector<16xi32>], vector<16xf32>,
            %get3A_206 = arith.index_cast %while3A_193 : i32 to index
            %get3A_207 = arith.constant 112 : index
            %get3A_208 = tpu.vector_load %arg6[%get3A_206, %get3A_207] {strides = array<i32>} : memref<120x208xf32, #tpu.memory_space<vmem>>, vector<16xf32>,
            %add3A_209 = arith.constant 16 : i32
            %add3A_210 = vector.broadcast %add3A_209 : i32 to vector<16xi32>
            %add3A_211 = arith.addi %add3A_199, %add3A_210 : vector<16xi32>
            %mul3A_212 = arith.mulf %get3A_208, %get3A_208 : vector<16xf32>
            tpu.vector_store_idx %arg9[%add3A_211], %mul3A_212 {add = true} : memref<65536xf32, #tpu.memory_space<vmem>>[vector<16xi32>], vector<16xf32>,
            %get3A_213 = arith.index_cast %while3A_193 : i32 to index
            %get3A_214 = arith.constant 128 : index
            %get3A_215 = tpu.vector_load %arg6[%get3A_213, %get3A_214] {strides = array<i32>} : memref<120x208xf32, #tpu.memory_space<vmem>>, vector<16xf32>,
            %add3A_216 = arith.constant 32 : i32
            %add3A_217 = vector.broadcast %add3A_216 : i32 to vector<16xi32>
            %add3A_218 = arith.addi %add3A_199, %add3A_217 : vector<16xi32>
            %mul3A_219 = arith.mulf %get3A_215, %get3A_215 : vector<16xf32>
            tpu.vector_store_idx %arg9[%add3A_218], %mul3A_219 {add = true} : memref<65536xf32, #tpu.memory_space<vmem>>[vector<16xi32>], vector<16xf32>,
            %get3A_220 = arith.index_cast %while3A_193 : i32 to index
            %get3A_221 = arith.constant 144 : index
            %get3A_222 = tpu.vector_load %arg6[%get3A_220, %get3A_221] {strides = array<i32>} : memref<120x208xf32, #tpu.memory_space<vmem>>, vector<16xf32>,
            %add3A_223 = arith.constant 48 : i32
            %add3A_224 = vector.broadcast %add3A_223 : i32 to vector<16xi32>
            %add3A_225 = arith.addi %add3A_199, %add3A_224 : vector<16xi32>
            %mul3A_226 = arith.mulf %get3A_222, %get3A_222 : vector<16xf32>
            tpu.vector_store_idx %arg9[%add3A_225], %mul3A_226 {add = true} : memref<65536xf32, #tpu.memory_space<vmem>>[vector<16xi32>], vector<16xf32>,
            %get3A_227 = arith.index_cast %while3A_193 : i32 to index
            %get3A_228 = arith.constant 160 : index
            %get3A_229 = tpu.vector_load %arg6[%get3A_227, %get3A_228] {strides = array<i32>} : memref<120x208xf32, #tpu.memory_space<vmem>>, vector<16xf32>,
            %add3A_230 = arith.constant 64 : i32
            %add3A_231 = vector.broadcast %add3A_230 : i32 to vector<16xi32>
            %add3A_232 = arith.addi %add3A_199, %add3A_231 : vector<16xi32>
            %mul3A_233 = arith.mulf %get3A_229, %get3A_229 : vector<16xf32>
            tpu.vector_store_idx %arg9[%add3A_232], %mul3A_233 {add = true} : memref<65536xf32, #tpu.memory_space<vmem>>[vector<16xi32>], vector<16xf32>,
            %get3A_234 = arith.index_cast %while3A_193 : i32 to index
            %get3A_235 = arith.constant 176 : index
            %get3A_236 = tpu.vector_load %arg6[%get3A_234, %get3A_235] {strides = array<i32>} : memref<120x208xf32, #tpu.memory_space<vmem>>, vector<16xf32>,
            %add3A_237 = arith.constant 80 : i32
            %add3A_238 = vector.broadcast %add3A_237 : i32 to vector<16xi32>
            %add3A_239 = arith.addi %add3A_199, %add3A_238 : vector<16xi32>
            %mul3A_240 = arith.mulf %get3A_236, %get3A_236 : vector<16xf32>
            tpu.vector_store_idx %arg9[%add3A_239], %mul3A_240 {add = true} : memref<65536xf32, #tpu.memory_space<vmem>>[vector<16xi32>], vector<16xf32>,
            %get3A_241 = arith.index_cast %while3A_193 : i32 to index
            %get3A_242 = arith.constant 192 : index
            %get3A_243 = tpu.vector_load %arg6[%get3A_241, %get3A_242] {strides = array<i32>} : memref<120x208xf32, #tpu.memory_space<vmem>>, vector<16xf32>,
            %add3A_244 = arith.constant 96 : i32
            %add3A_245 = vector.broadcast %add3A_244 : i32 to vector<16xi32>
            %add3A_246 = arith.addi %add3A_199, %add3A_245 : vector<16xi32>
            %mul3A_247 = arith.mulf %get3A_243, %get3A_243 : vector<16xf32>
            tpu.vector_store_idx %arg9[%add3A_246], %mul3A_247 {add = true} : memref<65536xf32, #tpu.memory_space<vmem>>[vector<16xi32>], vector<16xf32>,
            %add3A_248 = arith.constant 112 : i32
            %add3A_249 = vector.broadcast %add3A_248 : i32 to vector<16xi32>
            %add3A_250 = arith.addi %add3A_199, %add3A_249 : vector<16xi32>
            tpu.vector_store_idx %arg9[%add3A_250], %broadcast_in_dim3A_31 {add = true} : memref<65536xf32, #tpu.memory_space<vmem>>[vector<16xi32>], vector<16xf32>,
          }
        } else {
        }
      } else {
      }
      %add3A_109 = arith.constant 2 : i32
      %add3A_110 = arith.addi %add3A_97, %add3A_109 : i32
      %mul3A_111 = arith.constant 2 : i32
      %mul3A_112 = arith.muli %mul3A_111, %select_n3A_28 : i32
      %add3A_113 = arith.addi %arg0, %mul3A_112 : i32
      %mul3A_114 = arith.constant 16 : i32
      %mul3A_115 = arith.muli %mul3A_114, %add3A_110 : i32
      %add3A_116 = arith.addi %add3A_113, %mul3A_115 : i32
      %lt3A_117 = arith.constant 834 : i32
      %lt3A_118 = arith.cmpi slt, %add3A_116, %lt3A_117 : i32
      %convert_element_type3A_119 = arith.extui %lt3A_118 : i1 to i32
      %cond3A_120 = arith.constant 0 : i32
      %cond3A_121 = arith.cmpi ne, %convert_element_type3A_119, %cond3A_120 : i32
      scf.if %cond3A_121 {
        %mul3A_122 = arith.constant 2 : i32
        %mul3A_123 = arith.muli %mul3A_122, %select_n3A_28 : i32
        %add3A_124 = arith.addi %arg0, %mul3A_123 : i32
        %mul3A_125 = arith.constant 16 : i32
        %mul3A_126 = arith.muli %mul3A_125, %add3A_110 : i32
        %add3A_127 = arith.addi %add3A_124, %mul3A_126 : i32
        %eq3A_128 = arith.constant 833 : i32
        %eq3A_129 = arith.cmpi eq, %add3A_127, %eq3A_128 : i32
        %mul3A_130 = arith.constant 2 : i32
        %mul3A_131 = arith.muli %mul3A_130, %select_n3A_28 : i32
        %add3A_132 = arith.addi %arg0, %mul3A_131 : i32
        %mul3A_133 = arith.constant 16 : i32
        %mul3A_134 = arith.muli %mul3A_133, %add3A_110 : i32
        %add3A_135 = arith.addi %add3A_132, %mul3A_134 : i32
        %mul3A_136 = arith.constant 120 : i32
        %mul3A_137 = arith.muli %add3A_135, %mul3A_136 : i32
        %jit3A_138 = arith.constant 99880 : i32
        %select_n3A_139 = arith.select %eq3A_129, %jit3A_138, %mul3A_137 : i32
        %dma_start3A = arith.constant 0 : i32
        %dma_start3A_140 = tpu.memref_slice %arg2[%select_n3A_139, %dma_start3A] : memref<100000x208xf32, #tpu.memory_space<hbm>> -> memref<120x208xf32, #tpu.memory_space<hbm>>
        %dma_start3A_141 = arith.constant 0 : i32
        %dma_start3A_142 = tpu.memref_slice %arg2[%select_n3A_139, %dma_start3A_141] : memref<100000x208xf32, #tpu.memory_space<hbm>> -> memref<120x208xf32, #tpu.memory_space<hbm>>
        tpu.enqueue_dma source(%dma_start3A_142 : memref<120x208xf32, #tpu.memory_space<hbm>>) target(%arg6 : memref<120x208xf32, #tpu.memory_space<vmem>>) target_semaphore(%arg11 : memref<!tpu.dma_semaphore, #tpu.memory_space<semaphore_mem>>)
        %mul3A_143 = arith.constant 2 : i32
        %mul3A_144 = arith.muli %mul3A_143, %select_n3A_28 : i32
        %add3A_145 = arith.addi %arg0, %mul3A_144 : i32
        %mul3A_146 = arith.constant 16 : i32
        %mul3A_147 = arith.muli %mul3A_146, %add3A_110 : i32
        %add3A_148 = arith.addi %add3A_145, %mul3A_147 : i32
        %eq3A_149 = arith.constant 833 : i32
        %eq3A_150 = arith.cmpi eq, %add3A_148, %eq3A_149 : i32
        %mul3A_151 = arith.constant 2 : i32
        %mul3A_152 = arith.muli %mul3A_151, %select_n3A_28 : i32
        %add3A_153 = arith.addi %arg0, %mul3A_152 : i32
        %mul3A_154 = arith.constant 16 : i32
        %mul3A_155 = arith.muli %mul3A_154, %add3A_110 : i32
        %add3A_156 = arith.addi %add3A_153, %mul3A_155 : i32
        %mul3A_157 = arith.constant 120 : i32
        %mul3A_158 = arith.muli %add3A_156, %mul3A_157 : i32
        %jit3A_159 = arith.constant 99880 : i32
        %select_n3A_160 = arith.select %eq3A_150, %jit3A_159, %mul3A_158 : i32
        %dma_start3A_161 = tpu.memref_slice %arg3[%select_n3A_160] : memref<100000xi32, #tpu.memory_space<hbm>> -> memref<120xi32, #tpu.memory_space<hbm>>
        %dma_start3A_162 = tpu.memref_slice %arg3[%select_n3A_160] : memref<100000xi32, #tpu.memory_space<hbm>> -> memref<120xi32, #tpu.memory_space<hbm>>
        tpu.enqueue_dma source(%dma_start3A_162 : memref<120xi32, #tpu.memory_space<hbm>>) target(%arg8 : memref<120xi32, #tpu.memory_space<vmem>>) target_semaphore(%arg13 : memref<!tpu.dma_semaphore, #tpu.memory_space<semaphore_mem>>)
      } else {
      }
    }
    %scan3A_61 = arith.constant 27 : i32
    %mul3A_62 = arith.constant 16 : i32
    %mul3A_63 = arith.muli %arg0, %mul3A_62 : i32
    %add3A_64 = arith.addi %mul3A_63, %arg1 : i32
    %mul3A_65 = arith.constant 65536 : i32
    %mul3A_66 = arith.muli %add3A_64, %mul3A_65 : i32
    "tpu.region"() ({
      %run_scoped3A = tpu.sem_alloc : memref<!tpu.dma_semaphore, #tpu.memory_space<semaphore_mem>>
      %dma_start3A = tpu.memref_slice %arg4[%mul3A_66] : memref<2097152xf32, #tpu.memory_space<hbm>> -> memref<65536xf32, #tpu.memory_space<hbm>>
      %dma_start3A_67 = tpu.memref_slice %arg4[%mul3A_66] : memref<2097152xf32, #tpu.memory_space<hbm>> -> memref<65536xf32, #tpu.memory_space<hbm>>
      tpu.enqueue_dma source(%arg9 : memref<65536xf32, #tpu.memory_space<vmem>>) target(%dma_start3A_67 : memref<65536xf32, #tpu.memory_space<hbm>>) target_semaphore(%run_scoped3A : memref<!tpu.dma_semaphore, #tpu.memory_space<semaphore_mem>>)
      %dma_wait3A = tpu.memref_slice %arg4[%mul3A_66] : memref<2097152xf32, #tpu.memory_space<hbm>> -> memref<65536xf32, #tpu.memory_space<hbm>>
      %dma_wait3A_68 = tpu.memref_slice %arg4[%mul3A_66] : memref<2097152xf32, #tpu.memory_space<hbm>> -> memref<65536xf32, #tpu.memory_space<hbm>>
      tpu.wait_dma2 semaphore(%run_scoped3A : memref<!tpu.dma_semaphore, #tpu.memory_space<semaphore_mem>>) src(%arg9 : memref<65536xf32, #tpu.memory_space<vmem>>) dst(%dma_wait3A_68 : memref<65536xf32, #tpu.memory_space<hbm>>)
      tpu.yield
    }) : () -> ()
    return
  }
}

module attributes {stable_mosaic.version = 14 : i64} {
  func.func @_coeff_kernel(%arg0: memref<16384x128xf32, #tpu.memory_space<vmem>>, %arg1: memref<208x208xf32, #tpu.memory_space<vmem>>, %arg2: memref<1x208xf32, #tpu.memory_space<vmem>>, %arg3: memref<1x32xf32, #tpu.memory_space<vmem>>, %arg4: memref<512x256xf32, #tpu.memory_space<vmem>>) attributes {dimension_semantics = [], scalar_prefetch = 0 : i64, scratch_operands = 0 : i64, tpu.core_type = #tpu.core_type<tc>} {
    %get3A = arith.constant 0 : index
    %get3A_0 = arith.constant 0 : index
    %get3A_1 = vector.load %arg0[%get3A, %get3A_0] : memref<16384x128xf32, #tpu.memory_space<vmem>>, vector<16384x128xf32>
    %broadcast_in_dim3A = arith.constant 0.000000e+00 : f32
    %broadcast_in_dim3A_2 = vector.broadcast %broadcast_in_dim3A : f32 to vector<512x128xf32>
    %broadcast_in_dim3A_3 = arith.constant 0.000000e+00 : f32
    %broadcast_in_dim3A_4 = vector.broadcast %broadcast_in_dim3A_3 : f32 to vector<512x128xf32>
    %slice3A = vector.extract_strided_slice %get3A_1 {offsets = [0, 0], sizes = [512, 128], strides = [1, 1]} : vector<16384x128xf32> to vector<512x128xf32>
    %add3A = arith.addf %broadcast_in_dim3A_2, %slice3A : vector<512x128xf32>
    %slice3A_5 = vector.extract_strided_slice %get3A_1 {offsets = [512, 0], sizes = [512, 128], strides = [1, 1]} : vector<16384x128xf32> to vector<512x128xf32>
    %add3A_6 = arith.addf %broadcast_in_dim3A_4, %slice3A_5 : vector<512x128xf32>
    %slice3A_7 = vector.extract_strided_slice %get3A_1 {offsets = [1024, 0], sizes = [512, 128], strides = [1, 1]} : vector<16384x128xf32> to vector<512x128xf32>
    %add3A_8 = arith.addf %add3A, %slice3A_7 : vector<512x128xf32>
    %slice3A_9 = vector.extract_strided_slice %get3A_1 {offsets = [1536, 0], sizes = [512, 128], strides = [1, 1]} : vector<16384x128xf32> to vector<512x128xf32>
    %add3A_10 = arith.addf %add3A_6, %slice3A_9 : vector<512x128xf32>
    %slice3A_11 = vector.extract_strided_slice %get3A_1 {offsets = [2048, 0], sizes = [512, 128], strides = [1, 1]} : vector<16384x128xf32> to vector<512x128xf32>
    %add3A_12 = arith.addf %add3A_8, %slice3A_11 : vector<512x128xf32>
    %slice3A_13 = vector.extract_strided_slice %get3A_1 {offsets = [2560, 0], sizes = [512, 128], strides = [1, 1]} : vector<16384x128xf32> to vector<512x128xf32>
    %add3A_14 = arith.addf %add3A_10, %slice3A_13 : vector<512x128xf32>
    %slice3A_15 = vector.extract_strided_slice %get3A_1 {offsets = [3072, 0], sizes = [512, 128], strides = [1, 1]} : vector<16384x128xf32> to vector<512x128xf32>
    %add3A_16 = arith.addf %add3A_12, %slice3A_15 : vector<512x128xf32>
    %slice3A_17 = vector.extract_strided_slice %get3A_1 {offsets = [3584, 0], sizes = [512, 128], strides = [1, 1]} : vector<16384x128xf32> to vector<512x128xf32>
    %add3A_18 = arith.addf %add3A_14, %slice3A_17 : vector<512x128xf32>
    %slice3A_19 = vector.extract_strided_slice %get3A_1 {offsets = [4096, 0], sizes = [512, 128], strides = [1, 1]} : vector<16384x128xf32> to vector<512x128xf32>
    %add3A_20 = arith.addf %add3A_16, %slice3A_19 : vector<512x128xf32>
    %slice3A_21 = vector.extract_strided_slice %get3A_1 {offsets = [4608, 0], sizes = [512, 128], strides = [1, 1]} : vector<16384x128xf32> to vector<512x128xf32>
    %add3A_22 = arith.addf %add3A_18, %slice3A_21 : vector<512x128xf32>
    %slice3A_23 = vector.extract_strided_slice %get3A_1 {offsets = [5120, 0], sizes = [512, 128], strides = [1, 1]} : vector<16384x128xf32> to vector<512x128xf32>
    %add3A_24 = arith.addf %add3A_20, %slice3A_23 : vector<512x128xf32>
    %slice3A_25 = vector.extract_strided_slice %get3A_1 {offsets = [5632, 0], sizes = [512, 128], strides = [1, 1]} : vector<16384x128xf32> to vector<512x128xf32>
    %add3A_26 = arith.addf %add3A_22, %slice3A_25 : vector<512x128xf32>
    %slice3A_27 = vector.extract_strided_slice %get3A_1 {offsets = [6144, 0], sizes = [512, 128], strides = [1, 1]} : vector<16384x128xf32> to vector<512x128xf32>
    %add3A_28 = arith.addf %add3A_24, %slice3A_27 : vector<512x128xf32>
    %slice3A_29 = vector.extract_strided_slice %get3A_1 {offsets = [6656, 0], sizes = [512, 128], strides = [1, 1]} : vector<16384x128xf32> to vector<512x128xf32>
    %add3A_30 = arith.addf %add3A_26, %slice3A_29 : vector<512x128xf32>
    %slice3A_31 = vector.extract_strided_slice %get3A_1 {offsets = [7168, 0], sizes = [512, 128], strides = [1, 1]} : vector<16384x128xf32> to vector<512x128xf32>
    %add3A_32 = arith.addf %add3A_28, %slice3A_31 : vector<512x128xf32>
    %slice3A_33 = vector.extract_strided_slice %get3A_1 {offsets = [7680, 0], sizes = [512, 128], strides = [1, 1]} : vector<16384x128xf32> to vector<512x128xf32>
    %add3A_34 = arith.addf %add3A_30, %slice3A_33 : vector<512x128xf32>
    %slice3A_35 = vector.extract_strided_slice %get3A_1 {offsets = [8192, 0], sizes = [512, 128], strides = [1, 1]} : vector<16384x128xf32> to vector<512x128xf32>
    %add3A_36 = arith.addf %add3A_32, %slice3A_35 : vector<512x128xf32>
    %slice3A_37 = vector.extract_strided_slice %get3A_1 {offsets = [8704, 0], sizes = [512, 128], strides = [1, 1]} : vector<16384x128xf32> to vector<512x128xf32>
    %add3A_38 = arith.addf %add3A_34, %slice3A_37 : vector<512x128xf32>
    %slice3A_39 = vector.extract_strided_slice %get3A_1 {offsets = [9216, 0], sizes = [512, 128], strides = [1, 1]} : vector<16384x128xf32> to vector<512x128xf32>
    %add3A_40 = arith.addf %add3A_36, %slice3A_39 : vector<512x128xf32>
    %slice3A_41 = vector.extract_strided_slice %get3A_1 {offsets = [9728, 0], sizes = [512, 128], strides = [1, 1]} : vector<16384x128xf32> to vector<512x128xf32>
    %add3A_42 = arith.addf %add3A_38, %slice3A_41 : vector<512x128xf32>
    %slice3A_43 = vector.extract_strided_slice %get3A_1 {offsets = [10240, 0], sizes = [512, 128], strides = [1, 1]} : vector<16384x128xf32> to vector<512x128xf32>
    %add3A_44 = arith.addf %add3A_40, %slice3A_43 : vector<512x128xf32>
    %slice3A_45 = vector.extract_strided_slice %get3A_1 {offsets = [10752, 0], sizes = [512, 128], strides = [1, 1]} : vector<16384x128xf32> to vector<512x128xf32>
    %add3A_46 = arith.addf %add3A_42, %slice3A_45 : vector<512x128xf32>
    %slice3A_47 = vector.extract_strided_slice %get3A_1 {offsets = [11264, 0], sizes = [512, 128], strides = [1, 1]} : vector<16384x128xf32> to vector<512x128xf32>
    %add3A_48 = arith.addf %add3A_44, %slice3A_47 : vector<512x128xf32>
    %slice3A_49 = vector.extract_strided_slice %get3A_1 {offsets = [11776, 0], sizes = [512, 128], strides = [1, 1]} : vector<16384x128xf32> to vector<512x128xf32>
    %add3A_50 = arith.addf %add3A_46, %slice3A_49 : vector<512x128xf32>
    %slice3A_51 = vector.extract_strided_slice %get3A_1 {offsets = [12288, 0], sizes = [512, 128], strides = [1, 1]} : vector<16384x128xf32> to vector<512x128xf32>
    %add3A_52 = arith.addf %add3A_48, %slice3A_51 : vector<512x128xf32>
    %slice3A_53 = vector.extract_strided_slice %get3A_1 {offsets = [12800, 0], sizes = [512, 128], strides = [1, 1]} : vector<16384x128xf32> to vector<512x128xf32>
    %add3A_54 = arith.addf %add3A_50, %slice3A_53 : vector<512x128xf32>
    %slice3A_55 = vector.extract_strided_slice %get3A_1 {offsets = [13312, 0], sizes = [512, 128], strides = [1, 1]} : vector<16384x128xf32> to vector<512x128xf32>
    %add3A_56 = arith.addf %add3A_52, %slice3A_55 : vector<512x128xf32>
    %slice3A_57 = vector.extract_strided_slice %get3A_1 {offsets = [13824, 0], sizes = [512, 128], strides = [1, 1]} : vector<16384x128xf32> to vector<512x128xf32>
    %add3A_58 = arith.addf %add3A_54, %slice3A_57 : vector<512x128xf32>
    %slice3A_59 = vector.extract_strided_slice %get3A_1 {offsets = [14336, 0], sizes = [512, 128], strides = [1, 1]} : vector<16384x128xf32> to vector<512x128xf32>
    %add3A_60 = arith.addf %add3A_56, %slice3A_59 : vector<512x128xf32>
    %slice3A_61 = vector.extract_strided_slice %get3A_1 {offsets = [14848, 0], sizes = [512, 128], strides = [1, 1]} : vector<16384x128xf32> to vector<512x128xf32>
    %add3A_62 = arith.addf %add3A_58, %slice3A_61 : vector<512x128xf32>
    %slice3A_63 = vector.extract_strided_slice %get3A_1 {offsets = [15360, 0], sizes = [512, 128], strides = [1, 1]} : vector<16384x128xf32> to vector<512x128xf32>
    %add3A_64 = arith.addf %add3A_60, %slice3A_63 : vector<512x128xf32>
    %slice3A_65 = vector.extract_strided_slice %get3A_1 {offsets = [15872, 0], sizes = [512, 128], strides = [1, 1]} : vector<16384x128xf32> to vector<512x128xf32>
    %add3A_66 = arith.addf %add3A_62, %slice3A_65 : vector<512x128xf32>
    %slice3A_67 = vector.extract_strided_slice %add3A_66 {offsets = [0, 112], sizes = [512, 1], strides = [1, 1]} : vector<512x128xf32> to vector<512x1xf32>
    %max3A = arith.constant 1.000000e+00 : f32
    %max3A_68 = vector.broadcast %max3A : f32 to vector<512x1xf32>
    %max3A_69 = arith.maximumf %slice3A_67, %max3A_68 : vector<512x1xf32>
    %slice3A_70 = vector.extract_strided_slice %add3A_64 {offsets = [0, 96], sizes = [512, 32], strides = [1, 1]} : vector<512x128xf32> to vector<512x32xf32>
    %div3A = vector.broadcast %max3A_69 : vector<512x1xf32> to vector<512x32xf32>
    %div3A_71 = arith.divf %slice3A_70, %div3A : vector<512x32xf32>
    %slice3A_72 = vector.extract_strided_slice %add3A_64 {offsets = [0, 0], sizes = [512, 96], strides = [1, 1]} : vector<512x128xf32> to vector<512x96xf32>
    %slice3A_73 = vector.extract_strided_slice %add3A_66 {offsets = [0, 0], sizes = [512, 112], strides = [1, 1]} : vector<512x128xf32> to vector<512x112xf32>
    %concatenate3A = tpu.concatenate %slice3A_72, %slice3A_73 in 1 : vector<512x96xf32>, vector<512x112xf32> -> vector<512x208xf32>
    %get3A_74 = arith.constant 0 : index
    %get3A_75 = arith.constant 0 : index
    %get3A_76 = vector.load %arg1[%get3A_74, %get3A_75] : memref<208x208xf32, #tpu.memory_space<vmem>>, vector<208x208xf32>
    %dot_general3A = arith.constant dense<0.000000e+00> : vector<512x208xf32>
    %dot_general3A_77 = tpu.matmul %concatenate3A, %get3A_76, %dot_general3A {dimension_numbers = #tpu.dot_dimension_numbers<[1], [0], [0], [1], [0, 0, 1, 1], [], []>, precision = #tpu.contract_precision<fp32>, transpose_lhs_hint = false} : vector<512x208xf32>, vector<208x208xf32>, vector<512x208xf32> -> vector<512x208xf32>
    %div3A_78 = vector.broadcast %max3A_69 : vector<512x1xf32> to vector<512x208xf32>
    %div3A_79 = arith.divf %dot_general3A_77, %div3A_78 : vector<512x208xf32>
    %broadcast_in_dim3A_80 = arith.constant 0.000000e+00 : f32
    %broadcast_in_dim3A_81 = vector.broadcast %broadcast_in_dim3A_80 : f32 to vector<512x176xf32>
    %concatenate3A_82 = tpu.concatenate %div3A_71, %broadcast_in_dim3A_81 in 1 : vector<512x32xf32>, vector<512x176xf32> -> vector<512x208xf32>
    %mul3A = arith.mulf %concatenate3A_82, %concatenate3A_82 : vector<512x208xf32>
    %sub3A = arith.subf %div3A_79, %mul3A : vector<512x208xf32>
    %get3A_83 = arith.constant 0 : index
    %get3A_84 = arith.constant 0 : index
    %get3A_85 = vector.load %arg2[%get3A_83, %get3A_84] : memref<1x208xf32, #tpu.memory_space<vmem>>, vector<1x208xf32>
    %add3A_86 = arith.constant 9.99999974E-6 : f32
    %add3A_87 = vector.broadcast %add3A_86 : f32 to vector<512x208xf32>
    %add3A_88 = arith.addf %sub3A, %add3A_87 : vector<512x208xf32>
    %rsqrt3A = math.rsqrt %add3A_88 : vector<512x208xf32>
    %mul3A_89 = vector.broadcast %get3A_85 : vector<1x208xf32> to vector<512x208xf32>
    %mul3A_90 = arith.mulf %mul3A_89, %rsqrt3A : vector<512x208xf32>
    %get3A_91 = arith.constant 0 : index
    %get3A_92 = arith.constant 0 : index
    %get3A_93 = vector.load %arg3[%get3A_91, %get3A_92] : memref<1x32xf32, #tpu.memory_space<vmem>>, vector<1x32xf32>
    %slice3A_94 = vector.extract_strided_slice %mul3A_90 {offsets = [0, 0], sizes = [512, 32], strides = [1, 1]} : vector<512x208xf32> to vector<512x32xf32>
    %mul3A_95 = arith.mulf %div3A_71, %slice3A_94 : vector<512x32xf32>
    %sub3A_96 = vector.broadcast %get3A_93 : vector<1x32xf32> to vector<512x32xf32>
    %sub3A_97 = arith.subf %sub3A_96, %mul3A_95 : vector<512x32xf32>
    %broadcast_in_dim3A_98 = arith.constant 0.000000e+00 : f32
    %broadcast_in_dim3A_99 = vector.broadcast %broadcast_in_dim3A_98 : f32 to vector<512x16xf32>
    %concatenate3A_100 = tpu.concatenate %mul3A_90, %sub3A_97, %broadcast_in_dim3A_99 in 1 : vector<512x208xf32>, vector<512x32xf32>, vector<512x16xf32> -> vector<512x256xf32>
    %swap3A = arith.constant 0 : index
    %swap3A_101 = arith.constant 0 : index
    %swap3A_102 = vector.load %arg4[%swap3A, %swap3A_101] : memref<512x256xf32, #tpu.memory_space<vmem>>, vector<512x256xf32>
    tpu.vector_store %arg4[%swap3A, %swap3A_101], %concatenate3A_100 {strides = array<i32>} : memref<512x256xf32, #tpu.memory_space<vmem>>, vector<512x256xf32>,
    return
  }
}

</mosaic_0001>

<sc_bundles>
// kernel: kernel.5.cloned.1.call-start
scs
__scs_entry_jumppad:
0x0: {  	(pc) =	sbr.rel $0x88, $3  }
0x1: {  	(tag) =	ssettag $0x0;
	lr =	simm.s32 $0x1  }
0x2: {  	[smem:$0x3F9D] =	sst lr;
	_ =	strace $0xD0000000  }
0x3: {  	_ = 	snop  }
0x4: {  	_ = 	snop  }
0x5: {  	_ = 	snop  }
0x6: {  	_ = 	snop  }
0x7: {  	_ = 	snop  }
__scs_overlays_trampoline_lowered:
0x8: {  	[smem:$0x3FAC] =	sst s0  }
0x9: {  	[smem:$0x3FAD] =	sst s1  }
0xa: {  	[smem:$0x3FAE] =	sst s2  }
0xb: {  	[smem:$0x3FAF] =	sst s3  }
0xc: {  	[smem:$0x3FB0] =	sst s4  }
0xd: {  	[smem:$0x3FB1] =	sst s5  }
0xe: {  	[smem:$0x3FB2] =	sst s6  }
0xf: {  	[smem:$0x3FB3] =	sst s7  }
0x10: {  	[smem:$0x3FB4] =	sst s8  }
0x11: {  	[smem:$0x3FB5] =	sst s9;
	s0 =	simm.s32 @!p0 $0x0  }
0x12: {  	s1 =	sld [smem:$0x3F9B];
	s0 =	simm.s32 @p0 $0x1  }
0x13: {  	[smem:$0x3FB6] =	sst s0;
	s0 =	simm.s32 @!p1 $0x0  }
0x14: {  	s2 =	sld [smem:$0x3F9A];
	s0 =	simm.s32 @p1 $0x1  }
0x15: {  	[smem:$0x3FB7] =	sst s0;
	s0 =	simm.s32 @!p2 $0x0  }
0x16: {  	s3 =	sld [smem:$0x3FDB];
	s0 =	simm.s32 @p2 $0x1  }
0x17: {  	s4 =	simm.s32 $0x1BF5;
	[smem:$0x3FB9] =	sst s0  }
0x18: {  	s0 =	sld [smem:$0x3F9C];
	_ =	swait.ge [sflag:s4], $0x0  }
0x19: {  	s7 =	sld [smem:$0x3F9D]  }
0x1a: {  	s8 =	sadd.s32 $0xFFFFE003, lr  }
0x1b: {  	s9 =	sadd.s32 $0xFFFFFEF7, lr;
	s5 =	simm.s32 $0xFFFFFFFF;
	p2 =	slt.u32 s8, $0xFFFFF086  }
0x1c: {  	p1 =	slt.u32 s9, $0xF7A;
	s5 =	simm.s32 @!p2 $0x0  }
0x1d: {  	s5 =	simm.s32 @p1 $0x1;
	p0 =	seq.s32 s7, s2  }
0x1e: {  	s7 =	smul.u32 @!p0 $0xF7A, s2;
	p2 =	seq.s32 @!p0 s5, $0x0  }
0x1f: {  	s9 =	smul.u32 $0xF7A, s1;
	s8 =	simm.s32 @!p0 $0x1BF5;
	p2 =	por !p2, p0  }
0x20: {  	[sflag:s8] =	ssyncset.s32 @!p0 $0xFFFFF086;
	s6 =	sadd.s32 @!p0 s3, s7;
	s7 =	simm.s32 @!p0 $0x108  }
0x21: {  	s3 =	sadd.s32 s3, s9;
	s6 =	sadd.s32 @!p0 $0x88, s6;
	s7 =	simm.s32 @p2 $0x1082  }
0x22: {  	[simem:s7], [sflag:s8] =	dma.local @!p0 [hbm:s6], $0xF7A  }
0x23: {  	s9 =	sor.u32 $0xD0000000, s2;
	s6 =	simm.s32 $0x108;
	_ =	swait.ge @!p0 [sflag:s8], $0x0  }
0x24: {  	s3 =	sadd.s32 $0x88, s3;
	s6 =	simm.s32 @!p1 $0x1082;
	[sflag:s4] =	ssyncset.s32 $0xFFFFF086  }
0x25: {  	[simem:s6], [sflag:s4] =	dma.local [hbm:s3], $0xF7A  }
0x26: {  	[smem:$0x3F9D] =	sst s1;
	(tag) =	ssettag s2;
	_ =	strace s9  }
0x27: {  	s1 =	sld [smem:$0x3FAD]  }
0x28: {  	s2 =	sld [smem:$0x3FAE]  }
0x29: {  	s4 =	sld [smem:$0x3FB0]  }
0x2a: {  	p0 =	seq.s32 s5, $0x0;
	s5 =	sld [smem:$0x3FB1]  }
0x2b: {  	s6 =	sld [smem:$0x3FB2]  }
0x2c: {  	s7 =	sld [smem:$0x3FB3]  }
0x2d: {  	s3 =	simm.s32 $0x108;
	s8 =	sld [smem:$0x3FB4]  }
0x2e: {  	s3 =	simm.s32 @!p0 $0x1082;
	s9 =	sld [smem:$0x3FB5]  }
0x2f: {  	lr =	sadd.s32 s0, s3;
	s0 =	sld [smem:$0x3FAC]  }
0x30: {  	s3 =	sld [smem:$0x3FAF]  }
0x31: {  	[smem:$0x3FB8] =	sst s10  }
0x32: {  	s10 =	sld [smem:$0x3FB6];
	_ =	sdelay $0x3  }
0x33: {  	p0 =	seq.s32 s10, $0x1;
	s10 =	sld [smem:$0x3FB8];
	_ =	sdelay $0x3  }
0x34: {  	[smem:$0x3FB8] =	sst s10  }
0x35: {  	s10 =	sld [smem:$0x3FB7];
	_ =	sdelay $0x3  }
0x36: {  	p1 =	seq.s32 s10, $0x1;
	s10 =	sld [smem:$0x3FB8];
	_ =	sdelay $0x3  }
0x37: {  	[smem:$0x3FB8] =	sst s10  }
0x38: {  	s10 =	sld [smem:$0x3FB9]  }
0x39: {  	_ = 	snop;
	(pc) =	sbr.ind lr, $3  }
0x3a: {  	_ = 	snop  }
0x3b: {  	_ = 	snop  }
0x3c: {  	p2 =	seq.s32 s10, $0x1;
	s10 =	sld [smem:$0x3FB8]  }
0x3d: {  	_ =	shalt  }
0x3e: {  	_ =	shalt  }
0x3f: {  	_ =	shalt  }
0x40: {  	_ =	shalt  }
0x41: {  	_ =	shalt  }
0x42: {  	_ =	shalt  }
0x43: {  	_ =	shalt  }
0x44: {  	_ =	shalt  }
0x45: {  	_ =	shalt  }
0x46: {  	_ =	shalt  }
0x47: {  	_ =	shalt  }
0x48: {  	_ =	shalt  }
0x49: {  	_ =	shalt  }
0x4a: {  	_ =	shalt  }
0x4b: {  	_ =	shalt  }
0x4c: {  	_ =	shalt  }
0x4d: {  	_ =	shalt  }
0x4e: {  	_ =	shalt  }
0x4f: {  	_ =	shalt  }
0x50: {  	_ =	shalt  }
0x51: {  	_ =	shalt  }
0x52: {  	_ =	shalt  }
0x53: {  	_ =	shalt  }
0x54: {  	_ =	shalt  }
0x55: {  	_ =	shalt  }
0x56: {  	_ =	shalt  }
0x57: {  	_ =	shalt  }
0x58: {  	_ =	shalt  }
0x59: {  	_ =	shalt  }
0x5a: {  	_ =	shalt  }
0x5b: {  	_ =	shalt  }
0x5c: {  	_ =	shalt  }
0x5d: {  	_ =	shalt  }
0x5e: {  	_ =	shalt  }
0x5f: {  	_ =	shalt  }
0x60: {  	_ =	shalt  }
0x61: {  	_ =	shalt  }
0x62: {  	_ =	shalt  }
0x63: {  	_ =	shalt  }
0x64: {  	_ =	shalt  }
0x65: {  	_ =	shalt  }
0x66: {  	_ =	shalt  }
0x67: {  	_ =	shalt  }
0x68: {  	_ =	shalt  }
0x69: {  	_ =	shalt  }
0x6a: {  	_ =	shalt  }
0x6b: {  	_ =	shalt  }
0x6c: {  	_ =	shalt  }
0x6d: {  	_ =	shalt  }
0x6e: {  	_ =	shalt  }
0x6f: {  	_ =	shalt  }
0x70: {  	_ =	shalt  }
0x71: {  	_ =	shalt  }
0x72: {  	_ =	shalt  }
0x73: {  	_ =	shalt  }
0x74: {  	_ =	shalt  }
0x75: {  	_ =	shalt  }
0x76: {  	_ =	shalt  }
0x77: {  	_ =	shalt  }
0x78: {  	_ =	shalt  }
0x79: {  	_ =	shalt  }
0x7a: {  	_ =	shalt  }
0x7b: {  	_ =	shalt  }
0x7c: {  	_ =	shalt  }
0x7d: {  	_ =	shalt  }
0x7e: {  	_ =	shalt  }
0x7f: {  	_ =	shalt  }
0x80: {  	_ =	shalt  }
0x81: {  	_ =	shalt  }
0x82: {  	_ =	shalt  }
0x83: {  	_ =	shalt  }
0x84: {  	_ =	shalt  }
0x85: {  	_ =	shalt  }
0x86: {  	_ =	shalt  }
0x87: {  	_ =	shalt  }
.Lfunc_end0:
.L_simem_size_0:
called_computation_lowered:
.L_overlay_start_0:
0x88: {  	s2 =	sld [smem:$0x3FD9]  }
0x89: {  	s3 =	sld [smem:$0x3FFE];
	_ =	sdelay $0x1  }
0x8a: {  	s1 =	srdreg.scid  }
0x8b: {  	s0 =	sand.u32 $0x1, s1  }
0x8c: {  	s17 =	sshll.u32 s0, $0xA;
	s2 =	sadd.s32 s3, s2  }
0x8d: {  	s2 =	sadd.s32 s2, s17  }
0x8e: {  	[smem:$0x3FC4] =	sst s2  }
0x8f: {  	_ = 	snop  }
0x90: {  	s2 =	sld [smem:$0x3FC8]  }
0x91: {  	s18 =	sld [smem:$0x3FD0];
	(tm) =	ssettm $0x1  }
0x92: {  	s4 =	sld [smem:$0x3FFB];
	_ =	sdelay $0x3  }
0x93: {  	_ =	strace s4  }
0x94: {  	s4 =	sld [smem:$0x3FFC];
	_ =	sdelay $0x3  }
0x95: {  	_ =	strace s4  }
0x96: {  	s4 =	sld [smem:$0x3FFD];
	_ =	sdelay $0x3  }
0x97: {  	_ =	strace s4  }
0x98: {  	_ =	strace $0x8FFFFFFF  }
0x99: {  	s19 =	sld [smem:$0x3FDB];
	_ =	sdelay $0x1  }
0x9a: {  	s5 =	simm.s32 $_scs_section_size  }
0x9b: {  	s6 =	simm.s32 $_size__tile_overlayer_lowered;
	s7 =	simm.s32 $_tile_overlayer_lowered  }
0x9c: {  	s22 =	simm.s32 $0x1BFF;
	s21 =	sshll.u32 s7, $0x1;
	s4 =	sadd.s32 s5, s19  }
0x9d: {  	s8 =	simm.s32 $0x0;
	s20 =	sshll.u32 s6, $0x1;
	s6 =	sadd.s32 s21, s4  }
0x9e: {  	[timem:s8], [sflag:s22] =	dma.local [hbm:s6], s20  }
0x9f: {  	_ =	swait.ge [sflag:s22], s20  }
0xa0: {  	s5 =	ssub.s32 $0x0, s20;
	[sflag:s22] =	ssyncset.done $0x0  }
0xa1: {  	[sflag:s22] =	ssyncadd.s32 s5;
	_ =	sdelay $0x1  }
0xa2: {  	s23 =	simm.s32 $0x1B8B  }
0xa3: {  	_ =	swait.ge [sflag:s23], $0x1  }
0xa4: {  	[sflag:s23] =	ssyncset.done $0x0  }
0xa5: {  	s25 =	simm.s32 $0x1B8E;
	s24 =	sld [smem:$0x3FFE];
	[sflag:s23] =	ssyncadd.s32 $0xFFFFFFFF  }
0xa6: {  	s26 =	simm.s32 $execute0_lowered;
	[smem:$0x3FD2] =	sst s25  }
0xa7: {  	s6 =	sshll.u32 s26, $0x1;
	_ =	strace $0x80000046;
	[dreg:$0x1] =	wrdreg $0xFFFFFFFF  }
0xa8: {  	s28 =	simm.s32 $_size_execute0_lowered;
	s4 =	sadd.s32 s4, s6;
	[dreg:$0x0] =	wrdreg $0x0  }
0xa9: {  	s6 =	sshll.u32 s28, $0x1;
	[dreg:$0x2] =	wrdreg s4  }
0xaa: {  	[dreg:$0x3] =	wrdreg s6  }
0xab: {  	[dreg:$0x4] =	wrdreg $0xC0  }
0xac: {  	_ =	task [dreg:s8], $0x5FFFF  }
0xad: {  	[dreg:$0x1] =	wrdreg $0xFFFFFFFF  }
0xae: {  	[dreg:$0x0] =	wrdreg $0x60  }
0xaf: {  	[dreg:$0x2] =	wrdreg s24  }
0xb0: {  	[dreg:$0x3] =	wrdreg s2  }
0xb1: {  	[dreg:$0x4] =	wrdreg s18  }
0xb2: {  	[dreg:$0x5] =	wrdreg $0x9  }
0xb3: {  	_ =	task.clear_ibuf [dreg:s8], $0x6FFFF;
	_ =	strace $0x90000046  }
0xb4: {  	s29 =	simm.s32 $0x9;
	_ =	strace $0x80000048  }
0xb5: {  	_ =	swait.ge [sflag:s29], $0x1  }
0xb6: {  	[sflag:s29] =	ssyncadd.s32 $0xFFFFFFFF  }
0xb7: {  	_ =	strace $0x90000048  }
0xb8: {  	_ =	sfence  }
0xb9: {  	s30 =	sld [smem:$0x0];
	_ =	sdelay $0x2  }
0xba: {  	s31 =	sshll.u32 s1, $0xD;
	s1 =	sshrl.u32 s1, $0x2  }
0xbb: {  	s3 =	sand.u32 $0x4000, s31;
	s1 =	sadd.s32 s1, s30  }
0xbc: {  	s0 =	sor.u32 s3, s0;
	s1 =	sshll.u32 s1, $0x11  }
0xbd: {  	s0 =	sor.u32 s1, s0  }
0xbe: {  	s0 =	sadd.s32 $0x8F2B, s0  }
0xbf: {  	[sflag:s0] =	ssyncadd.remote.s32 $0x1  }
0xc0: {  	_ =	sfence.sel $0xFFFF  }
0xc1: {  	[dreg:$0x0] =	wrdreg $0xFFFFFFFF;
	(pc) =	sbr.abs _section_cstart, $3  }
0xc2: {  	[dreg:$0x1] =	wrdreg $0xFFFFFFFF  }
0xc3: {  	_ =	task.clear_ibuf [dreg:s8], $0x2FFFF;
	_ =	strace $0x9FFFFFFF  }
0xc4: {  	(tm) =	ssettm $0x7FFFFFFF  }
0xc5: {  	_ =	shalt  }
tec
execute0_lowered:
.L_overlay_start_1:
0x0: {  	(tag) =	ssettag $0x1  }
0x1: {  	s0 =	rddreg [dreg:$0x0]  }
0x2: {  	s2 =	rddreg [dreg:$0x1]  }
0x3: {  	s1 =	rddreg [dreg:$0x2];
	s3 =	srdreg.scid  }
0x4: {  	s13 =	stileid.u32;
	s5 =	simm.s32 $0x0;
	s15 =	simm.s32 $0xF000  }
0x5: {  	s17 =	simm.s32 $0xF080;
	s18 =	simm.s32 $0x1;
	s19 =	simm.s32 $0x3  }
0x6: {  	s20 =	simm.s32 $0xF100;
	s21 =	simm.s32 $0x2;
	s22 =	simm.s32 $0x4  }
0x7: {  	s23 =	simm.s32 $0x5;
	s24 =	simm.s32 $0x0;
	s3 =	sand.u32 $0x1, s3  }
0x8: {  	s4 =	sand.u32 $0xE, s13;
	[smem:$0x7FF] =	sst s5;
	s5 =	sadd.s32 $0x1400, s0  }
0x9: {  	s16 =	sand.u32 $0x1, s13;
	s12 =	sshll.u32 s13, $0xD;
	s4 =	sor.u32 s3, s4  }
0xa: {  	_ =	strace $0x80000047;
	s7 =	ssub.s32 $0x2, s3;
	s3 =	sshll.u32 s3, $0x11  }
0xb: {  	s1 =	sadd.s32 s1, s12;
	p0 =	seq.s32 s16, $0x1;
	s6 =	smul.u32 $0xF00, s4  }
0xc: {  	s12 =	ssub.s32 $0x332, s13;
	p1 =	seq.s32 s16, $0x0;
	s8 =	smul.u32 $0xF, s4  }
.Ltmp0:
0xd: {  	s9 =	sor.u32 $0x10, s4;
	s31 =	sshrl.u32 s7, $0x1;
	(pc) =	sbr.rel .LBB2_1-.Ltmp0, $4  }
0xe: {  	v0 =	vlaneseq.u32;
	s11 =	sor.u32 $0x30, s4;
	s13 =	sadd.s32 s3, s1;
	s10 =	smul.u32 $0xF00, s9  }
0xf: {  	v1 =	vimm.f32 $0.0e+00;
	v9 =	vimm.f32 $1.000000000e+00;
	v2 =	vor.u32 $0x10, v0;
	s0 =	ssub.s32 s7, s31;
	s9 =	smul.u32 $0xF, s9;
	s6 =	sadd.s32 s5, s6  }
0x10: {  	v3 =	vor.u32 $0x20, v0;
	v4 =	vor.u32 $0x30, v0;
	v5 =	vor.u32 $0x40, v0;
	s7 =	sadd.s32 s2, s8;
	s14 =	smax.u32 s0, $0x1;
	[dreg:$0x4] =	wrdreg s6  }
0x11: {  	v6 =	vor.u32 $0x50, v0;
	v7 =	vor.u32 $0x60, v0;
	v8 =	vor.u32 $0x70, v0;
	s8 =	sadd.s32 s5, s10;
	s9 =	sadd.s32 s2, s9;
	s10 =	sor.u32 $0x20, s4  }
.LBB2_27:
0x12: {  	s24 =	sadd.s32 $0x1, s24  }
0x13: {  	p2 =	sne.s32 s24, s14  }
.Ltmp1:
0x14: {  	s0 =	simm.s32 $0x0;
	(pc) =	sbr.rel @!p2 .LBB2_28-.Ltmp1, $4  }
0x15: {  	[hbm4b:s13+s0] =	stream.linear.scatter [tilespmem:s20], [sflag:$0x5], $0x10000, $0x38;
	[tilespmem:$0x1F100] =	vst v63  }
0x16: {  	_ =	swait.ge [sflag:s23], $0x10000  }
0x17: {  	[sflag:s23] =	ssyncset.done $0x0  }
0x18: {  	[sflag:s23] =	ssyncadd.s32 $0xFFFF0000  }
.LBB2_1:
0x19: {  	s0 =	simm.s32 $0x40;
	s1 =	simm.s32 $0x0  }
.LBB2_2:
0x1a: {  	p2 =	sne.s32 s0, $0x3FFC0;
	[tilespmem:s1+$0xF100] =	vst v1;
	s1 =	smov.u32 s0;
	s0 =	sadd.s32 $0x40, s0  }
.Ltmp2:
0x1b: {  	(pc) =	sbr.rel @p2 .LBB2_2-.Ltmp2, $2  }
0x1c: {  	_ =	sdelay $0x2  }
0x1d: {  	s1 =	sshra.s32 s1, $0x2  }
0x1e: {  	[tilespmem:s1+$0xF100] =	vst v1;
	s25 =	simm.s32 $0x0;
	s0 =	rddreg [dreg:$0x4]  }
0x1f: {  	[tilespmem:s25], [sflag:$0x1] =	stream.linear.gather [hbm4b:s0+s25], $0x7800, $0x38;
	[tilespmem:$0x1F100] =	vst v63  }
0x20: {  	_ = 	snop  }
0x21: {  	[tilespmem:s15], [sflag:$0x3] =	stream.linear.gather [hbm4b:s7+s25], $0x78, $0x38;
	[tilespmem:$0x1F100] =	vst v63  }
.Ltmp3:
0x22: {  	_ = 	snop;
	(pc) =	sbr.rel .LBB2_4-.Ltmp3, $4  }
0x23: {  	s31 =	simm.s32 $0x7800  }
0x24: {  	[tilespmem:s31], [sflag:$0x2] =	stream.linear.gather [hbm4b:s8+s25], $0x7800, $0x38;
	[tilespmem:$0x1F100] =	vst v63  }
0x25: {  	_ = 	snop  }
0x26: {  	[tilespmem:s17], [sflag:$0x4] =	stream.linear.gather [hbm4b:s9+s25], $0x78, $0x38;
	[tilespmem:$0x1F100] =	vst v63  }
.LBB2_26:
0x27: {  	s0 =	sadd.s32 s11, s26  }
0x28: {  	p2 =	sgt.u32 s0, $0x341  }
0x29: {  	s1 =	smul.u32 @!p2 $0xF00, s0  }
0x2a: {  	s3 =	simm.s32 @!p2 $0x0  }
0x2b: {  	s6 =	simm.s32 @!p2 $0x7800;
	s0 =	smul.u32 @!p2 $0xF, s0;
	s1 =	sadd.s32 @!p2 s5, s1  }
0x2c: {  	[tilespmem:s6], [sflag:$0x2] =	stream.linear.gather @!p2 [hbm4b:s1+s3], $0x7800, $0x38;
	[tilespmem:$0x1F100] =	vst v63  }
0x2d: {  	s25 =	sadd.s32 $0x1, s25;
	s0 =	sadd.s32 @!p2 s2, s0;
	s1 =	simm.s32 @!p2 $0xF080  }
0x2e: {  	[tilespmem:s1], [sflag:$0x4] =	stream.linear.gather @!p2 [hbm4b:s0+s3], $0x78, $0x38;
	[tilespmem:$0x1F100] =	vst v63  }
0x2f: {  	p2 =	sne.s32 s25, $0x1B  }
.Ltmp4:
0x30: {  	_ = 	snop;
	(pc) =	sbr.rel @!p2 .LBB2_27-.Ltmp4, $1  }
0x31: {  	_ =	sdelay $0x3  }
.LBB2_4:
0x32: {  	s26 =	sshll.u32 s25, $0x5  }
0x33: {  	s0 =	sor.u32 s4, s26  }
0x34: {  	p2 =	sgt.u32 s0, $0x341  }
.Ltmp5:
0x35: {  	_ = 	snop;
	(pc) =	sbr.rel @p2 .LBB2_18-.Ltmp5, $1  }
0x36: {  	_ =	sdelay $0x3  }
0x37: {  	_ =	swait.ge [sflag:s18], $0x7800  }
.Ltmp6:
0x38: {  	[sflag:s18] =	ssyncset.done $0x0;
	(pc) =	sbr.rel @p0 .LBB2_12-.Ltmp6, $4  }
0x39: {  	[sflag:s18] =	ssyncadd.s32 $0xFFFF8800  }
0x3a: {  	_ =	swait.ge [sflag:s19], $0x78  }
0x3b: {  	p2 =	seq.s32 s0, $0x341;
	s28 =	simm.s32 $0x50;
	[sflag:s19] =	ssyncset.done $0x0  }
0x3c: {  	s28 =	simm.s32 @!p2 $0x0;
	[sflag:s19] =	ssyncadd.s32 $0xFFFFFF88  }
0x3d: {  	p3 =	sne.s32 s28, $0x77  }
.Ltmp7:
0x3e: {  	_ = 	snop;
	(pc) =	sbr.rel @!p3 .LBB2_7-.Ltmp7, $3  }
0x3f: {  	_ =	sdelay $0x1  }
0x40: {  	s29 =	sshll.u32 s28, $0x7  }
0x41: {  	s0 =	sshll.u32 s28, $0x8;
	s1 =	sadd.s32 $0x1, s28;
	v10 =	vmov s28;
	p2 =	por $0x0, $0x0  }
0x42: {  	_ =	sdelay $0x3  }
0x43: {  	v10 =	vld.idx.msk [tilespmem:v10+s15+$0x0], $0xffff;
	_ =	sdelay $0x1  }
0x44: {  	s3 =	sand.u32 $0x7800, s0;
	s16 =	sand.u32 $0x380, s29  }
0x45: {  	s3 =	sor.u32 s16, s3  }
0x46: {  	v11 =	vld [tilespmem:s3+$0x0]  }
0x47: {  	v10 =	vshll.u32 v10, $0x7  }
0x48: {  	v12 =	vor.u32 v0, v10  }
0x49: {  	v13 =	vor.u32 v7, v10;
	_ =	sdelay $0x1  }
0x4a: {  	v14 =	vmul.f32 v11, v11;
	_ =	sdelay $0x1  }
0x4b: {  	[tilespmem:v12+s20+$0x0] =	vst.idx.add.f32.msk $0xffff, v14  }
0x4c: {  	[tilespmem:v13+s20+$0x0] =	vst.idx.add.f32.msk $0xffff, v11  }
0x4d: {  	v11 =	vld [tilespmem:s3+$0x10];
	_ =	sdelay $0x1  }
0x4e: {  	v12 =	vor.u32 v2, v10  }
0x4f: {  	v13 =	vor.u32 v8, v10;
	_ =	sdelay $0x1  }
0x50: {  	v14 =	vmul.f32 v11, v11;
	_ =	sdelay $0x1  }
0x51: {  	[tilespmem:v12+s20+$0x0] =	vst.idx.add.f32.msk $0xffff, v14  }
0x52: {  	[tilespmem:v13+s20+$0x0] =	vst.idx.add.f32.msk $0xffff, v11  }
0x53: {  	v11 =	vld [tilespmem:s3+$0x20];
	_ =	sdelay $0x1  }
0x54: {  	v12 =	vor.u32 v3, v10;
	_ =	sdelay $0x2  }
0x55: {  	v11 =	vmul.f32 v11, v11;
	_ =	sdelay $0x1  }
0x56: {  	[tilespmem:v12+s20+$0x0] =	vst.idx.add.f32.msk $0xffff, v11  }
0x57: {  	v11 =	vld [tilespmem:s3+$0x30];
	_ =	sdelay $0x1  }
0x58: {  	v12 =	vor.u32 v4, v10;
	_ =	sdelay $0x2  }
0x59: {  	v11 =	vmul.f32 v11, v11;
	_ =	sdelay $0x1  }
0x5a: {  	[tilespmem:v12+s20+$0x0] =	vst.idx.add.f32.msk $0xffff, v11  }
0x5b: {  	v11 =	vld [tilespmem:s3+$0x40];
	_ =	sdelay $0x1  }
0x5c: {  	v12 =	vor.u32 v5, v10;
	_ =	sdelay $0x2  }
0x5d: {  	v11 =	vmul.f32 v11, v11;
	_ =	sdelay $0x1  }
0x5e: {  	[tilespmem:v12+s20+$0x0] =	vst.idx.add.f32.msk $0xffff, v11  }
0x5f: {  	p3 =	sne.s32 s1, $0x77;
	v12 =	vld [tilespmem:s3+$0x50]  }
.Ltmp8:
0x60: {  	_ = 	snop;
	(pc) =	sbr.rel @!p3 .LBB2_9-.Ltmp8, $4  }
0x61: {  	v11 =	vor.u32 v6, v10  }
0x62: {  	v10 =	vmov s1  }
0x63: {  	p2 =	por $0x1, $0x1  }
0x64: {  	s31 =	smov.u32 s29;
	s30 =	smov.u32 s0;
	s16 =	sadd.s32 $0x1, s1;
	v12 =	vmul.f32 v12, v12  }
.LBB2_10:
0x65: {  	s31 =	sadd.s32 $0x80, s31  }
0x66: {  	s30 =	sadd.s32 $0x100, s30;
	s3 =	smov.u32 s16;
	s1 =	sadd.s32 $0x1, s16;
	[tilespmem:v11+s20+$0x0] =	vst.idx.add.f32.msk $0xffff, v12  }
0x67: {  	p3 =	sne.s32 s16, $0x77;
	v10 =	vld.idx.msk [tilespmem:v10+s15+$0x0], $0xffff;
	_ =	sdelay $0x2  }
0x68: {  	s16 =	sand.u32 $0x7800, s30;
	s6 =	sand.u32 $0x380, s31  }
0x69: {  	s16 =	sor.u32 s6, s16  }
0x6a: {  	v11 =	vld [tilespmem:s16+$0x0]  }
0x6b: {  	v10 =	vshll.u32 v10, $0x7  }
0x6c: {  	v12 =	vor.u32 v0, v10  }
0x6d: {  	v13 =	vor.u32 v7, v10;
	_ =	sdelay $0x1  }
0x6e: {  	v14 =	vmul.f32 v11, v11;
	_ =	sdelay $0x1  }
0x6f: {  	[tilespmem:v12+s20+$0x0] =	vst.idx.add.f32.msk $0xffff, v14  }
0x70: {  	[tilespmem:v13+s20+$0x0] =	vst.idx.add.f32.msk $0xffff, v11  }
0x71: {  	v11 =	vld [tilespmem:s16+$0x10];
	_ =	sdelay $0x1  }
0x72: {  	v12 =	vor.u32 v2, v10  }
0x73: {  	v13 =	vor.u32 v8, v10;
	_ =	sdelay $0x1  }
0x74: {  	v14 =	vmul.f32 v11, v11;
	_ =	sdelay $0x1  }
0x75: {  	[tilespmem:v12+s20+$0x0] =	vst.idx.add.f32.msk $0xffff, v14  }
0x76: {  	[tilespmem:v13+s20+$0x0] =	vst.idx.add.f32.msk $0xffff, v11  }
0x77: {  	v11 =	vld [tilespmem:s16+$0x20];
	_ =	sdelay $0x1  }
0x78: {  	v12 =	vor.u32 v3, v10;
	_ =	sdelay $0x2  }
0x79: {  	v11 =	vmul.f32 v11, v11;
	_ =	sdelay $0x1  }
0x7a: {  	[tilespmem:v12+s20+$0x0] =	vst.idx.add.f32.msk $0xffff, v11  }
0x7b: {  	v11 =	vld [tilespmem:s16+$0x30];
	_ =	sdelay $0x1  }
0x7c: {  	v12 =	vor.u32 v4, v10;
	_ =	sdelay $0x2  }
0x7d: {  	v11 =	vmul.f32 v11, v11;
	_ =	sdelay $0x1  }
0x7e: {  	[tilespmem:v12+s20+$0x0] =	vst.idx.add.f32.msk $0xffff, v11  }
0x7f: {  	v11 =	vld [tilespmem:s16+$0x40];
	_ =	sdelay $0x1  }
0x80: {  	v12 =	vor.u32 v5, v10;
	_ =	sdelay $0x2  }
0x81: {  	v11 =	vmul.f32 v11, v11;
	_ =	sdelay $0x1  }
0x82: {  	[tilespmem:v12+s20+$0x0] =	vst.idx.add.f32.msk $0xffff, v11  }
0x83: {  	v12 =	vld [tilespmem:s16+$0x50]  }
.Ltmp9:
0x84: {  	(pc) =	sbr.rel @p3 .LBB2_10-.Ltmp9, $3  }
0x85: {  	v11 =	vor.u32 v6, v10  }
0x86: {  	v10 =	vmov s3;
	_ =	sdelay $0x1  }
0x87: {  	s16 =	smov.u32 s1;
	v12 =	vmul.f32 v12, v12  }
.LBB2_11:
0x88: {  	_ =	sdelay $0x3  }
0x89: {  	[tilespmem:v11+s20+$0x0] =	vst.idx.add.f32.msk @p2 $0xffff, v12  }
0x8a: {  	s1 =	sadd.s32 @p2 $0x80, s31;
	s3 =	sadd.s32 @p2 $0x100, s30;
	v10 =	vld.idx.msk [tilespmem:v10+s15+$0x0], $0xffff  }
0x8b: {  	s0 =	smov.u32 @p2 s3;
	s29 =	smov.u32 @p2 s1  }
0x8c: {  	s0 =	sand.u32 $0x7800, s0;
	s1 =	sand.u32 $0x380, s29  }
0x8d: {  	s0 =	sor.u32 s1, s0  }
0x8e: {  	v11 =	vld [tilespmem:s0+$0x0]  }
0x8f: {  	v10 =	vshll.u32 v10, $0x7  }
0x90: {  	v57 =	vor.u32 v0, v10  }
0x91: {  	v13 =	vor.u32 v7, v10;
	_ =	sdelay $0x1  }
0x92: {  	v14 =	vmul.f32 v11, v11;
	_ =	sdelay $0x1  }
0x93: {  	[tilespmem:v57+s20+$0x0] =	vst.idx.add.f32.msk $0xffff, v14  }
0x94: {  	[tilespmem:v13+s20+$0x0] =	vst.idx.add.f32.msk $0xffff, v11  }
0x95: {  	v11 =	vld [tilespmem:s0+$0x10];
	_ =	sdelay $0x1  }
0x96: {  	v58 =	vor.u32 v2, v10  }
0x97: {  	v59 =	vor.u32 v8, v10;
	_ =	sdelay $0x1  }
0x98: {  	v60 =	vmul.f32 v11, v11;
	_ =	sdelay $0x1  }
0x99: {  	[tilespmem:v58+s20+$0x0] =	vst.idx.add.f32.msk $0xffff, v60  }
0x9a: {  	[tilespmem:v59+s20+$0x0] =	vst.idx.add.f32.msk $0xffff, v11  }
0x9b: {  	v11 =	vld [tilespmem:s0+$0x20];
	_ =	sdelay $0x1  }
0x9c: {  	v61 =	vor.u32 v3, v10;
	_ =	sdelay $0x2  }
0x9d: {  	v11 =	vmul.f32 v11, v11;
	_ =	sdelay $0x1  }
0x9e: {  	[tilespmem:v61+s20+$0x0] =	vst.idx.add.f32.msk $0xffff, v11  }
0x9f: {  	v11 =	vld [tilespmem:s0+$0x30];
	_ =	sdelay $0x1  }
0xa0: {  	v62 =	vor.u32 v4, v10;
	_ =	sdelay $0x2  }
0xa1: {  	v11 =	vmul.f32 v11, v11;
	_ =	sdelay $0x1  }
0xa2: {  	[tilespmem:v62+s20+$0x0] =	vst.idx.add.f32.msk $0xffff, v11  }
0xa3: {  	v11 =	vld [tilespmem:s0+$0x40];
	_ =	sdelay $0x1  }
0xa4: {  	v63 =	vor.u32 v5, v10;
	_ =	sdelay $0x2  }
0xa5: {  	v11 =	vmul.f32 v11, v11;
	_ =	sdelay $0x1  }
0xa6: {  	[tilespmem:v63+s20+$0x0] =	vst.idx.add.f32.msk $0xffff, v11  }
0xa7: {  	v11 =	vld [tilespmem:s0+$0x50];
	_ =	sdelay $0x1  }
0xa8: {  	v10 =	vor.u32 v6, v10  }
.Ltmp10:
0xa9: {  	_ = 	snop;
	(pc) =	sbr.rel @p1 .LBB2_18-.Ltmp10, $3  }
0xaa: {  	_ = 	snop  }
0xab: {  	v11 =	vmul.f32 v11, v11;
	_ =	sdelay $0x1  }
0xac: {  	[tilespmem:v10+s20+$0x0] =	vst.idx.add.f32.msk $0xffff, v11  }
.LBB2_12:
0xad: {  	p3 =	sne.s32 s28, $0x77  }
.Ltmp11:
0xae: {  	_ = 	snop;
	(pc) =	sbr.rel @!p3 .LBB2_13-.Ltmp11, $3  }
0xaf: {  	_ =	sdelay $0x1  }
0xb0: {  	s29 =	sshll.u32 s28, $0x7  }
0xb1: {  	s30 =	sshll.u32 s28, $0x8;
	s0 =	sadd.s32 $0x1, s28;
	v10 =	vmov s28;
	p2 =	por $0x0, $0x0  }
0xb2: {  	_ =	sdelay $0x3  }
0xb3: {  	v10 =	vld.idx.msk [tilespmem:v10+s15+$0x0], $0xffff;
	_ =	sdelay $0x1  }
0xb4: {  	s1 =	sand.u32 $0x7800, s30;
	s3 =	sand.u32 $0x380, s29  }
0xb5: {  	s1 =	sor.u32 s3, s1  }
0xb6: {  	v11 =	vld [tilespmem:s1+$0x60]  }
0xb7: {  	v10 =	vshll.u32 v10, $0x7  }
0xb8: {  	v12 =	vor.u32 v0, v10;
	_ =	sdelay $0x2  }
0xb9: {  	v11 =	vmul.f32 v11, v11;
	_ =	sdelay $0x1  }
0xba: {  	[tilespmem:v12+s20+$0x0] =	vst.idx.add.f32.msk $0xffff, v11  }
0xbb: {  	v11 =	vld [tilespmem:s1+$0x70];
	_ =	sdelay $0x1  }
0xbc: {  	v58 =	vor.u32 v2, v10;
	_ =	sdelay $0x2  }
0xbd: {  	v11 =	vmul.f32 v11, v11;
	_ =	sdelay $0x1  }
0xbe: {  	[tilespmem:v58+s20+$0x0] =	vst.idx.add.f32.msk $0xffff, v11  }
0xbf: {  	v11 =	vld [tilespmem:s1+$0x400];
	_ =	sdelay $0x1  }
0xc0: {  	v59 =	vor.u32 v3, v10;
	_ =	sdelay $0x2  }
0xc1: {  	v11 =	vmul.f32 v11, v11;
	_ =	sdelay $0x1  }
0xc2: {  	[tilespmem:v59+s20+$0x0] =	vst.idx.add.f32.msk $0xffff, v11  }
0xc3: {  	v11 =	vld [tilespmem:s1+$0x410];
	_ =	sdelay $0x1  }
0xc4: {  	v60 =	vor.u32 v4, v10;
	_ =	sdelay $0x2  }
0xc5: {  	v11 =	vmul.f32 v11, v11;
	_ =	sdelay $0x1  }
0xc6: {  	[tilespmem:v60+s20+$0x0] =	vst.idx.add.f32.msk $0xffff, v11  }
0xc7: {  	v11 =	vld [tilespmem:s1+$0x420];
	_ =	sdelay $0x1  }
0xc8: {  	v61 =	vor.u32 v5, v10;
	_ =	sdelay $0x2  }
0xc9: {  	v11 =	vmul.f32 v11, v11;
	_ =	sdelay $0x1  }
0xca: {  	[tilespmem:v61+s20+$0x0] =	vst.idx.add.f32.msk $0xffff, v11  }
0xcb: {  	v11 =	vld [tilespmem:s1+$0x430];
	_ =	sdelay $0x1  }
0xcc: {  	v62 =	vor.u32 v6, v10;
	_ =	sdelay $0x2  }
0xcd: {  	v11 =	vmul.f32 v11, v11;
	_ =	sdelay $0x1  }
0xce: {  	[tilespmem:v62+s20+$0x0] =	vst.idx.add.f32.msk $0xffff, v11  }
0xcf: {  	v11 =	vld [tilespmem:s1+$0x440];
	_ =	sdelay $0x2  }
0xd0: {  	p3 =	sne.s32 s0, $0x77;
	v63 =	vor.u32 v7, v10  }
.Ltmp12:
0xd1: {  	_ = 	snop;
	(pc) =	sbr.rel @!p3 .LBB2_15-.Ltmp12, $4  }
0xd2: {  	v13 =	vmul.f32 v11, v11;
	v11 =	vor.u32 v8, v10  }
0xd3: {  	v10 =	vmov s0  }
0xd4: {  	p2 =	por $0x1, $0x1  }
0xd5: {  	s28 =	smov.u32 s29;
	s31 =	smov.u32 s30;
	s3 =	sadd.s32 $0x1, s0;
	[tilespmem:v63+s20+$0x0] =	vst.idx.add.f32.msk $0xffff, v13  }
.LBB2_16:
0xd6: {  	s28 =	sadd.s32 $0x80, s28  }
0xd7: {  	[tilespmem:v11+s20+$0x0] =	vst.idx.add.f32.msk $0xffff, v9;
	s31 =	sadd.s32 $0x100, s31;
	s1 =	smov.u32 s3;
	s0 =	sadd.s32 $0x1, s3  }
0xd8: {  	p3 =	sne.s32 s3, $0x77;
	v10 =	vld.idx.msk [tilespmem:v10+s15+$0x0], $0xffff;
	_ =	sdelay $0x2  }
0xd9: {  	s3 =	sand.u32 $0x7800, s31;
	s6 =	sand.u32 $0x380, s28  }
0xda: {  	s3 =	sor.u32 s6, s3  }
0xdb: {  	v11 =	vld [tilespmem:s3+$0x60]  }
0xdc: {  	v10 =	vshll.u32 v10, $0x7  }
0xdd: {  	v12 =	vor.u32 v0, v10;
	_ =	sdelay $0x2  }
0xde: {  	v11 =	vmul.f32 v11, v11;
	_ =	sdelay $0x1  }
0xdf: {  	[tilespmem:v12+s20+$0x0] =	vst.idx.add.f32.msk $0xffff, v11  }
0xe0: {  	v11 =	vld [tilespmem:s3+$0x70];
	_ =	sdelay $0x1  }
0xe1: {  	v12 =	vor.u32 v2, v10;
	_ =	sdelay $0x2  }
0xe2: {  	v11 =	vmul.f32 v11, v11;
	_ =	sdelay $0x1  }
0xe3: {  	[tilespmem:v12+s20+$0x0] =	vst.idx.add.f32.msk $0xffff, v11  }
0xe4: {  	v11 =	vld [tilespmem:s3+$0x400];
	_ =	sdelay $0x1  }
0xe5: {  	v12 =	vor.u32 v3, v10;
	_ =	sdelay $0x2  }
0xe6: {  	v11 =	vmul.f32 v11, v11;
	_ =	sdelay $0x1  }
0xe7: {  	[tilespmem:v12+s20+$0x0] =	vst.idx.add.f32.msk $0xffff, v11  }
0xe8: {  	v11 =	vld [tilespmem:s3+$0x410];
	_ =	sdelay $0x1  }
0xe9: {  	v12 =	vor.u32 v4, v10;
	_ =	sdelay $0x2  }
0xea: {  	v11 =	vmul.f32 v11, v11;
	_ =	sdelay $0x1  }
0xeb: {  	[tilespmem:v12+s20+$0x0] =	vst.idx.add.f32.msk $0xffff, v11  }
0xec: {  	v11 =	vld [tilespmem:s3+$0x420];
	_ =	sdelay $0x1  }
0xed: {  	v12 =	vor.u32 v5, v10;
	_ =	sdelay $0x2  }
0xee: {  	v11 =	vmul.f32 v11, v11;
	_ =	sdelay $0x1  }
0xef: {  	[tilespmem:v12+s20+$0x0] =	vst.idx.add.f32.msk $0xffff, v11  }
0xf0: {  	v11 =	vld [tilespmem:s3+$0x430];
	_ =	sdelay $0x1  }
0xf1: {  	v12 =	vor.u32 v6, v10;
	_ =	sdelay $0x2  }
0xf2: {  	v11 =	vmul.f32 v11, v11;
	_ =	sdelay $0x1  }
0xf3: {  	[tilespmem:v12+s20+$0x0] =	vst.idx.add.f32.msk $0xffff, v11  }
0xf4: {  	v12 =	vld [tilespmem:s3+$0x440];
	_ =	sdelay $0x1  }
0xf5: {  	v13 =	vor.u32 v7, v10  }
.Ltmp13:
0xf6: {  	v11 =	vor.u32 v8, v10;
	(pc) =	sbr.rel @p3 .LBB2_16-.Ltmp13, $3  }
0xf7: {  	v10 =	vmov s1  }
0xf8: {  	v12 =	vmul.f32 v12, v12;
	_ =	sdelay $0x1  }
0xf9: {  	s3 =	smov.u32 s0;
	[tilespmem:v13+s20+$0x0] =	vst.idx.add.f32.msk $0xffff, v12  }
.LBB2_17:
0xfa: {  	_ =	sdelay $0x3  }
0xfb: {  	[tilespmem:v11+s20+$0x0] =	vst.idx.add.f32.msk @p2 $0xffff, v9  }
0xfc: {  	s0 =	sadd.s32 @p2 $0x80, s28;
	s1 =	sadd.s32 @p2 $0x100, s31;
	v10 =	vld.idx.msk [tilespmem:v10+s15+$0x0], $0xffff  }
0xfd: {  	s30 =	smov.u32 @p2 s1;
	s29 =	smov.u32 @p2 s0  }
0xfe: {  	s30 =	sand.u32 $0x7800, s30;
	s31 =	sand.u32 $0x380, s29  }
0xff: {  	s0 =	sor.u32 s31, s30  }
0x100: {  	v11 =	vld [tilespmem:s0+$0x60]  }
0x101: {  	v10 =	vshll.u32 v10, $0x7  }
0x102: {  	v12 =	vor.u32 v0, v10;
	_ =	sdelay $0x2  }
0x103: {  	v11 =	vmul.f32 v11, v11;
	_ =	sdelay $0x1  }
0x104: {  	[tilespmem:v12+s20+$0x0] =	vst.idx.add.f32.msk $0xffff, v11  }
0x105: {  	v11 =	vld [tilespmem:s0+$0x70];
	_ =	sdelay $0x1  }
0x106: {  	v58 =	vor.u32 v2, v10;
	_ =	sdelay $0x2  }
0x107: {  	v11 =	vmul.f32 v11, v11;
	_ =	sdelay $0x1  }
0x108: {  	[tilespmem:v58+s20+$0x0] =	vst.idx.add.f32.msk $0xffff, v11  }
0x109: {  	v11 =	vld [tilespmem:s0+$0x400];
	_ =	sdelay $0x1  }
0x10a: {  	v59 =	vor.u32 v3, v10;
	_ =	sdelay $0x2  }
0x10b: {  	v11 =	vmul.f32 v11, v11;
	_ =	sdelay $0x1  }
0x10c: {  	[tilespmem:v59+s20+$0x0] =	vst.idx.add.f32.msk $0xffff, v11  }
0x10d: {  	v11 =	vld [tilespmem:s0+$0x410];
	_ =	sdelay $0x1  }
0x10e: {  	v60 =	vor.u32 v4, v10;
	_ =	sdelay $0x2  }
0x10f: {  	v11 =	vmul.f32 v11, v11;
	_ =	sdelay $0x1  }
0x110: {  	[tilespmem:v60+s20+$0x0] =	vst.idx.add.f32.msk $0xffff, v11  }
0x111: {  	v11 =	vld [tilespmem:s0+$0x420];
	_ =	sdelay $0x1  }
0x112: {  	v61 =	vor.u32 v5, v10;
	_ =	sdelay $0x2  }
0x113: {  	v11 =	vmul.f32 v11, v11;
	_ =	sdelay $0x1  }
0x114: {  	[tilespmem:v61+s20+$0x0] =	vst.idx.add.f32.msk $0xffff, v11  }
0x115: {  	v11 =	vld [tilespmem:s0+$0x430];
	_ =	sdelay $0x1  }
0x116: {  	v62 =	vor.u32 v6, v10;
	_ =	sdelay $0x2  }
0x117: {  	v11 =	vmul.f32 v11, v11;
	_ =	sdelay $0x1  }
0x118: {  	[tilespmem:v62+s20+$0x0] =	vst.idx.add.f32.msk $0xffff, v11  }
0x119: {  	v11 =	vld [tilespmem:s0+$0x440];
	_ =	sdelay $0x1  }
0x11a: {  	v63 =	vor.u32 v7, v10  }
0x11b: {  	v10 =	vor.u32 v8, v10;
	_ =	sdelay $0x1  }
0x11c: {  	v11 =	vmul.f32 v11, v11;
	_ =	sdelay $0x1  }
0x11d: {  	[tilespmem:v63+s20+$0x0] =	vst.idx.add.f32.msk $0xffff, v11  }
0x11e: {  	[tilespmem:v10+s20+$0x0] =	vst.idx.add.f32.msk $0xffff, v9  }
.LBB2_18:
0x11f: {  	s0 =	sadd.s32 s10, s26  }
0x120: {  	p2 =	sgt.u32 s0, $0x341  }
0x121: {  	p3 =	seq.s32 @!p2 s0, $0x341;
	s0 =	smul.u32 @!p2 $0x78, s0  }
0x122: {  	p3 =	por !p3, p2  }
0x123: {  	s0 =	simm.s32 @!p3 $0x18628  }
0x124: {  	s1 =	sshll.u32 @!p2 s0, $0x5  }
0x125: {  	s3 =	simm.s32 @!p2 $0x0;
	s0 =	sshrl.u32 @!p2 s0, $0x3;
	s1 =	sadd.s32 @!p2 s5, s1  }
0x126: {  	[tilespmem:s3], [sflag:$0x1] =	stream.linear.gather @!p2 [hbm4b:s1+s3], $0x7800, $0x38;
	[tilespmem:$0x1F100] =	vst v63  }
0x127: {  	s0 =	sadd.s32 @!p2 s2, s0;
	s1 =	simm.s32 @!p2 $0xF000  }
0x128: {  	[tilespmem:s1], [sflag:$0x3] =	stream.linear.gather @!p2 [hbm4b:s0+s3], $0x78, $0x38;
	[tilespmem:$0x1F100] =	vst v63  }
0x129: {  	p2 =	sge.u32 s26, s12  }
.Ltmp14:
0x12a: {  	_ = 	snop;
	(pc) =	sbr.rel @p2 .LBB2_26-.Ltmp14, $1  }
0x12b: {  	_ =	sdelay $0x3  }
0x12c: {  	_ =	swait.ge [sflag:s21], $0x7800  }
.Ltmp15:
0x12d: {  	[sflag:s21] =	ssyncset.done $0x0;
	(pc) =	sbr.rel @p0 .LBB2_23-.Ltmp15, $4  }
0x12e: {  	[sflag:s21] =	ssyncadd.s32 $0xFFFF8800  }
0x12f: {  	_ =	swait.ge [sflag:s22], $0x78  }
0x130: {  	[sflag:s22] =	ssyncset.done $0x0  }
0x131: {  	s28 =	simm.s32 $0x0;
	[sflag:s22] =	ssyncadd.s32 $0xFFFFFF88  }
0x132: {  	v10 =	vmov s28;
	_ =	sdelay $0x4  }
0x133: {  	v10 =	vld.idx.msk [tilespmem:v10+s17+$0x0], $0xffff;
	_ =	sdelay $0x1  }
0x134: {  	s0 =	sand.u32 $0x7800, s28;
	s1 =	sand.u32 $0x380, s28  }
0x135: {  	s0 =	sor.u32 s1, s0  }
0x136: {  	v11 =	vld [tilespmem:s0+$0x7800]  }
0x137: {  	v10 =	vshll.u32 v10, $0x7  }
0x138: {  	v12 =	vor.u32 v0, v10  }
0x139: {  	v13 =	vor.u32 v7, v10;
	_ =	sdelay $0x1  }
0x13a: {  	v14 =	vmul.f32 v11, v11;
	_ =	sdelay $0x1  }
0x13b: {  	[tilespmem:v12+s20+$0x0] =	vst.idx.add.f32.msk $0xffff, v14  }
0x13c: {  	[tilespmem:v13+s20+$0x0] =	vst.idx.add.f32.msk $0xffff, v11  }
0x13d: {  	v11 =	vld [tilespmem:s0+$0x7810];
	_ =	sdelay $0x1  }
0x13e: {  	v12 =	vor.u32 v2, v10  }
0x13f: {  	v13 =	vor.u32 v8, v10;
	_ =	sdelay $0x1  }
0x140: {  	v14 =	vmul.f32 v11, v11;
	_ =	sdelay $0x1  }
0x141: {  	[tilespmem:v12+s20+$0x0] =	vst.idx.add.f32.msk $0xffff, v14  }
0x142: {  	[tilespmem:v13+s20+$0x0] =	vst.idx.add.f32.msk $0xffff, v11  }
0x143: {  	v11 =	vld [tilespmem:s0+$0x7820];
	_ =	sdelay $0x1  }
0x144: {  	v12 =	vor.u32 v3, v10;
	_ =	sdelay $0x2  }
0x145: {  	v11 =	vmul.f32 v11, v11;
	_ =	sdelay $0x1  }
0x146: {  	[tilespmem:v12+s20+$0x0] =	vst.idx.add.f32.msk $0xffff, v11  }
0x147: {  	v11 =	vld [tilespmem:s0+$0x7830];
	_ =	sdelay $0x1  }
0x148: {  	v12 =	vor.u32 v4, v10;
	_ =	sdelay $0x2  }
0x149: {  	v11 =	vmul.f32 v11, v11;
	_ =	sdelay $0x1  }
0x14a: {  	[tilespmem:v12+s20+$0x0] =	vst.idx.add.f32.msk $0xffff, v11  }
0x14b: {  	v11 =	vld [tilespmem:s0+$0x7840];
	_ =	sdelay $0x1  }
0x14c: {  	v12 =	vor.u32 v5, v10;
	_ =	sdelay $0x2  }
0x14d: {  	v11 =	vmul.f32 v11, v11;
	_ =	sdelay $0x1  }
0x14e: {  	[tilespmem:v12+s20+$0x0] =	vst.idx.add.f32.msk $0xffff, v11  }
0x14f: {  	v12 =	vld [tilespmem:s0+$0x7850];
	_ =	sdelay $0x1  }
0x150: {  	s31 =	simm.s32 $0x1;
	v11 =	vor.u32 v6, v10  }
0x151: {  	v10 =	vmov s31;
	_ =	sdelay $0x1  }
0x152: {  	s16 =	simm.s32 $0x2;
	s0 =	simm.s32 $0x0;
	v12 =	vmul.f32 v12, v12  }
.LBB2_21:
0x153: {  	s28 =	sadd.s32 $0x80, s28  }
0x154: {  	s0 =	sadd.s32 $0x100, s0;
	s3 =	smov.u32 s16;
	s1 =	sadd.s32 $0x1, s16;
	[tilespmem:v11+s20+$0x0] =	vst.idx.add.f32.msk $0xffff, v12  }
0x155: {  	p2 =	sne.s32 s16, $0x77;
	v10 =	vld.idx.msk [tilespmem:v10+s17+$0x0], $0xffff;
	_ =	sdelay $0x2  }
0x156: {  	s6 =	sand.u32 $0x7800, s0;
	s16 =	sand.u32 $0x380, s28  }
0x157: {  	s16 =	sor.u32 s16, s6  }
0x158: {  	v11 =	vld [tilespmem:s16+$0x7800]  }
0x159: {  	v10 =	vshll.u32 v10, $0x7  }
0x15a: {  	v12 =	vor.u32 v0, v10  }
0x15b: {  	v13 =	vor.u32 v7, v10;
	_ =	sdelay $0x1  }
0x15c: {  	v14 =	vmul.f32 v11, v11;
	_ =	sdelay $0x1  }
0x15d: {  	[tilespmem:v12+s20+$0x0] =	vst.idx.add.f32.msk $0xffff, v14  }
0x15e: {  	[tilespmem:v13+s20+$0x0] =	vst.idx.add.f32.msk $0xffff, v11  }
0x15f: {  	v11 =	vld [tilespmem:s16+$0x7810];
	_ =	sdelay $0x1  }
0x160: {  	v12 =	vor.u32 v2, v10  }
0x161: {  	v13 =	vor.u32 v8, v10;
	_ =	sdelay $0x1  }
0x162: {  	v14 =	vmul.f32 v11, v11;
	_ =	sdelay $0x1  }
0x163: {  	[tilespmem:v12+s20+$0x0] =	vst.idx.add.f32.msk $0xffff, v14  }
0x164: {  	[tilespmem:v13+s20+$0x0] =	vst.idx.add.f32.msk $0xffff, v11  }
0x165: {  	v11 =	vld [tilespmem:s16+$0x7820];
	_ =	sdelay $0x1  }
0x166: {  	v12 =	vor.u32 v3, v10;
	_ =	sdelay $0x2  }
0x167: {  	v11 =	vmul.f32 v11, v11;
	_ =	sdelay $0x1  }
0x168: {  	[tilespmem:v12+s20+$0x0] =	vst.idx.add.f32.msk $0xffff, v11  }
0x169: {  	v11 =	vld [tilespmem:s16+$0x7830];
	_ =	sdelay $0x1  }
0x16a: {  	v12 =	vor.u32 v4, v10;
	_ =	sdelay $0x2  }
0x16b: {  	v11 =	vmul.f32 v11, v11;
	_ =	sdelay $0x1  }
0x16c: {  	[tilespmem:v12+s20+$0x0] =	vst.idx.add.f32.msk $0xffff, v11  }
0x16d: {  	v11 =	vld [tilespmem:s16+$0x7840];
	_ =	sdelay $0x1  }
0x16e: {  	v12 =	vor.u32 v5, v10;
	_ =	sdelay $0x2  }
0x16f: {  	v11 =	vmul.f32 v11, v11;
	_ =	sdelay $0x1  }
0x170: {  	[tilespmem:v12+s20+$0x0] =	vst.idx.add.f32.msk $0xffff, v11  }
0x171: {  	v12 =	vld [tilespmem:s16+$0x7850]  }
.Ltmp16:
0x172: {  	(pc) =	sbr.rel @p2 .LBB2_21-.Ltmp16, $3  }
0x173: {  	v11 =	vor.u32 v6, v10  }
0x174: {  	v10 =	vmov s3;
	_ =	sdelay $0x1  }
0x175: {  	s16 =	smov.u32 s1;
	v12 =	vmul.f32 v12, v12  }
0x176: {  	_ =	sdelay $0x3  }
0x177: {  	[tilespmem:v11+s20+$0x0] =	vst.idx.add.f32.msk $0xffff, v12  }
0x178: {  	v10 =	vld.idx.msk [tilespmem:v10+s17+$0x0], $0xffff  }
0x179: {  	s1 =	sadd.s32 $0x80, s28;
	s0 =	sadd.s32 $0x100, s0  }
0x17a: {  	s0 =	sand.u32 $0x7800, s0;
	s1 =	sand.u32 $0x380, s1  }
0x17b: {  	s0 =	sor.u32 s1, s0  }
0x17c: {  	v11 =	vld [tilespmem:s0+$0x7800]  }
0x17d: {  	v10 =	vshll.u32 v10, $0x7  }
0x17e: {  	v57 =	vor.u32 v0, v10  }
0x17f: {  	v13 =	vor.u32 v7, v10;
	_ =	sdelay $0x1  }
0x180: {  	v14 =	vmul.f32 v11, v11;
	_ =	sdelay $0x1  }
0x181: {  	[tilespmem:v57+s20+$0x0] =	vst.idx.add.f32.msk $0xffff, v14  }
0x182: {  	[tilespmem:v13+s20+$0x0] =	vst.idx.add.f32.msk $0xffff, v11  }
0x183: {  	v11 =	vld [tilespmem:s0+$0x7810];
	_ =	sdelay $0x1  }
0x184: {  	v58 =	vor.u32 v2, v10  }
0x185: {  	v59 =	vor.u32 v8, v10;
	_ =	sdelay $0x1  }
0x186: {  	v60 =	vmul.f32 v11, v11;
	_ =	sdelay $0x1  }
0x187: {  	[tilespmem:v58+s20+$0x0] =	vst.idx.add.f32.msk $0xffff, v60  }
0x188: {  	[tilespmem:v59+s20+$0x0] =	vst.idx.add.f32.msk $0xffff, v11  }
0x189: {  	v11 =	vld [tilespmem:s0+$0x7820];
	_ =	sdelay $0x1  }
0x18a: {  	v61 =	vor.u32 v3, v10;
	_ =	sdelay $0x2  }
0x18b: {  	v11 =	vmul.f32 v11, v11;
	_ =	sdelay $0x1  }
0x18c: {  	[tilespmem:v61+s20+$0x0] =	vst.idx.add.f32.msk $0xffff, v11  }
0x18d: {  	v11 =	vld [tilespmem:s0+$0x7830];
	_ =	sdelay $0x1  }
0x18e: {  	v62 =	vor.u32 v4, v10;
	_ =	sdelay $0x2  }
0x18f: {  	v11 =	vmul.f32 v11, v11;
	_ =	sdelay $0x1  }
0x190: {  	[tilespmem:v62+s20+$0x0] =	vst.idx.add.f32.msk $0xffff, v11  }
0x191: {  	v11 =	vld [tilespmem:s0+$0x7840];
	_ =	sdelay $0x1  }
0x192: {  	v63 =	vor.u32 v5, v10;
	_ =	sdelay $0x2  }
0x193: {  	v11 =	vmul.f32 v11, v11;
	_ =	sdelay $0x1  }
0x194: {  	[tilespmem:v63+s20+$0x0] =	vst.idx.add.f32.msk $0xffff, v11  }
0x195: {  	v11 =	vld [tilespmem:s0+$0x7850];
	_ =	sdelay $0x1  }
0x196: {  	v10 =	vor.u32 v6, v10  }
.Ltmp17:
0x197: {  	_ = 	snop;
	(pc) =	sbr.rel @p1 .LBB2_26-.Ltmp17, $3  }
0x198: {  	_ = 	snop  }
0x199: {  	v11 =	vmul.f32 v11, v11;
	_ =	sdelay $0x1  }
0x19a: {  	[tilespmem:v10+s20+$0x0] =	vst.idx.add.f32.msk $0xffff, v11  }
.LBB2_23:
0x19b: {  	s28 =	simm.s32 $0x0  }
0x19c: {  	v10 =	vmov s28;
	_ =	sdelay $0x4  }
0x19d: {  	v10 =	vld.idx.msk [tilespmem:v10+s17+$0x0], $0xffff;
	_ =	sdelay $0x1  }
0x19e: {  	s0 =	sand.u32 $0x7800, s28;
	s1 =	sand.u32 $0x380, s28  }
0x19f: {  	s0 =	sor.u32 s1, s0  }
0x1a0: {  	v11 =	vld [tilespmem:s0+$0x7860]  }
0x1a1: {  	v10 =	vshll.u32 v10, $0x7  }
0x1a2: {  	v12 =	vor.u32 v0, v10;
	_ =	sdelay $0x2  }
0x1a3: {  	v11 =	vmul.f32 v11, v11;
	_ =	sdelay $0x1  }
0x1a4: {  	[tilespmem:v12+s20+$0x0] =	vst.idx.add.f32.msk $0xffff, v11  }
0x1a5: {  	v11 =	vld [tilespmem:s0+$0x7870];
	_ =	sdelay $0x1  }
0x1a6: {  	v58 =	vor.u32 v2, v10;
	_ =	sdelay $0x2  }
0x1a7: {  	v11 =	vmul.f32 v11, v11;
	_ =	sdelay $0x1  }
0x1a8: {  	[tilespmem:v58+s20+$0x0] =	vst.idx.add.f32.msk $0xffff, v11  }
0x1a9: {  	v11 =	vld [tilespmem:s0+$0x7C00];
	_ =	sdelay $0x1  }
0x1aa: {  	v59 =	vor.u32 v3, v10;
	_ =	sdelay $0x2  }
0x1ab: {  	v11 =	vmul.f32 v11, v11;
	_ =	sdelay $0x1  }
0x1ac: {  	[tilespmem:v59+s20+$0x0] =	vst.idx.add.f32.msk $0xffff, v11  }
0x1ad: {  	v11 =	vld [tilespmem:s0+$0x7C10];
	_ =	sdelay $0x1  }
0x1ae: {  	v60 =	vor.u32 v4, v10;
	_ =	sdelay $0x2  }
0x1af: {  	v11 =	vmul.f32 v11, v11;
	_ =	sdelay $0x1  }
0x1b0: {  	[tilespmem:v60+s20+$0x0] =	vst.idx.add.f32.msk $0xffff, v11  }
0x1b1: {  	v11 =	vld [tilespmem:s0+$0x7C20];
	_ =	sdelay $0x1  }
0x1b2: {  	v61 =	vor.u32 v5, v10;
	_ =	sdelay $0x2  }
0x1b3: {  	v11 =	vmul.f32 v11, v11;
	_ =	sdelay $0x1  }
0x1b4: {  	[tilespmem:v61+s20+$0x0] =	vst.idx.add.f32.msk $0xffff, v11  }
0x1b5: {  	v11 =	vld [tilespmem:s0+$0x7C30];
	_ =	sdelay $0x1  }
0x1b6: {  	v62 =	vor.u32 v6, v10;
	_ =	sdelay $0x2  }
0x1b7: {  	v11 =	vmul.f32 v11, v11;
	_ =	sdelay $0x1  }
0x1b8: {  	[tilespmem:v62+s20+$0x0] =	vst.idx.add.f32.msk $0xffff, v11  }
0x1b9: {  	v11 =	vld [tilespmem:s0+$0x7C40];
	_ =	sdelay $0x2  }
0x1ba: {  	v63 =	vor.u32 v7, v10;
	_ =	sdelay $0x1  }
0x1bb: {  	s31 =	simm.s32 $0x1;
	v13 =	vmul.f32 v11, v11;
	v11 =	vor.u32 v8, v10  }
0x1bc: {  	v10 =	vmov s31;
	_ =	sdelay $0x1  }
0x1bd: {  	s3 =	simm.s32 $0x2;
	s29 =	simm.s32 $0x0;
	[tilespmem:v63+s20+$0x0] =	vst.idx.add.f32.msk $0xffff, v13  }
.LBB2_24:
0x1be: {  	s28 =	sadd.s32 $0x80, s28  }
0x1bf: {  	[tilespmem:v11+s20+$0x0] =	vst.idx.add.f32.msk $0xffff, v9;
	s29 =	sadd.s32 $0x100, s29;
	s1 =	smov.u32 s3;
	s0 =	sadd.s32 $0x1, s3  }
0x1c0: {  	p2 =	sne.s32 s3, $0x77;
	v10 =	vld.idx.msk [tilespmem:v10+s17+$0x0], $0xffff;
	_ =	sdelay $0x2  }
0x1c1: {  	s3 =	sand.u32 $0x7800, s29;
	s6 =	sand.u32 $0x380, s28  }
0x1c2: {  	s3 =	sor.u32 s6, s3  }
0x1c3: {  	v11 =	vld [tilespmem:s3+$0x7860]  }
0x1c4: {  	v10 =	vshll.u32 v10, $0x7  }
0x1c5: {  	v12 =	vor.u32 v0, v10;
	_ =	sdelay $0x2  }
0x1c6: {  	v11 =	vmul.f32 v11, v11;
	_ =	sdelay $0x1  }
0x1c7: {  	[tilespmem:v12+s20+$0x0] =	vst.idx.add.f32.msk $0xffff, v11  }
0x1c8: {  	v11 =	vld [tilespmem:s3+$0x7870];
	_ =	sdelay $0x1  }
0x1c9: {  	v12 =	vor.u32 v2, v10;
	_ =	sdelay $0x2  }
0x1ca: {  	v11 =	vmul.f32 v11, v11;
	_ =	sdelay $0x1  }
0x1cb: {  	[tilespmem:v12+s20+$0x0] =	vst.idx.add.f32.msk $0xffff, v11  }
0x1cc: {  	v11 =	vld [tilespmem:s3+$0x7C00];
	_ =	sdelay $0x1  }
0x1cd: {  	v12 =	vor.u32 v3, v10;
	_ =	sdelay $0x2  }
0x1ce: {  	v11 =	vmul.f32 v11, v11;
	_ =	sdelay $0x1  }
0x1cf: {  	[tilespmem:v12+s20+$0x0] =	vst.idx.add.f32.msk $0xffff, v11  }
0x1d0: {  	v11 =	vld [tilespmem:s3+$0x7C10];
	_ =	sdelay $0x1  }
0x1d1: {  	v12 =	vor.u32 v4, v10;
	_ =	sdelay $0x2  }
0x1d2: {  	v11 =	vmul.f32 v11, v11;
	_ =	sdelay $0x1  }
0x1d3: {  	[tilespmem:v12+s20+$0x0] =	vst.idx.add.f32.msk $0xffff, v11  }
0x1d4: {  	v11 =	vld [tilespmem:s3+$0x7C20];
	_ =	sdelay $0x1  }
0x1d5: {  	v12 =	vor.u32 v5, v10;
	_ =	sdelay $0x2  }
0x1d6: {  	v11 =	vmul.f32 v11, v11;
	_ =	sdelay $0x1  }
0x1d7: {  	[tilespmem:v12+s20+$0x0] =	vst.idx.add.f32.msk $0xffff, v11  }
0x1d8: {  	v11 =	vld [tilespmem:s3+$0x7C30];
	_ =	sdelay $0x1  }
0x1d9: {  	v12 =	vor.u32 v6, v10;
	_ =	sdelay $0x2  }
0x1da: {  	v11 =	vmul.f32 v11, v11;
	_ =	sdelay $0x1  }
0x1db: {  	[tilespmem:v12+s20+$0x0] =	vst.idx.add.f32.msk $0xffff, v11  }
0x1dc: {  	v12 =	vld [tilespmem:s3+$0x7C40];
	_ =	sdelay $0x1  }
0x1dd: {  	v13 =	vor.u32 v7, v10  }
.Ltmp18:
0x1de: {  	v11 =	vor.u32 v8, v10;
	(pc) =	sbr.rel @p2 .LBB2_24-.Ltmp18, $3  }
0x1df: {  	v10 =	vmov s1  }
0x1e0: {  	v12 =	vmul.f32 v12, v12;
	_ =	sdelay $0x1  }
0x1e1: {  	s3 =	smov.u32 s0;
	[tilespmem:v13+s20+$0x0] =	vst.idx.add.f32.msk $0xffff, v12  }
0x1e2: {  	_ =	sdelay $0x3  }
0x1e3: {  	[tilespmem:v11+s20+$0x0] =	vst.idx.add.f32.msk $0xffff, v9  }
0x1e4: {  	v10 =	vld.idx.msk [tilespmem:v10+s17+$0x0], $0xffff  }
0x1e5: {  	s0 =	sadd.s32 $0x80, s28;
	s1 =	sadd.s32 $0x100, s29  }
0x1e6: {  	s1 =	sand.u32 $0x7800, s1;
	s0 =	sand.u32 $0x380, s0  }
0x1e7: {  	s0 =	sor.u32 s0, s1  }
0x1e8: {  	v11 =	vld [tilespmem:s0+$0x7860]  }
0x1e9: {  	v10 =	vshll.u32 v10, $0x7  }
0x1ea: {  	v12 =	vor.u32 v0, v10;
	_ =	sdelay $0x2  }
0x1eb: {  	v11 =	vmul.f32 v11, v11;
	_ =	sdelay $0x1  }
0x1ec: {  	[tilespmem:v12+s20+$0x0] =	vst.idx.add.f32.msk $0xffff, v11  }
0x1ed: {  	v11 =	vld [tilespmem:s0+$0x7870];
	_ =	sdelay $0x1  }
0x1ee: {  	v58 =	vor.u32 v2, v10;
	_ =	sdelay $0x2  }
0x1ef: {  	v11 =	vmul.f32 v11, v11;
	_ =	sdelay $0x1  }
0x1f0: {  	[tilespmem:v58+s20+$0x0] =	vst.idx.add.f32.msk $0xffff, v11  }
0x1f1: {  	v11 =	vld [tilespmem:s0+$0x7C00];
	_ =	sdelay $0x1  }
0x1f2: {  	v59 =	vor.u32 v3, v10;
	_ =	sdelay $0x2  }
0x1f3: {  	v11 =	vmul.f32 v11, v11;
	_ =	sdelay $0x1  }
0x1f4: {  	[tilespmem:v59+s20+$0x0] =	vst.idx.add.f32.msk $0xffff, v11  }
0x1f5: {  	v11 =	vld [tilespmem:s0+$0x7C10];
	_ =	sdelay $0x1  }
0x1f6: {  	v60 =	vor.u32 v4, v10;
	_ =	sdelay $0x2  }
0x1f7: {  	v11 =	vmul.f32 v11, v11;
	_ =	sdelay $0x1  }
0x1f8: {  	[tilespmem:v60+s20+$0x0] =	vst.idx.add.f32.msk $0xffff, v11  }
0x1f9: {  	v11 =	vld [tilespmem:s0+$0x7C20];
	_ =	sdelay $0x1  }
0x1fa: {  	v61 =	vor.u32 v5, v10;
	_ =	sdelay $0x2  }
0x1fb: {  	v11 =	vmul.f32 v11, v11;
	_ =	sdelay $0x1  }
0x1fc: {  	[tilespmem:v61+s20+$0x0] =	vst.idx.add.f32.msk $0xffff, v11  }
0x1fd: {  	v11 =	vld [tilespmem:s0+$0x7C30];
	_ =	sdelay $0x1  }
0x1fe: {  	v62 =	vor.u32 v6, v10;
	_ =	sdelay $0x2  }
0x1ff: {  	v11 =	vmul.f32 v11, v11;
	_ =	sdelay $0x1  }
0x200: {  	[tilespmem:v62+s20+$0x0] =	vst.idx.add.f32.msk $0xffff, v11  }
0x201: {  	v11 =	vld [tilespmem:s0+$0x7C40];
	_ =	sdelay $0x1  }
0x202: {  	v63 =	vor.u32 v7, v10  }
0x203: {  	v10 =	vor.u32 v8, v10  }
.Ltmp19:
0x204: {  	_ = 	snop;
	(pc) =	sbr.rel .LBB2_26-.Ltmp19, $3  }
0x205: {  	v11 =	vmul.f32 v11, v11;
	_ =	sdelay $0x1  }
0x206: {  	[tilespmem:v63+s20+$0x0] =	vst.idx.add.f32.msk $0xffff, v11  }
0x207: {  	[tilespmem:v10+s20+$0x0] =	vst.idx.add.f32.msk $0xffff, v9  }
.LBB2_13:
.Ltmp20:
0x208: {  	(pc) =	sbr.rel .LBB2_17-.Ltmp20, $2  }
0x209: {  	_ =	sdelay $0x2  }
0x20a: {  	s28 =	smov.u32 s29;
	s31 =	smov.u32 s30  }
.LBB2_15:
.Ltmp21:
0x20b: {  	(pc) =	sbr.rel .LBB2_17-.Ltmp21, $2  }
0x20c: {  	_ =	sdelay $0x2  }
0x20d: {  	s28 =	smov.u32 s29;
	s31 =	smov.u32 s30  }
.LBB2_7:
.Ltmp22:
0x20e: {  	(pc) =	sbr.rel .LBB2_11-.Ltmp22, $2  }
0x20f: {  	_ =	sdelay $0x2  }
0x210: {  	s31 =	smov.u32 s29;
	s30 =	smov.u32 s0  }
.LBB2_9:
.Ltmp23:
0x211: {  	(pc) =	sbr.rel .LBB2_11-.Ltmp23, $2  }
0x212: {  	_ =	sdelay $0x2  }
0x213: {  	s31 =	smov.u32 s29;
	s30 =	smov.u32 s0  }
.LBB2_28:
0x214: {  	_ =	sfence.sel $0x180000  }
0x215: {  	[bflag:$0x0] =	sbarrier.arrive $0xFFFF  }
0x216: {  	_ =	strace $0x90000047  }
0x217: {  	s0 =	stileid.u32;
	[bflag:$0x2] =	sbarrier.arrive $0xFFFF  }
0x218: {  	p0 =	sne.s32 s0, $0x0;
	s0 =	rddreg [dreg:$0x3]  }
0x219: {  	s0 =	sadd.s32 @!p0 $0x100000, s0  }
0x21a: {  	[sflag:s0] =	ssyncadd.tile.s32 @!p0 $0x1;
	_ =	shalt  }
.Lfunc_end2:
_tile_overlayer_lowered:
.L_overlay_start_2:
0x21b: {  	(tag) =	ssettag $0x2  }
0x21c: {  	s0 =	rddreg [dreg:$0x0];
	s2 =	stileid.u32  }
0x21d: {  	s1 =	rddreg [dreg:$0x1];
	p0 =	sne.s32 s2, $0x0  }
0x21e: {  	s3 =	rddreg [dreg:$0x2];
	[bflag:$0x3] =	sbarrier.arrive $0xFFFF;
	s2 =	simm.s32 @!p0 $0x1C05  }
0x21f: {  	[timem:s3], [sflag:s2] =	dma.local @!p0 [hbm:s0], s1  }
0x220: {  	s0 =	simm.s32 @!p0 $0x5  }
0x221: {  	_ =	swait.ge @!p0 [sflag:s0], s1  }
0x222: {  	s1 =	ssub.s32 @!p0 $0x0, s1;
	[sflag:s0] =	ssyncset.done @!p0 $0x0  }
0x223: {  	[sflag:s0] =	ssyncadd.s32 @!p0 s1  }
0x224: {  	[bflag:$0x3] =	sbarrier.arrive $0xFFFF  }
0x225: {  	_ =	shalt  }

// kernel: kernel.8.cloned.1.call-start
scs
__scs_entry_jumppad:
0x0: {  	(pc) =	sbr.rel $0x88, $3  }
0x1: {  	(tag) =	ssettag $0x0;
	lr =	simm.s32 $0x1  }
0x2: {  	[smem:$0x3F9D] =	sst lr;
	_ =	strace $0xD0000000  }
0x3: {  	_ = 	snop  }
0x4: {  	_ = 	snop  }
0x5: {  	_ = 	snop  }
0x6: {  	_ = 	snop  }
0x7: {  	_ = 	snop  }
__scs_overlays_trampoline_lowered:
0x8: {  	[smem:$0x3FAC] =	sst s0  }
0x9: {  	[smem:$0x3FAD] =	sst s1  }
0xa: {  	[smem:$0x3FAE] =	sst s2  }
0xb: {  	[smem:$0x3FAF] =	sst s3  }
0xc: {  	[smem:$0x3FB0] =	sst s4  }
0xd: {  	[smem:$0x3FB1] =	sst s5  }
0xe: {  	[smem:$0x3FB2] =	sst s6  }
0xf: {  	[smem:$0x3FB3] =	sst s7  }
0x10: {  	[smem:$0x3FB4] =	sst s8  }
0x11: {  	[smem:$0x3FB5] =	sst s9;
	s0 =	simm.s32 @!p0 $0x0  }
0x12: {  	s1 =	sld [smem:$0x3F9B];
	s0 =	simm.s32 @p0 $0x1  }
0x13: {  	[smem:$0x3FB6] =	sst s0;
	s0 =	simm.s32 @!p1 $0x0  }
0x14: {  	s2 =	sld [smem:$0x3F9A];
	s0 =	simm.s32 @p1 $0x1  }
0x15: {  	[smem:$0x3FB7] =	sst s0;
	s0 =	simm.s32 @!p2 $0x0  }
0x16: {  	s3 =	sld [smem:$0x3FDB];
	s0 =	simm.s32 @p2 $0x1  }
0x17: {  	s4 =	simm.s32 $0x1BF5;
	[smem:$0x3FB9] =	sst s0  }
0x18: {  	s0 =	sld [smem:$0x3F9C];
	_ =	swait.ge [sflag:s4], $0x0  }
0x19: {  	s7 =	sld [smem:$0x3F9D]  }
0x1a: {  	s8 =	sadd.s32 $0xFFFFE003, lr  }
0x1b: {  	s9 =	sadd.s32 $0xFFFFFEF7, lr;
	s5 =	simm.s32 $0xFFFFFFFF;
	p2 =	slt.u32 s8, $0xFFFFF086  }
0x1c: {  	p1 =	slt.u32 s9, $0xF7A;
	s5 =	simm.s32 @!p2 $0x0  }
0x1d: {  	s5 =	simm.s32 @p1 $0x1;
	p0 =	seq.s32 s7, s2  }
0x1e: {  	s7 =	smul.u32 @!p0 $0xF7A, s2;
	p2 =	seq.s32 @!p0 s5, $0x0  }
0x1f: {  	s9 =	smul.u32 $0xF7A, s1;
	s8 =	simm.s32 @!p0 $0x1BF5;
	p2 =	por !p2, p0  }
0x20: {  	[sflag:s8] =	ssyncset.s32 @!p0 $0xFFFFF086;
	s6 =	sadd.s32 @!p0 s3, s7;
	s7 =	simm.s32 @!p0 $0x108  }
0x21: {  	s3 =	sadd.s32 s3, s9;
	s6 =	sadd.s32 @!p0 $0x88, s6;
	s7 =	simm.s32 @p2 $0x1082  }
0x22: {  	[simem:s7], [sflag:s8] =	dma.local @!p0 [hbm:s6], $0xF7A  }
0x23: {  	s9 =	sor.u32 $0xD0000000, s2;
	s6 =	simm.s32 $0x108;
	_ =	swait.ge @!p0 [sflag:s8], $0x0  }
0x24: {  	s3 =	sadd.s32 $0x88, s3;
	s6 =	simm.s32 @!p1 $0x1082;
	[sflag:s4] =	ssyncset.s32 $0xFFFFF086  }
0x25: {  	[simem:s6], [sflag:s4] =	dma.local [hbm:s3], $0xF7A  }
0x26: {  	[smem:$0x3F9D] =	sst s1;
	(tag) =	ssettag s2;
	_ =	strace s9  }
0x27: {  	s1 =	sld [smem:$0x3FAD]  }
0x28: {  	s2 =	sld [smem:$0x3FAE]  }
0x29: {  	s4 =	sld [smem:$0x3FB0]  }
0x2a: {  	p0 =	seq.s32 s5, $0x0;
	s5 =	sld [smem:$0x3FB1]  }
0x2b: {  	s6 =	sld [smem:$0x3FB2]  }
0x2c: {  	s7 =	sld [smem:$0x3FB3]  }
0x2d: {  	s3 =	simm.s32 $0x108;
	s8 =	sld [smem:$0x3FB4]  }
0x2e: {  	s3 =	simm.s32 @!p0 $0x1082;
	s9 =	sld [smem:$0x3FB5]  }
0x2f: {  	lr =	sadd.s32 s0, s3;
	s0 =	sld [smem:$0x3FAC]  }
0x30: {  	s3 =	sld [smem:$0x3FAF]  }
0x31: {  	[smem:$0x3FB8] =	sst s10  }
0x32: {  	s10 =	sld [smem:$0x3FB6];
	_ =	sdelay $0x3  }
0x33: {  	p0 =	seq.s32 s10, $0x1;
	s10 =	sld [smem:$0x3FB8];
	_ =	sdelay $0x3  }
0x34: {  	[smem:$0x3FB8] =	sst s10  }
0x35: {  	s10 =	sld [smem:$0x3FB7];
	_ =	sdelay $0x3  }
0x36: {  	p1 =	seq.s32 s10, $0x1;
	s10 =	sld [smem:$0x3FB8];
	_ =	sdelay $0x3  }
0x37: {  	[smem:$0x3FB8] =	sst s10  }
0x38: {  	s10 =	sld [smem:$0x3FB9]  }
0x39: {  	_ = 	snop;
	(pc) =	sbr.ind lr, $3  }
0x3a: {  	_ = 	snop  }
0x3b: {  	_ = 	snop  }
0x3c: {  	p2 =	seq.s32 s10, $0x1;
	s10 =	sld [smem:$0x3FB8]  }
0x3d: {  	_ =	shalt  }
0x3e: {  	_ =	shalt  }
0x3f: {  	_ =	shalt  }
0x40: {  	_ =	shalt  }
0x41: {  	_ =	shalt  }
0x42: {  	_ =	shalt  }
0x43: {  	_ =	shalt  }
0x44: {  	_ =	shalt  }
0x45: {  	_ =	shalt  }
0x46: {  	_ =	shalt  }
0x47: {  	_ =	shalt  }
0x48: {  	_ =	shalt  }
0x49: {  	_ =	shalt  }
0x4a: {  	_ =	shalt  }
0x4b: {  	_ =	shalt  }
0x4c: {  	_ =	shalt  }
0x4d: {  	_ =	shalt  }
0x4e: {  	_ =	shalt  }
0x4f: {  	_ =	shalt  }
0x50: {  	_ =	shalt  }
0x51: {  	_ =	shalt  }
0x52: {  	_ =	shalt  }
0x53: {  	_ =	shalt  }
0x54: {  	_ =	shalt  }
0x55: {  	_ =	shalt  }
0x56: {  	_ =	shalt  }
0x57: {  	_ =	shalt  }
0x58: {  	_ =	shalt  }
0x59: {  	_ =	shalt  }
0x5a: {  	_ =	shalt  }
0x5b: {  	_ =	shalt  }
0x5c: {  	_ =	shalt  }
0x5d: {  	_ =	shalt  }
0x5e: {  	_ =	shalt  }
0x5f: {  	_ =	shalt  }
0x60: {  	_ =	shalt  }
0x61: {  	_ =	shalt  }
0x62: {  	_ =	shalt  }
0x63: {  	_ =	shalt  }
0x64: {  	_ =	shalt  }
0x65: {  	_ =	shalt  }
0x66: {  	_ =	shalt  }
0x67: {  	_ =	shalt  }
0x68: {  	_ =	shalt  }
0x69: {  	_ =	shalt  }
0x6a: {  	_ =	shalt  }
0x6b: {  	_ =	shalt  }
0x6c: {  	_ =	shalt  }
0x6d: {  	_ =	shalt  }
0x6e: {  	_ =	shalt  }
0x6f: {  	_ =	shalt  }
0x70: {  	_ =	shalt  }
0x71: {  	_ =	shalt  }
0x72: {  	_ =	shalt  }
0x73: {  	_ =	shalt  }
0x74: {  	_ =	shalt  }
0x75: {  	_ =	shalt  }
0x76: {  	_ =	shalt  }
0x77: {  	_ =	shalt  }
0x78: {  	_ =	shalt  }
0x79: {  	_ =	shalt  }
0x7a: {  	_ =	shalt  }
0x7b: {  	_ =	shalt  }
0x7c: {  	_ =	shalt  }
0x7d: {  	_ =	shalt  }
0x7e: {  	_ =	shalt  }
0x7f: {  	_ =	shalt  }
0x80: {  	_ =	shalt  }
0x81: {  	_ =	shalt  }
0x82: {  	_ =	shalt  }
0x83: {  	_ =	shalt  }
0x84: {  	_ =	shalt  }
0x85: {  	_ =	shalt  }
0x86: {  	_ =	shalt  }
0x87: {  	_ =	shalt  }
.Lfunc_end0:
.L_simem_size_0:
called_computation.1_lowered:
.L_overlay_start_0:
0x88: {  	s2 =	sld [smem:$0x3FD9]  }
0x89: {  	s3 =	sld [smem:$0x3FFE];
	_ =	sdelay $0x1  }
0x8a: {  	s1 =	srdreg.scid  }
0x8b: {  	s0 =	sand.u32 $0x1, s1  }
0x8c: {  	s17 =	sshll.u32 s0, $0xA;
	s2 =	sadd.s32 s3, s2  }
0x8d: {  	s2 =	sadd.s32 s2, s17  }
0x8e: {  	[smem:$0x3FC4] =	sst s2  }
0x8f: {  	_ = 	snop  }
0x90: {  	s2 =	sld [smem:$0x3FC8]  }
0x91: {  	s18 =	sld [smem:$0x3FD0];
	(tm) =	ssettm $0x1  }
0x92: {  	s4 =	sld [smem:$0x3FFB];
	_ =	sdelay $0x3  }
0x93: {  	_ =	strace s4  }
0x94: {  	s4 =	sld [smem:$0x3FFC];
	_ =	sdelay $0x3  }
0x95: {  	_ =	strace s4  }
0x96: {  	s4 =	sld [smem:$0x3FFD];
	_ =	sdelay $0x3  }
0x97: {  	_ =	strace s4  }
0x98: {  	_ =	strace $0x8FFFFFFF  }
0x99: {  	s19 =	sld [smem:$0x3FDB];
	_ =	sdelay $0x1  }
0x9a: {  	s5 =	simm.s32 $_scs_section_size  }
0x9b: {  	s6 =	simm.s32 $_size__tile_overlayer_lowered;
	s7 =	simm.s32 $_tile_overlayer_lowered  }
0x9c: {  	s22 =	simm.s32 $0x1BFF;
	s21 =	sshll.u32 s7, $0x1;
	s4 =	sadd.s32 s5, s19  }
0x9d: {  	s8 =	simm.s32 $0x0;
	s20 =	sshll.u32 s6, $0x1;
	s6 =	sadd.s32 s21, s4  }
0x9e: {  	[timem:s8], [sflag:s22] =	dma.local [hbm:s6], s20  }
0x9f: {  	_ =	swait.ge [sflag:s22], s20  }
0xa0: {  	s5 =	ssub.s32 $0x0, s20;
	[sflag:s22] =	ssyncset.done $0x0  }
0xa1: {  	[sflag:s22] =	ssyncadd.s32 s5;
	_ =	sdelay $0x1  }
0xa2: {  	s23 =	simm.s32 $0x1B8B  }
0xa3: {  	_ =	swait.ge [sflag:s23], $0x1  }
0xa4: {  	[sflag:s23] =	ssyncset.done $0x0  }
0xa5: {  	s25 =	simm.s32 $0x1B8E;
	s24 =	sld [smem:$0x3FFE];
	[sflag:s23] =	ssyncadd.s32 $0xFFFFFFFF  }
0xa6: {  	s26 =	simm.s32 $execute0_lowered;
	[smem:$0x3FD2] =	sst s25  }
0xa7: {  	s6 =	sshll.u32 s26, $0x1;
	_ =	strace $0x80000049;
	[dreg:$0x1] =	wrdreg $0xFFFFFFFF  }
0xa8: {  	s28 =	simm.s32 $_size_execute0_lowered;
	s4 =	sadd.s32 s4, s6;
	[dreg:$0x0] =	wrdreg $0x0  }
0xa9: {  	s6 =	sshll.u32 s28, $0x1;
	[dreg:$0x2] =	wrdreg s4  }
0xaa: {  	[dreg:$0x3] =	wrdreg s6  }
0xab: {  	[dreg:$0x4] =	wrdreg $0xC0  }
0xac: {  	_ =	task [dreg:s8], $0x5FFFF  }
0xad: {  	[dreg:$0x1] =	wrdreg $0xFFFFFFFF  }
0xae: {  	[dreg:$0x0] =	wrdreg $0x60  }
0xaf: {  	[dreg:$0x2] =	wrdreg s24  }
0xb0: {  	[dreg:$0x3] =	wrdreg s2  }
0xb1: {  	[dreg:$0x4] =	wrdreg s18  }
0xb2: {  	[dreg:$0x5] =	wrdreg $0x9  }
0xb3: {  	_ =	task.clear_ibuf [dreg:s8], $0x6FFFF;
	_ =	strace $0x90000049  }
0xb4: {  	s29 =	simm.s32 $0x9;
	_ =	strace $0x8000004B  }
0xb5: {  	_ =	swait.ge [sflag:s29], $0x1  }
0xb6: {  	[sflag:s29] =	ssyncadd.s32 $0xFFFFFFFF  }
0xb7: {  	_ =	strace $0x9000004B  }
0xb8: {  	_ =	sfence  }
0xb9: {  	s30 =	sld [smem:$0x0];
	_ =	sdelay $0x2  }
0xba: {  	s31 =	sshll.u32 s1, $0xD;
	s1 =	sshrl.u32 s1, $0x2  }
0xbb: {  	s3 =	sand.u32 $0x4000, s31;
	s1 =	sadd.s32 s1, s30  }
0xbc: {  	s0 =	sor.u32 s3, s0;
	s1 =	sshll.u32 s1, $0x11  }
0xbd: {  	s0 =	sor.u32 s1, s0  }
0xbe: {  	s0 =	sadd.s32 $0x8F2B, s0  }
0xbf: {  	[sflag:s0] =	ssyncadd.remote.s32 $0x1  }
0xc0: {  	_ =	sfence.sel $0xFFFF  }
0xc1: {  	[dreg:$0x0] =	wrdreg $0xFFFFFFFF;
	(pc) =	sbr.abs _section_cstart, $3  }
0xc2: {  	[dreg:$0x1] =	wrdreg $0xFFFFFFFF  }
0xc3: {  	_ =	task.clear_ibuf [dreg:s8], $0x2FFFF;
	_ =	strace $0x9FFFFFFF  }
0xc4: {  	(tm) =	ssettm $0x7FFFFFFF  }
0xc5: {  	_ =	shalt  }
tec
execute0_lowered:
.L_overlay_start_1:
0x0: {  	(tag) =	ssettag $0x1  }
0x1: {  	s0 =	rddreg [dreg:$0x0]  }
0x2: {  	s2 =	rddreg [dreg:$0x1]  }
0x3: {  	s3 =	rddreg [dreg:$0x2]  }
0x4: {  	s1 =	srdreg.scid;
	s5 =	stileid.u32;
	s4 =	simm.s32 $0x0  }
0x5: {  	s18 =	simm.s32 $0x3;
	s28 =	simm.s32 $0x13000;
	s29 =	simm.s32 $0x13800  }
0x6: {  	s30 =	simm.s32 $0x14000;
	s31 =	simm.s32 $0x14800;
	s15 =	simm.s32 $0x16000  }
0x7: {  	s16 =	simm.s32 $0x1;
	s17 =	simm.s32 $0x5;
	s11 =	simm.s32 $0x6  }
0x8: {  	s14 =	simm.s32 $0x0;
	s1 =	sand.u32 $0x1, s1;
	s5 =	sshll.u32 s5, $0x1  }
0x9: {  	[smem:$0x7FF] =	sst s4;
	s6 =	sadd.s32 $0x1400, s0;
	s5 =	sor.u32 s1, s5  }
0xa: {  	s7 =	sadd.s32 $0x30E800, s0;
	s22 =	ssub.s32 $0x2, s1;
	s8 =	smul.u32 $0x78, s5  }
0xb: {  	_ =	strace $0x8000004A;
	s23 =	smul.u32 $0xF00, s5;
	s9 =	sshrl.u32 s22, $0x1  }
0xc: {  	s10 =	smul.u32 $0xF, s5;
	s12 =	sor.u32 $0x40, s5;
	s13 =	sor.u32 $0x60, s5  }
0xd: {  	s0 =	ssub.s32 s22, s9;
	s9 =	simm.s32 $0x4;
	s8 =	sadd.s32 $0xF00, s8  }
0xe: {  	s1 =	sadd.s32 s6, s23;
	s25 =	sadd.s32 s2, s10;
	s0 =	smax.u32 s0, $0x1  }
.Ltmp0:
0xf: {  	s10 =	simm.s32 $0x2;
	[dreg:$0x4] =	wrdreg s1;
	(pc) =	sbr.rel .LBB2_1-.Ltmp0, $4  }
0x10: {  	s24 =	sshll.u32 s8, $0x5;
	[dreg:$0x5] =	wrdreg s25;
	s26 =	sshrl.u32 s8, $0x3  }
0x11: {  	v2 =	vlaneseq.u32;
	[dreg:$0x8] =	wrdreg s0;
	s25 =	simm.s32 $0x12000;
	s1 =	sadd.s32 s6, s24  }
0x12: {  	vm0 =	vmmov $0xffff;
	v1 =	vshrl.u32 v2, $0x3;
	s0 =	simm.s32 $0x15000;
	[dreg:$0x6] =	wrdreg s1;
	s1 =	sadd.s32 s2, s26  }
0x13: {  	v0 =	vand.u32 $0x7, v2;
	v2 =	vor.u32 $0x8, v2;
	v1 =	vmul.u32 $0x8, v1;
	s26 =	simm.s32 $0x12800;
	[dreg:$0x7] =	wrdreg s1;
	s1 =	simm.s32 $0x15800  }
.LBB2_13:
0x14: {  	_ =	swait.ge [sflag:s11], $0x7800  }
0x15: {  	s14 =	rddreg [dreg:$0x9]  }
0x16: {  	s8 =	rddreg [dreg:$0x8];
	s14 =	sadd.s32 $0x1, s14  }
0x17: {  	p0 =	sne.s32 s14, s8  }
.Ltmp1:
0x18: {  	_ = 	snop;
	(pc) =	sbr.rel @!p0 .LBB2_14-.Ltmp1, $3  }
0x19: {  	_ =	sdelay $0x1  }
0x1a: {  	[sflag:s11] =	ssyncset.done $0x0  }
0x1b: {  	[sflag:s11] =	ssyncadd.s32 $0xFFFF8800  }
.LBB2_1:
0x1c: {  	[dreg:$0x9] =	wrdreg s14  }
0x1d: {  	s8 =	rddreg [dreg:$0x4]  }
0x1e: {  	[tilespmem:s4], [sflag:$0x1] =	stream.linear.gather [hbm4b:s8+s4], $0x7800, $0x38;
	[tilespmem:$0x1E100] =	vst v63  }
0x1f: {  	s19 =	rddreg [dreg:$0x5];
	s20 =	simm.s32 $0x1E000  }
0x20: {  	[tilespmem:s20], [sflag:$0x3] =	stream.linear.gather [hbm4b:s19+s4], $0x78, $0x38;
	[tilespmem:$0x1E100] =	vst v63  }
0x21: {  	s21 =	rddreg [dreg:$0x6];
	s22 =	simm.s32 $0x7800  }
0x22: {  	[tilespmem:s22], [sflag:$0x2] =	stream.linear.gather [hbm4b:s21+s4], $0x7800, $0x38;
	[tilespmem:$0x1E100] =	vst v63  }
0x23: {  	s23 =	rddreg [dreg:$0x7];
	s24 =	simm.s32 $0x1E080  }
0x24: {  	[tilespmem:s24], [sflag:$0x4] =	stream.linear.gather [hbm4b:s23+s4], $0x78, $0x38;
	[tilespmem:$0x1E100] =	vst v63  }
0x25: {  	_ =	swait.ge [sflag:s18], $0x78  }
0x26: {  	[sflag:s18] =	ssyncset.done $0x0  }
0x27: {  	[sflag:s18] =	ssyncadd.s32 $0xFFFFFF88  }
0x28: {  	v3 =	vld [tilespmem:$0x1E000];
	_ =	sdelay $0x4  }
0x29: {  	v4 =	vshll.u32 v3, $0x1  }
0x2a: {  	v3 =	vand.u32 $0x7, v3;
	v4 =	vand.u32 $0xFFFFFFF0, v4  }
0x2b: {  	v3 =	vor.u32 v3, v4  }
0x2c: {  	v4 =	vperm.xlane v3, v0;
	_ =	sdelay $0x1  }
0x2d: {  	v3 =	vperm.xlane v3, v2;
	v4 =	vadd.s32 v1, v4;
	_ =	sdelay $0x1  }
0x2e: {  	v3 =	vadd.s32 v1, v3;
	_ =	sdelay $0x1  }
0x2f: {  	s19 =	simm.s32 $0xF000  }
0x30: {  	[tilespmem:s19], [sflag:$0x5] =	stream.indirect_vreg.gather [hbm4b:s3+s4], $0x80, v4, vm0, $0xb8;
	[tilespmem:$0x1E100] =	vst v63  }
0x31: {  	s20 =	simm.s32 $0xF800  }
0x32: {  	[tilespmem:s20], [sflag:$0x5] =	stream.indirect_vreg.gather [hbm4b:s3+s4], $0x80, v3, vm0, $0xb8;
	[tilespmem:$0x1E100] =	vst v63  }
0x33: {  	v3 =	vld [tilespmem:$0x1E010];
	_ =	sdelay $0x4  }
0x34: {  	v57 =	vshll.u32 v3, $0x1  }
0x35: {  	v3 =	vand.u32 $0x7, v3;
	v4 =	vand.u32 $0xFFFFFFF0, v57  }
0x36: {  	v3 =	vor.u32 v3, v4  }
0x37: {  	v4 =	vperm.xlane v3, v0;
	_ =	sdelay $0x1  }
0x38: {  	v3 =	vperm.xlane v3, v2;
	v4 =	vadd.s32 v1, v4;
	_ =	sdelay $0x1  }
0x39: {  	v3 =	vadd.s32 v1, v3;
	_ =	sdelay $0x1  }
0x3a: {  	s21 =	simm.s32 $0x10000  }
0x3b: {  	[tilespmem:s21], [sflag:$0x5] =	stream.indirect_vreg.gather [hbm4b:s3+s4], $0x80, v4, vm0, $0xb8;
	[tilespmem:$0x1E100] =	vst v63  }
0x3c: {  	s22 =	simm.s32 $0x10800  }
0x3d: {  	[tilespmem:s22], [sflag:$0x5] =	stream.indirect_vreg.gather [hbm4b:s3+s4], $0x80, v3, vm0, $0xb8;
	[tilespmem:$0x1E100] =	vst v63  }
0x3e: {  	v3 =	vld [tilespmem:$0x1E020];
	_ =	sdelay $0x4  }
0x3f: {  	v58 =	vshll.u32 v3, $0x1  }
0x40: {  	v3 =	vand.u32 $0x7, v3;
	v4 =	vand.u32 $0xFFFFFFF0, v58  }
0x41: {  	v3 =	vor.u32 v3, v4  }
0x42: {  	v4 =	vperm.xlane v3, v0;
	_ =	sdelay $0x1  }
0x43: {  	v3 =	vperm.xlane v3, v2;
	v4 =	vadd.s32 v1, v4;
	_ =	sdelay $0x1  }
0x44: {  	v3 =	vadd.s32 v1, v3;
	_ =	sdelay $0x1  }
0x45: {  	s23 =	simm.s32 $0x11000  }
0x46: {  	[tilespmem:s23], [sflag:$0x5] =	stream.indirect_vreg.gather [hbm4b:s3+s4], $0x80, v4, vm0, $0xb8;
	[tilespmem:$0x1E100] =	vst v63  }
0x47: {  	s24 =	simm.s32 $0x11800  }
0x48: {  	[tilespmem:s24], [sflag:$0x5] =	stream.indirect_vreg.gather [hbm4b:s3+s4], $0x80, v3, vm0, $0xb8;
	[tilespmem:$0x1E100] =	vst v63  }
0x49: {  	v3 =	vld [tilespmem:$0x1E030];
	_ =	sdelay $0x4  }
0x4a: {  	v59 =	vshll.u32 v3, $0x1  }
0x4b: {  	v3 =	vand.u32 $0x7, v3;
	v4 =	vand.u32 $0xFFFFFFF0, v59  }
0x4c: {  	v3 =	vor.u32 v3, v4  }
0x4d: {  	v4 =	vperm.xlane v3, v0;
	_ =	sdelay $0x1  }
0x4e: {  	v3 =	vperm.xlane v3, v2;
	v4 =	vadd.s32 v1, v4;
	_ =	sdelay $0x1  }
0x4f: {  	v3 =	vadd.s32 v1, v3;
	_ =	sdelay $0x2  }
0x50: {  	[tilespmem:s25], [sflag:$0x5] =	stream.indirect_vreg.gather [hbm4b:s3+s4], $0x80, v4, vm0, $0xb8;
	[tilespmem:$0x1E100] =	vst v63  }
0x51: {  	_ = 	snop  }
0x52: {  	[tilespmem:s26], [sflag:$0x5] =	stream.indirect_vreg.gather [hbm4b:s3+s4], $0x80, v3, vm0, $0xb8;
	[tilespmem:$0x1E100] =	vst v63  }
0x53: {  	v3 =	vld [tilespmem:$0x1E040];
	_ =	sdelay $0x4  }
0x54: {  	v60 =	vshll.u32 v3, $0x1  }
0x55: {  	v3 =	vand.u32 $0x7, v3;
	v4 =	vand.u32 $0xFFFFFFF0, v60  }
0x56: {  	v3 =	vor.u32 v3, v4  }
0x57: {  	v4 =	vperm.xlane v3, v0;
	_ =	sdelay $0x1  }
0x58: {  	v3 =	vperm.xlane v3, v2;
	v4 =	vadd.s32 v1, v4;
	_ =	sdelay $0x1  }
0x59: {  	v3 =	vadd.s32 v1, v3;
	_ =	sdelay $0x2  }
0x5a: {  	[tilespmem:s28], [sflag:$0x5] =	stream.indirect_vreg.gather [hbm4b:s3+s4], $0x80, v4, vm0, $0xb8;
	[tilespmem:$0x1E100] =	vst v63  }
0x5b: {  	_ = 	snop  }
0x5c: {  	[tilespmem:s29], [sflag:$0x5] =	stream.indirect_vreg.gather [hbm4b:s3+s4], $0x80, v3, vm0, $0xb8;
	[tilespmem:$0x1E100] =	vst v63  }
0x5d: {  	v3 =	vld [tilespmem:$0x1E050];
	_ =	sdelay $0x4  }
0x5e: {  	v61 =	vshll.u32 v3, $0x1  }
0x5f: {  	v3 =	vand.u32 $0x7, v3;
	v4 =	vand.u32 $0xFFFFFFF0, v61  }
0x60: {  	v3 =	vor.u32 v3, v4  }
0x61: {  	v4 =	vperm.xlane v3, v0;
	_ =	sdelay $0x1  }
0x62: {  	v3 =	vperm.xlane v3, v2;
	v4 =	vadd.s32 v1, v4;
	_ =	sdelay $0x1  }
0x63: {  	v3 =	vadd.s32 v1, v3;
	_ =	sdelay $0x2  }
0x64: {  	[tilespmem:s30], [sflag:$0x5] =	stream.indirect_vreg.gather [hbm4b:s3+s4], $0x80, v4, vm0, $0xb8;
	[tilespmem:$0x1E100] =	vst v63  }
0x65: {  	_ = 	snop  }
0x66: {  	[tilespmem:s31], [sflag:$0x5] =	stream.indirect_vreg.gather [hbm4b:s3+s4], $0x80, v3, vm0, $0xb8;
	[tilespmem:$0x1E100] =	vst v63  }
0x67: {  	v3 =	vld [tilespmem:$0x1E060];
	_ =	sdelay $0x4  }
0x68: {  	v62 =	vshll.u32 v3, $0x1  }
0x69: {  	v3 =	vand.u32 $0x7, v3;
	v4 =	vand.u32 $0xFFFFFFF0, v62  }
0x6a: {  	v3 =	vor.u32 v3, v4  }
0x6b: {  	v4 =	vperm.xlane v3, v0;
	_ =	sdelay $0x1  }
0x6c: {  	v3 =	vperm.xlane v3, v2;
	v4 =	vadd.s32 v1, v4;
	_ =	sdelay $0x1  }
0x6d: {  	v3 =	vadd.s32 v1, v3;
	_ =	sdelay $0x2  }
0x6e: {  	[tilespmem:s0], [sflag:$0x5] =	stream.indirect_vreg.gather [hbm4b:s3+s4], $0x80, v4, vm0, $0xb8;
	[tilespmem:$0x1E100] =	vst v63  }
0x6f: {  	_ = 	snop  }
0x70: {  	[tilespmem:s1], [sflag:$0x5] =	stream.indirect_vreg.gather [hbm4b:s3+s4], $0x80, v3, vm0, $0xb8;
	[tilespmem:$0x1E100] =	vst v63  }
0x71: {  	v3 =	vld.msk [tilespmem:$0x1E070], $0xff;
	_ =	sdelay $0x4  }
0x72: {  	v63 =	vshll.u32 v3, $0x1  }
0x73: {  	v3 =	vand.u32 $0x7, v3;
	v4 =	vand.u32 $0xFFFFFFF0, v63  }
0x74: {  	v3 =	vor.u32 v3, v4  }
0x75: {  	v3 =	vperm.xlane v3, v0;
	_ =	sdelay $0x1  }
0x76: {  	v3 =	vadd.s32 v1, v3  }
.Ltmp2:
0x77: {  	_ = 	snop;
	(pc) =	sbr.rel .LBB2_2-.Ltmp2, $3  }
0x78: {  	_ =	sdelay $0x1  }
0x79: {  	s14 =	simm.s32 $0x0  }
0x7a: {  	[tilespmem:s15], [sflag:$0x5] =	stream.indirect_vreg.gather [hbm4b:s3+s4], $0x80, v3, vm0, $0xb8;
	[tilespmem:$0x1E100] =	vst v63  }
.LBB2_12:
0x7b: {  	s14 =	sadd.s32 $0x1, s14  }
0x7c: {  	p0 =	sne.s32 s14, $0xE  }
.Ltmp3:
0x7d: {  	_ = 	snop;
	(pc) =	sbr.rel @!p0 .LBB2_13-.Ltmp3, $1  }
0x7e: {  	_ =	sdelay $0x3  }
.LBB2_2:
0x7f: {  	s8 =	sshll.u32 s14, $0x6  }
0x80: {  	s19 =	sor.u32 s5, s8  }
0x81: {  	p0 =	sgt.u32 s19, $0x341  }
.Ltmp4:
0x82: {  	_ = 	snop;
	(pc) =	sbr.rel @p0 .LBB2_6-.Ltmp4, $1  }
0x83: {  	_ =	sdelay $0x3  }
0x84: {  	_ =	swait.ge [sflag:s16], $0x7800  }
0x85: {  	[sflag:s16] =	ssyncset.done $0x0  }
0x86: {  	[sflag:s16] =	ssyncadd.s32 $0xFFFF8800  }
0x87: {  	_ =	swait.ge [sflag:s17], $0x7800  }
0x88: {  	p0 =	seq.s32 s14, $0x0;
	[sflag:s17] =	ssyncset.done $0x0  }
0x89: {  	s20 =	simm.s32 @!p0 $0x6;
	[sflag:s17] =	ssyncadd.s32 $0xFFFF8800  }
0x8a: {  	s21 =	simm.s32 $0x0;
	_ =	swait.ge @!p0 [sflag:s20], $0x7800  }
0x8b: {  	s22 =	sand.u32 $0x7800, s21;
	s21 =	sand.u32 $0x380, s21;
	[sflag:s20] =	ssyncset.done @!p0 $0x0  }
0x8c: {  	[sflag:s20] =	ssyncadd.s32 @!p0 $0xFFFF8800;
	s20 =	sor.u32 s21, s22  }
0x8d: {  	v3 =	vld [tilespmem:s20+$0x10]  }
0x8e: {  	v4 =	vld [tilespmem:s20+$0xF010]  }
0x8f: {  	v5 =	vld [tilespmem:s20+$0x0]  }
0x90: {  	v6 =	vld [tilespmem:s20+$0xF460]  }
0x91: {  	v7 =	vld [tilespmem:s20+$0xF000]  }
0x92: {  	v8 =	vld [tilespmem:s20+$0xF450]  }
0x93: {  	v9 =	vld [tilespmem:s20+$0xF020]  }
0x94: {  	v10 =	vld [tilespmem:s20+$0xF030]  }
0x95: {  	v3 =	vmul.f32 v4, v3;
	v4 =	vld [tilespmem:s20+$0x20]  }
0x96: {  	v11 =	vld [tilespmem:s20+$0xF410]  }
0x97: {  	v5 =	vmul.f32 v7, v5;
	v3 =	vadd.f32 v6, v3;
	v6 =	vld [tilespmem:s20+$0x30]  }
0x98: {  	v7 =	vld [tilespmem:s20+$0xF040]  }
0x99: {  	v5 =	vadd.f32 v8, v5;
	[tilespmem:s20+$0x16810] =	vst v3;
	v3 =	vld [tilespmem:s20+$0x40]  }
0x9a: {  	v8 =	vld [tilespmem:s20+$0x50];
	v4 =	vmul.f32 v9, v4  }
0x9b: {  	[tilespmem:s20+$0x16800] =	vst v5;
	v5 =	vld [tilespmem:s20+$0xF050]  }
0x9c: {  	v9 =	vld [tilespmem:s20+$0xF060];
	[tilespmem:s20+$0x16820] =	vst v4;
	v4 =	vmul.f32 v10, v6  }
0x9d: {  	v6 =	vld [tilespmem:s20+$0x60]  }
0x9e: {  	[tilespmem:s20+$0x16830] =	vst v4;
	v3 =	vmul.f32 v7, v3;
	v4 =	vld [tilespmem:s20+$0x70]  }
0x9f: {  	v7 =	vld [tilespmem:s20+$0xF070]  }
0xa0: {  	v10 =	vld [tilespmem:s20+$0xF400];
	[tilespmem:s20+$0x16840] =	vst v3;
	v3 =	vmul.f32 v5, v8  }
0xa1: {  	v8 =	vld [tilespmem:s20+$0x400]  }
0xa2: {  	[tilespmem:s20+$0x16850] =	vst v3;
	v3 =	vmul.f32 v9, v6;
	v9 =	vld [tilespmem:s20+$0x410]  }
0xa3: {  	v5 =	vld [tilespmem:s20+$0xF420]  }
0xa4: {  	v4 =	vmul.f32 v7, v4;
	[tilespmem:s20+$0x16860] =	vst v3;
	v3 =	vld [tilespmem:s20+$0x420]  }
0xa5: {  	v6 =	vld [tilespmem:s20+$0xF430]  }
0xa6: {  	s24 =	simm.s32 $0x100;
	s21 =	simm.s32 $0x80;
	[tilespmem:s20+$0x16870] =	vst v4;
	v7 =	vmul.f32 v10, v8;
	v4 =	vld [tilespmem:s20+$0x430]  }
0xa7: {  	s22 =	sand.u32 $0x7800, s24;
	s23 =	sand.u32 $0x380, s21;
	v8 =	vld [tilespmem:s20+$0xF440];
	v9 =	vmul.f32 v11, v9  }
0xa8: {  	s22 =	sor.u32 s23, s22;
	s23 =	simm.s32 $0x200;
	[tilespmem:s20+$0x16C00] =	vst v7;
	v7 =	vld [tilespmem:s20+$0x440]  }
.LBB2_4:
0xa9: {  	p0 =	sne.s32 s23, $0x7700;
	v10 =	vld [tilespmem:s22+$0x10];
	[tilespmem:s20+$0x16C10] =	vst v9;
	v3 =	vmul.f32 v5, v3  }
0xaa: {  	v5 =	vld [tilespmem:s22+$0xF010]  }
0xab: {  	v9 =	vld [tilespmem:s22+$0x0];
	[tilespmem:s20+$0x16C20] =	vst v3;
	v3 =	vmul.f32 v6, v4  }
0xac: {  	v4 =	vld [tilespmem:s22+$0xF460]  }
0xad: {  	v6 =	vld [tilespmem:s22+$0xF000];
	[tilespmem:s20+$0x16C30] =	vst v3;
	v3 =	vmul.f32 v8, v7  }
0xae: {  	v7 =	vld [tilespmem:s22+$0xF450]  }
0xaf: {  	v5 =	vmul.f32 v5, v10;
	v8 =	vld [tilespmem:s22+$0x20];
	[tilespmem:s20+$0x16C40] =	vst v3;
	s20 =	smov.u32 s22  }
0xb0: {  	v3 =	vld [tilespmem:s20+$0xF020]  }
0xb1: {  	v4 =	vadd.f32 v4, v5;
	v5 =	vld [tilespmem:s20+$0x30]  }
0xb2: {  	v6 =	vmul.f32 v6, v9;
	v9 =	vld [tilespmem:s20+$0xF030]  }
0xb3: {  	[tilespmem:s20+$0x16810] =	vst v4;
	v4 =	vld [tilespmem:s20+$0x40]  }
0xb4: {  	v6 =	vadd.f32 v7, v6;
	v7 =	vld [tilespmem:s20+$0xF040]  }
0xb5: {  	v3 =	vmul.f32 v3, v8;
	v8 =	vld [tilespmem:s20+$0x50]  }
0xb6: {  	[tilespmem:s20+$0x16800] =	vst v6;
	v6 =	vld [tilespmem:s20+$0xF050]  }
0xb7: {  	[tilespmem:s20+$0x16820] =	vst v3;
	v3 =	vmul.f32 v9, v5;
	v5 =	vld [tilespmem:s20+$0x60]  }
0xb8: {  	v9 =	vld [tilespmem:s20+$0xF060]  }
0xb9: {  	[tilespmem:s20+$0x16830] =	vst v3;
	v3 =	vmul.f32 v7, v4;
	v4 =	vld [tilespmem:s20+$0x70]  }
0xba: {  	v7 =	vld [tilespmem:s20+$0xF070]  }
0xbb: {  	[tilespmem:s20+$0x16840] =	vst v3;
	v3 =	vmul.f32 v6, v8;
	v6 =	vld [tilespmem:s20+$0x400]  }
0xbc: {  	v8 =	vld [tilespmem:s20+$0xF400]  }
0xbd: {  	[tilespmem:s20+$0x16850] =	vst v3;
	v3 =	vmul.f32 v9, v5;
	v9 =	vld [tilespmem:s20+$0x410]  }
0xbe: {  	v10 =	vld [tilespmem:s20+$0xF410]  }
0xbf: {  	[tilespmem:s20+$0x16860] =	vst v3;
	v4 =	vmul.f32 v7, v4;
	v3 =	vld [tilespmem:s20+$0x420]  }
.Ltmp5:
0xc0: {  	v5 =	vld [tilespmem:s20+$0xF420];
	(pc) =	sbr.rel @p0 .LBB2_4-.Ltmp5, $4  }
0xc1: {  	[tilespmem:s20+$0x16870] =	vst v4;
	v7 =	vmul.f32 v8, v6;
	v4 =	vld [tilespmem:s20+$0x430]  }
0xc2: {  	s21 =	sadd.s32 $0x80, s21;
	v6 =	vld [tilespmem:s20+$0xF430]  }
0xc3: {  	s24 =	sand.u32 $0x380, s21;
	s22 =	sand.u32 $0x7800, s23;
	[tilespmem:s20+$0x16C00] =	vst v7;
	v9 =	vmul.f32 v10, v9;
	v7 =	vld [tilespmem:s20+$0x440]  }
0xc4: {  	s23 =	sadd.s32 $0x100, s23;
	s22 =	sor.u32 s24, s22;
	v8 =	vld [tilespmem:s20+$0xF440]  }
0xc5: {  	v10 =	vld [tilespmem:s22+$0x10];
	[tilespmem:s20+$0x16C10] =	vst v9;
	v3 =	vmul.f32 v5, v3  }
0xc6: {  	v39 =	vld [tilespmem:s22+$0xF010]  }
0xc7: {  	v9 =	vld [tilespmem:s22+$0x0];
	[tilespmem:s20+$0x16C20] =	vst v3;
	v3 =	vmul.f32 v6, v4  }
0xc8: {  	v40 =	vld [tilespmem:s22+$0xF460]  }
0xc9: {  	v41 =	vld [tilespmem:s22+$0xF000];
	[tilespmem:s20+$0x16C30] =	vst v3;
	v3 =	vmul.f32 v8, v7  }
0xca: {  	v42 =	vld [tilespmem:s22+$0xF450]  }
0xcb: {  	v43 =	vld [tilespmem:s22+$0x20];
	[tilespmem:s20+$0x16C40] =	vst v3  }
0xcc: {  	v3 =	vld [tilespmem:s22+$0xF020]  }
0xcd: {  	v44 =	vld [tilespmem:s22+$0x30]  }
0xce: {  	v45 =	vld [tilespmem:s22+$0xF030]  }
0xcf: {  	v46 =	vld [tilespmem:s22+$0x40]  }
0xd0: {  	v47 =	vld [tilespmem:s22+$0xF040]  }
0xd1: {  	v48 =	vld [tilespmem:s22+$0x50]  }
0xd2: {  	v49 =	vld [tilespmem:s22+$0xF050];
	v3 =	vmul.f32 v3, v43  }
0xd3: {  	v50 =	vld [tilespmem:s22+$0x60]  }
0xd4: {  	v51 =	vld [tilespmem:s22+$0xF060];
	[tilespmem:s22+$0x16820] =	vst v3;
	v3 =	vmul.f32 v45, v44  }
0xd5: {  	v52 =	vld [tilespmem:s22+$0x70]  }
0xd6: {  	v53 =	vld [tilespmem:s22+$0xF070];
	[tilespmem:s22+$0x16830] =	vst v3;
	v3 =	vmul.f32 v47, v46  }
0xd7: {  	v54 =	vld [tilespmem:s22+$0x400]  }
0xd8: {  	v55 =	vld [tilespmem:s22+$0xF400];
	[tilespmem:s22+$0x16840] =	vst v3;
	v3 =	vmul.f32 v49, v48  }
0xd9: {  	v56 =	vld [tilespmem:s22+$0x410]  }
0xda: {  	v57 =	vld [tilespmem:s22+$0xF410];
	[tilespmem:s22+$0x16850] =	vst v3;
	v3 =	vmul.f32 v51, v50  }
0xdb: {  	v58 =	vld [tilespmem:s22+$0x420]  }
0xdc: {  	v59 =	vld [tilespmem:s22+$0xF420];
	[tilespmem:s22+$0x16860] =	vst v3;
	v3 =	vmul.f32 v53, v52  }
0xdd: {  	v60 =	vld [tilespmem:s22+$0x430]  }
0xde: {  	v5 =	vmul.f32 v39, v10;
	v61 =	vld [tilespmem:s22+$0xF430];
	[tilespmem:s22+$0x16870] =	vst v3;
	v3 =	vmul.f32 v55, v54  }
0xdf: {  	v62 =	vld [tilespmem:s22+$0xF440];
	v6 =	vmul.f32 v41, v9  }
0xe0: {  	v4 =	vadd.f32 v40, v5;
	[tilespmem:s22+$0x16C00] =	vst v3;
	v3 =	vld [tilespmem:s22+$0x440]  }
0xe1: {  	v6 =	vadd.f32 v42, v6  }
0xe2: {  	[tilespmem:s22+$0x16810] =	vst v4;
	v5 =	vmul.f32 v57, v56  }
0xe3: {  	[tilespmem:s22+$0x16800] =	vst v6;
	v4 =	vmul.f32 v59, v58  }
0xe4: {  	s20 =	smul.u32 $0xF00, s19;
	v63 =	vmul.f32 v61, v60;
	[tilespmem:s22+$0x16C10] =	vst v5  }
0xe5: {  	p0 =	seq.s32 s19, $0x341;
	[tilespmem:s22+$0x16C20] =	vst v4;
	v3 =	vmul.f32 v62, v3  }
0xe6: {  	s20 =	simm.s32 @p0 $0x30C500;
	[tilespmem:s22+$0x16C30] =	vst v63  }
0xe7: {  	s21 =	simm.s32 $0x16800;
	s20 =	sadd.s32 s7, s20;
	[tilespmem:s22+$0x16C40] =	vst v3  }
0xe8: {  	[hbm4b:s20+s4] =	stream.linear.scatter [tilespmem:s21], [sflag:$0x6], $0x7800, $0x38;
	[tilespmem:$0x1E100] =	vst v63  }
.LBB2_6:
0xe9: {  	s20 =	sadd.s32 s12, s8  }
0xea: {  	p0 =	sgt.u32 s20, $0x341  }
0xeb: {  	p1 =	seq.s32 @!p0 s20, $0x341;
	s20 =	smul.u32 @!p0 $0x78, s20  }
0xec: {  	s19 =	sor.u32 $0x20, s19;
	p1 =	por !p1, p0  }
0xed: {  	s20 =	simm.s32 @!p1 $0x18628;
	p1 =	sgt.u32 s19, $0x341  }
.Ltmp6:
0xee: {  	s21 =	sshll.u32 @!p0 s20, $0x5;
	(pc) =	sbr.rel @p1 .LBB2_10-.Ltmp6, $4  }
0xef: {  	s22 =	simm.s32 @!p0 $0x0;
	s20 =	sshrl.u32 @!p0 s20, $0x3;
	s21 =	sadd.s32 @!p0 s6, s21  }
0xf0: {  	[tilespmem:s22], [sflag:$0x1] =	stream.linear.gather @!p0 [hbm4b:s21+s22], $0x7800, $0x38;
	[tilespmem:$0x1E100] =	vst v63  }
0xf1: {  	s20 =	sadd.s32 @!p0 s2, s20;
	s21 =	simm.s32 @!p0 $0x1E000  }
0xf2: {  	[tilespmem:s21], [sflag:$0x3] =	stream.linear.gather @!p0 [hbm4b:s20+s22], $0x78, $0x38;
	[tilespmem:$0x1E100] =	vst v63  }
0xf3: {  	_ =	swait.ge [sflag:s9], $0x78  }
0xf4: {  	[sflag:s9] =	ssyncset.done $0x0  }
0xf5: {  	[sflag:s9] =	ssyncadd.s32 $0xFFFFFF88  }
0xf6: {  	v3 =	vld [tilespmem:$0x1E080];
	_ =	sdelay $0x4  }
0xf7: {  	v4 =	vshll.u32 v3, $0x1  }
0xf8: {  	v3 =	vand.u32 $0x7, v3;
	v4 =	vand.u32 $0xFFFFFFF0, v4  }
0xf9: {  	v3 =	vor.u32 v3, v4  }
0xfa: {  	v4 =	vperm.xlane v3, v0;
	_ =	sdelay $0x1  }
0xfb: {  	v3 =	vperm.xlane v3, v2;
	v4 =	vadd.s32 v1, v4;
	_ =	sdelay $0x1  }
0xfc: {  	v3 =	vadd.s32 v1, v3;
	_ =	sdelay $0x1  }
0xfd: {  	s20 =	simm.s32 $0x0;
	s21 =	simm.s32 $0xF000  }
0xfe: {  	[tilespmem:s21], [sflag:$0x5] =	stream.indirect_vreg.gather [hbm4b:s3+s20], $0x80, v4, vm0, $0xb8;
	[tilespmem:$0x1E100] =	vst v63  }
0xff: {  	s22 =	simm.s32 $0xF800  }
0x100: {  	[tilespmem:s22], [sflag:$0x5] =	stream.indirect_vreg.gather [hbm4b:s3+s20], $0x80, v3, vm0, $0xb8;
	[tilespmem:$0x1E100] =	vst v63  }
0x101: {  	v3 =	vld [tilespmem:$0x1E090];
	_ =	sdelay $0x4  }
0x102: {  	v4 =	vshll.u32 v3, $0x1  }
0x103: {  	v3 =	vand.u32 $0x7, v3;
	v4 =	vand.u32 $0xFFFFFFF0, v4  }
0x104: {  	v3 =	vor.u32 v3, v4  }
0x105: {  	v4 =	vperm.xlane v3, v0;
	_ =	sdelay $0x1  }
0x106: {  	v3 =	vperm.xlane v3, v2;
	v4 =	vadd.s32 v1, v4;
	_ =	sdelay $0x1  }
0x107: {  	v3 =	vadd.s32 v1, v3;
	_ =	sdelay $0x1  }
0x108: {  	s23 =	simm.s32 $0x10000  }
0x109: {  	[tilespmem:s23], [sflag:$0x5] =	stream.indirect_vreg.gather [hbm4b:s3+s20], $0x80, v4, vm0, $0xb8;
	[tilespmem:$0x1E100] =	vst v63  }
0x10a: {  	s24 =	simm.s32 $0x10800  }
0x10b: {  	[tilespmem:s24], [sflag:$0x5] =	stream.indirect_vreg.gather [hbm4b:s3+s20], $0x80, v3, vm0, $0xb8;
	[tilespmem:$0x1E100] =	vst v63  }
0x10c: {  	v3 =	vld [tilespmem:$0x1E0A0];
	_ =	sdelay $0x4  }
0x10d: {  	v4 =	vshll.u32 v3, $0x1  }
0x10e: {  	v3 =	vand.u32 $0x7, v3;
	v4 =	vand.u32 $0xFFFFFFF0, v4  }
0x10f: {  	v3 =	vor.u32 v3, v4  }
0x110: {  	v4 =	vperm.xlane v3, v0;
	_ =	sdelay $0x1  }
0x111: {  	v3 =	vperm.xlane v3, v2;
	v4 =	vadd.s32 v1, v4;
	_ =	sdelay $0x1  }
0x112: {  	v3 =	vadd.s32 v1, v3;
	_ =	sdelay $0x1  }
0x113: {  	s22 =	simm.s32 $0x11000  }
0x114: {  	[tilespmem:s22], [sflag:$0x5] =	stream.indirect_vreg.gather [hbm4b:s3+s20], $0x80, v4, vm0, $0xb8;
	[tilespmem:$0x1E100] =	vst v63  }
0x115: {  	s23 =	simm.s32 $0x11800  }
0x116: {  	[tilespmem:s23], [sflag:$0x5] =	stream.indirect_vreg.gather [hbm4b:s3+s20], $0x80, v3, vm0, $0xb8;
	[tilespmem:$0x1E100] =	vst v63  }
0x117: {  	v3 =	vld [tilespmem:$0x1E0B0];
	_ =	sdelay $0x4  }
0x118: {  	v4 =	vshll.u32 v3, $0x1  }
0x119: {  	v3 =	vand.u32 $0x7, v3;
	v4 =	vand.u32 $0xFFFFFFF0, v4  }
0x11a: {  	v3 =	vor.u32 v3, v4  }
0x11b: {  	v4 =	vperm.xlane v3, v0;
	_ =	sdelay $0x1  }
0x11c: {  	v3 =	vperm.xlane v3, v2;
	v4 =	vadd.s32 v1, v4;
	_ =	sdelay $0x1  }
0x11d: {  	v3 =	vadd.s32 v1, v3;
	_ =	sdelay $0x2  }
0x11e: {  	[tilespmem:s25], [sflag:$0x5] =	stream.indirect_vreg.gather [hbm4b:s3+s20], $0x80, v4, vm0, $0xb8;
	[tilespmem:$0x1E100] =	vst v63  }
0x11f: {  	_ = 	snop  }
0x120: {  	[tilespmem:s26], [sflag:$0x5] =	stream.indirect_vreg.gather [hbm4b:s3+s20], $0x80, v3, vm0, $0xb8;
	[tilespmem:$0x1E100] =	vst v63  }
0x121: {  	v3 =	vld [tilespmem:$0x1E0C0];
	_ =	sdelay $0x4  }
0x122: {  	v4 =	vshll.u32 v3, $0x1  }
0x123: {  	v3 =	vand.u32 $0x7, v3;
	v4 =	vand.u32 $0xFFFFFFF0, v4  }
0x124: {  	v3 =	vor.u32 v3, v4  }
0x125: {  	v4 =	vperm.xlane v3, v0;
	_ =	sdelay $0x1  }
0x126: {  	v3 =	vperm.xlane v3, v2;
	v4 =	vadd.s32 v1, v4;
	_ =	sdelay $0x1  }
0x127: {  	v3 =	vadd.s32 v1, v3;
	_ =	sdelay $0x2  }
0x128: {  	[tilespmem:s28], [sflag:$0x5] =	stream.indirect_vreg.gather [hbm4b:s3+s20], $0x80, v4, vm0, $0xb8;
	[tilespmem:$0x1E100] =	vst v63  }
0x129: {  	_ = 	snop  }
0x12a: {  	[tilespmem:s29], [sflag:$0x5] =	stream.indirect_vreg.gather [hbm4b:s3+s20], $0x80, v3, vm0, $0xb8;
	[tilespmem:$0x1E100] =	vst v63  }
0x12b: {  	v3 =	vld [tilespmem:$0x1E0D0];
	_ =	sdelay $0x4  }
0x12c: {  	v4 =	vshll.u32 v3, $0x1  }
0x12d: {  	v3 =	vand.u32 $0x7, v3;
	v4 =	vand.u32 $0xFFFFFFF0, v4  }
0x12e: {  	v3 =	vor.u32 v3, v4  }
0x12f: {  	v4 =	vperm.xlane v3, v0;
	_ =	sdelay $0x1  }
0x130: {  	v3 =	vperm.xlane v3, v2;
	v4 =	vadd.s32 v1, v4;
	_ =	sdelay $0x1  }
0x131: {  	v3 =	vadd.s32 v1, v3;
	_ =	sdelay $0x2  }
0x132: {  	[tilespmem:s30], [sflag:$0x5] =	stream.indirect_vreg.gather [hbm4b:s3+s20], $0x80, v4, vm0, $0xb8;
	[tilespmem:$0x1E100] =	vst v63  }
0x133: {  	_ = 	snop  }
0x134: {  	[tilespmem:s31], [sflag:$0x5] =	stream.indirect_vreg.gather [hbm4b:s3+s20], $0x80, v3, vm0, $0xb8;
	[tilespmem:$0x1E100] =	vst v63  }
0x135: {  	v3 =	vld [tilespmem:$0x1E0E0];
	_ =	sdelay $0x4  }
0x136: {  	v4 =	vshll.u32 v3, $0x1  }
0x137: {  	v3 =	vand.u32 $0x7, v3;
	v4 =	vand.u32 $0xFFFFFFF0, v4  }
0x138: {  	v3 =	vor.u32 v3, v4  }
0x139: {  	v4 =	vperm.xlane v3, v0;
	_ =	sdelay $0x1  }
0x13a: {  	v3 =	vperm.xlane v3, v2;
	v4 =	vadd.s32 v1, v4;
	_ =	sdelay $0x1  }
0x13b: {  	v3 =	vadd.s32 v1, v3;
	_ =	sdelay $0x2  }
0x13c: {  	[tilespmem:s0], [sflag:$0x5] =	stream.indirect_vreg.gather [hbm4b:s3+s20], $0x80, v4, vm0, $0xb8;
	[tilespmem:$0x1E100] =	vst v63  }
0x13d: {  	_ = 	snop  }
0x13e: {  	[tilespmem:s1], [sflag:$0x5] =	stream.indirect_vreg.gather [hbm4b:s3+s20], $0x80, v3, vm0, $0xb8;
	[tilespmem:$0x1E100] =	vst v63  }
0x13f: {  	v3 =	vld.msk [tilespmem:$0x1E0F0], $0xff;
	_ =	sdelay $0x4  }
0x140: {  	v4 =	vshll.u32 v3, $0x1  }
0x141: {  	v3 =	vand.u32 $0x7, v3;
	v4 =	vand.u32 $0xFFFFFFF0, v4  }
0x142: {  	v3 =	vor.u32 v3, v4  }
0x143: {  	v3 =	vperm.xlane v3, v0;
	_ =	sdelay $0x1  }
0x144: {  	v3 =	vadd.s32 v1, v3;
	_ =	sdelay $0x4  }
0x145: {  	[tilespmem:s15], [sflag:$0x5] =	stream.indirect_vreg.gather [hbm4b:s3+s20], $0x80, v3, vm0, $0xb8;
	[tilespmem:$0x1E100] =	vst v63  }
0x146: {  	_ =	swait.ge [sflag:s10], $0x7800  }
0x147: {  	[sflag:s10] =	ssyncset.done $0x0  }
0x148: {  	[sflag:s10] =	ssyncadd.s32 $0xFFFF8800  }
0x149: {  	_ =	swait.ge [sflag:s17], $0x7800  }
0x14a: {  	[sflag:s17] =	ssyncset.done $0x0  }
0x14b: {  	[sflag:s17] =	ssyncadd.s32 $0xFFFF8800  }
0x14c: {  	_ =	swait.ge [sflag:s11], $0x7800  }
0x14d: {  	s24 =	sand.u32 $0x7800, s20;
	s20 =	sand.u32 $0x380, s20;
	[sflag:s11] =	ssyncset.done $0x0  }
0x14e: {  	s20 =	sor.u32 s20, s24;
	[sflag:s11] =	ssyncadd.s32 $0xFFFF8800  }
0x14f: {  	v3 =	vld [tilespmem:s20+$0x7810]  }
0x150: {  	v4 =	vld [tilespmem:s20+$0xF010]  }
0x151: {  	v5 =	vld [tilespmem:s20+$0x7800]  }
0x152: {  	v6 =	vld [tilespmem:s20+$0xF460]  }
0x153: {  	v7 =	vld [tilespmem:s20+$0xF000]  }
0x154: {  	v8 =	vld [tilespmem:s20+$0xF450]  }
0x155: {  	v9 =	vld [tilespmem:s20+$0xF020]  }
0x156: {  	v10 =	vld [tilespmem:s20+$0xF030]  }
0x157: {  	v3 =	vmul.f32 v4, v3;
	v4 =	vld [tilespmem:s20+$0x7820]  }
0x158: {  	v11 =	vld [tilespmem:s20+$0xF410]  }
0x159: {  	v5 =	vmul.f32 v7, v5;
	v3 =	vadd.f32 v6, v3;
	v6 =	vld [tilespmem:s20+$0x7830]  }
0x15a: {  	v7 =	vld [tilespmem:s20+$0xF040]  }
0x15b: {  	v5 =	vadd.f32 v8, v5;
	[tilespmem:s20+$0x16810] =	vst v3;
	v3 =	vld [tilespmem:s20+$0x7840]  }
0x15c: {  	v8 =	vld [tilespmem:s20+$0x7850];
	v4 =	vmul.f32 v9, v4  }
0x15d: {  	[tilespmem:s20+$0x16800] =	vst v5;
	v5 =	vld [tilespmem:s20+$0xF050]  }
0x15e: {  	v9 =	vld [tilespmem:s20+$0xF060];
	[tilespmem:s20+$0x16820] =	vst v4;
	v4 =	vmul.f32 v10, v6  }
0x15f: {  	v6 =	vld [tilespmem:s20+$0x7860]  }
0x160: {  	[tilespmem:s20+$0x16830] =	vst v4;
	v3 =	vmul.f32 v7, v3;
	v4 =	vld [tilespmem:s20+$0x7870]  }
0x161: {  	v7 =	vld [tilespmem:s20+$0xF070]  }
0x162: {  	v10 =	vld [tilespmem:s20+$0xF400];
	[tilespmem:s20+$0x16840] =	vst v3;
	v3 =	vmul.f32 v5, v8  }
0x163: {  	v8 =	vld [tilespmem:s20+$0x7C00]  }
0x164: {  	[tilespmem:s20+$0x16850] =	vst v3;
	v3 =	vmul.f32 v9, v6;
	v9 =	vld [tilespmem:s20+$0x7C10]  }
0x165: {  	v5 =	vld [tilespmem:s20+$0xF420]  }
0x166: {  	v4 =	vmul.f32 v7, v4;
	[tilespmem:s20+$0x16860] =	vst v3;
	v3 =	vld [tilespmem:s20+$0x7C20]  }
0x167: {  	v6 =	vld [tilespmem:s20+$0xF430]  }
0x168: {  	s21 =	simm.s32 $0x80;
	s22 =	simm.s32 $0x100;
	[tilespmem:s20+$0x16870] =	vst v4;
	v7 =	vmul.f32 v10, v8;
	v4 =	vld [tilespmem:s20+$0x7C30]  }
0x169: {  	s22 =	sand.u32 $0x7800, s22;
	s23 =	sand.u32 $0x380, s21;
	v8 =	vld [tilespmem:s20+$0xF440];
	v9 =	vmul.f32 v11, v9  }
0x16a: {  	s22 =	sor.u32 s23, s22;
	s23 =	simm.s32 $0x200;
	[tilespmem:s20+$0x16C00] =	vst v7;
	v7 =	vld [tilespmem:s20+$0x7C40]  }
.LBB2_8:
0x16b: {  	p1 =	sne.s32 s23, $0x7700;
	v10 =	vld [tilespmem:s22+$0x7810];
	[tilespmem:s20+$0x16C10] =	vst v9;
	v3 =	vmul.f32 v5, v3  }
0x16c: {  	v5 =	vld [tilespmem:s22+$0xF010]  }
0x16d: {  	v9 =	vld [tilespmem:s22+$0x7800];
	[tilespmem:s20+$0x16C20] =	vst v3;
	v3 =	vmul.f32 v6, v4  }
0x16e: {  	v4 =	vld [tilespmem:s22+$0xF460]  }
0x16f: {  	v6 =	vld [tilespmem:s22+$0xF000];
	[tilespmem:s20+$0x16C30] =	vst v3;
	v3 =	vmul.f32 v8, v7  }
0x170: {  	v7 =	vld [tilespmem:s22+$0xF450]  }
0x171: {  	v5 =	vmul.f32 v5, v10;
	v8 =	vld [tilespmem:s22+$0x7820];
	[tilespmem:s20+$0x16C40] =	vst v3;
	s20 =	smov.u32 s22  }
0x172: {  	v3 =	vld [tilespmem:s20+$0xF020]  }
0x173: {  	v4 =	vadd.f32 v4, v5;
	v5 =	vld [tilespmem:s20+$0x7830]  }
0x174: {  	v6 =	vmul.f32 v6, v9;
	v9 =	vld [tilespmem:s20+$0xF030]  }
0x175: {  	[tilespmem:s20+$0x16810] =	vst v4;
	v4 =	vld [tilespmem:s20+$0x7840]  }
0x176: {  	v6 =	vadd.f32 v7, v6;
	v7 =	vld [tilespmem:s20+$0xF040]  }
0x177: {  	v3 =	vmul.f32 v3, v8;
	v8 =	vld [tilespmem:s20+$0x7850]  }
0x178: {  	[tilespmem:s20+$0x16800] =	vst v6;
	v6 =	vld [tilespmem:s20+$0xF050]  }
0x179: {  	[tilespmem:s20+$0x16820] =	vst v3;
	v3 =	vmul.f32 v9, v5;
	v5 =	vld [tilespmem:s20+$0x7860]  }
0x17a: {  	v9 =	vld [tilespmem:s20+$0xF060]  }
0x17b: {  	[tilespmem:s20+$0x16830] =	vst v3;
	v3 =	vmul.f32 v7, v4;
	v4 =	vld [tilespmem:s20+$0x7870]  }
0x17c: {  	v7 =	vld [tilespmem:s20+$0xF070]  }
0x17d: {  	[tilespmem:s20+$0x16840] =	vst v3;
	v3 =	vmul.f32 v6, v8;
	v6 =	vld [tilespmem:s20+$0x7C00]  }
0x17e: {  	v8 =	vld [tilespmem:s20+$0xF400]  }
0x17f: {  	[tilespmem:s20+$0x16850] =	vst v3;
	v3 =	vmul.f32 v9, v5;
	v9 =	vld [tilespmem:s20+$0x7C10]  }
0x180: {  	v10 =	vld [tilespmem:s20+$0xF410]  }
0x181: {  	[tilespmem:s20+$0x16860] =	vst v3;
	v4 =	vmul.f32 v7, v4;
	v3 =	vld [tilespmem:s20+$0x7C20]  }
.Ltmp7:
0x182: {  	v5 =	vld [tilespmem:s20+$0xF420];
	(pc) =	sbr.rel @p1 .LBB2_8-.Ltmp7, $4  }
0x183: {  	[tilespmem:s20+$0x16870] =	vst v4;
	v7 =	vmul.f32 v8, v6;
	v4 =	vld [tilespmem:s20+$0x7C30]  }
0x184: {  	s21 =	sadd.s32 $0x80, s21;
	v6 =	vld [tilespmem:s20+$0xF430]  }
0x185: {  	s24 =	sand.u32 $0x380, s21;
	s22 =	sand.u32 $0x7800, s23;
	[tilespmem:s20+$0x16C00] =	vst v7;
	v9 =	vmul.f32 v10, v9;
	v7 =	vld [tilespmem:s20+$0x7C40]  }
0x186: {  	s23 =	sadd.s32 $0x100, s23;
	s22 =	sor.u32 s24, s22;
	v8 =	vld [tilespmem:s20+$0xF440]  }
0x187: {  	v10 =	vld [tilespmem:s22+$0x7810];
	[tilespmem:s20+$0x16C10] =	vst v9;
	v3 =	vmul.f32 v5, v3  }
0x188: {  	v39 =	vld [tilespmem:s22+$0xF010]  }
0x189: {  	v9 =	vld [tilespmem:s22+$0x7800];
	[tilespmem:s20+$0x16C20] =	vst v3;
	v3 =	vmul.f32 v6, v4  }
0x18a: {  	v40 =	vld [tilespmem:s22+$0xF460]  }
0x18b: {  	v41 =	vld [tilespmem:s22+$0xF000];
	[tilespmem:s20+$0x16C30] =	vst v3;
	v3 =	vmul.f32 v8, v7  }
0x18c: {  	v42 =	vld [tilespmem:s22+$0xF450]  }
0x18d: {  	v43 =	vld [tilespmem:s22+$0x7820];
	[tilespmem:s20+$0x16C40] =	vst v3  }
0x18e: {  	v3 =	vld [tilespmem:s22+$0xF020]  }
0x18f: {  	v44 =	vld [tilespmem:s22+$0x7830]  }
0x190: {  	v45 =	vld [tilespmem:s22+$0xF030]  }
0x191: {  	v46 =	vld [tilespmem:s22+$0x7840]  }
0x192: {  	v47 =	vld [tilespmem:s22+$0xF040]  }
0x193: {  	v48 =	vld [tilespmem:s22+$0x7850]  }
0x194: {  	v49 =	vld [tilespmem:s22+$0xF050];
	v3 =	vmul.f32 v3, v43  }
0x195: {  	v50 =	vld [tilespmem:s22+$0x7860]  }
0x196: {  	v51 =	vld [tilespmem:s22+$0xF060];
	[tilespmem:s22+$0x16820] =	vst v3;
	v3 =	vmul.f32 v45, v44  }
0x197: {  	v52 =	vld [tilespmem:s22+$0x7870]  }
0x198: {  	v53 =	vld [tilespmem:s22+$0xF070];
	[tilespmem:s22+$0x16830] =	vst v3;
	v3 =	vmul.f32 v47, v46  }
0x199: {  	v54 =	vld [tilespmem:s22+$0x7C00]  }
0x19a: {  	v55 =	vld [tilespmem:s22+$0xF400];
	[tilespmem:s22+$0x16840] =	vst v3;
	v3 =	vmul.f32 v49, v48  }
0x19b: {  	v56 =	vld [tilespmem:s22+$0x7C10]  }
0x19c: {  	v57 =	vld [tilespmem:s22+$0xF410];
	[tilespmem:s22+$0x16850] =	vst v3;
	v3 =	vmul.f32 v51, v50  }
0x19d: {  	v58 =	vld [tilespmem:s22+$0x7C20]  }
0x19e: {  	v59 =	vld [tilespmem:s22+$0xF420];
	[tilespmem:s22+$0x16860] =	vst v3;
	v3 =	vmul.f32 v53, v52  }
0x19f: {  	v60 =	vld [tilespmem:s22+$0x7C30]  }
0x1a0: {  	v5 =	vmul.f32 v39, v10;
	v61 =	vld [tilespmem:s22+$0xF430];
	[tilespmem:s22+$0x16870] =	vst v3;
	v3 =	vmul.f32 v55, v54  }
0x1a1: {  	v62 =	vld [tilespmem:s22+$0xF440];
	v6 =	vmul.f32 v41, v9  }
0x1a2: {  	v4 =	vadd.f32 v40, v5;
	[tilespmem:s22+$0x16C00] =	vst v3;
	v3 =	vld [tilespmem:s22+$0x7C40]  }
0x1a3: {  	v6 =	vadd.f32 v42, v6  }
0x1a4: {  	[tilespmem:s22+$0x16810] =	vst v4;
	v5 =	vmul.f32 v57, v56  }
0x1a5: {  	[tilespmem:s22+$0x16800] =	vst v6;
	v4 =	vmul.f32 v59, v58  }
0x1a6: {  	v63 =	vmul.f32 v61, v60;
	[tilespmem:s22+$0x16C10] =	vst v5  }
0x1a7: {  	s19 =	smul.u32 $0xF00, s19;
	[tilespmem:s22+$0x16C20] =	vst v4;
	v3 =	vmul.f32 v62, v3  }
0x1a8: {  	[tilespmem:s22+$0x16C30] =	vst v63  }
0x1a9: {  	s24 =	simm.s32 $0x16800;
	s19 =	sadd.s32 s7, s19;
	[tilespmem:s22+$0x16C40] =	vst v3  }
0x1aa: {  	[hbm4b:s19+s4] =	stream.linear.scatter [tilespmem:s24], [sflag:$0x6], $0x7800, $0x38;
	[tilespmem:$0x1E100] =	vst v63  }
.LBB2_10:
0x1ab: {  	s8 =	sadd.s32 s13, s8  }
0x1ac: {  	p1 =	sgt.u32 s8, $0x341  }
0x1ad: {  	s19 =	smul.u32 @!p1 $0xF00, s8  }
.Ltmp8:
0x1ae: {  	s20 =	simm.s32 @!p1 $0x0;
	(pc) =	sbr.rel @p0 .LBB2_12-.Ltmp8, $4  }
0x1af: {  	s21 =	simm.s32 @!p1 $0x7800;
	s8 =	smul.u32 @!p1 $0xF, s8;
	s19 =	sadd.s32 @!p1 s6, s19  }
0x1b0: {  	[tilespmem:s21], [sflag:$0x2] =	stream.linear.gather @!p1 [hbm4b:s19+s20], $0x7800, $0x38;
	[tilespmem:$0x1E100] =	vst v63  }
0x1b1: {  	s8 =	sadd.s32 @!p1 s2, s8;
	s19 =	simm.s32 @!p1 $0x1E080  }
0x1b2: {  	[tilespmem:s19], [sflag:$0x4] =	stream.linear.gather @!p1 [hbm4b:s8+s20], $0x78, $0x38;
	[tilespmem:$0x1E100] =	vst v63  }
0x1b3: {  	_ =	swait.ge [sflag:s18], $0x78  }
0x1b4: {  	[sflag:s18] =	ssyncset.done $0x0  }
0x1b5: {  	[sflag:s18] =	ssyncadd.s32 $0xFFFFFF88  }
0x1b6: {  	v3 =	vld [tilespmem:$0x1E000];
	_ =	sdelay $0x4  }
0x1b7: {  	v4 =	vshll.u32 v3, $0x1  }
0x1b8: {  	v3 =	vand.u32 $0x7, v3;
	v4 =	vand.u32 $0xFFFFFFF0, v4  }
0x1b9: {  	v3 =	vor.u32 v3, v4  }
0x1ba: {  	v4 =	vperm.xlane v3, v0;
	_ =	sdelay $0x1  }
0x1bb: {  	v3 =	vperm.xlane v3, v2;
	v4 =	vadd.s32 v1, v4;
	_ =	sdelay $0x1  }
0x1bc: {  	v3 =	vadd.s32 v1, v3;
	_ =	sdelay $0x1  }
0x1bd: {  	s8 =	simm.s32 $0xF000  }
0x1be: {  	[tilespmem:s8], [sflag:$0x5] =	stream.indirect_vreg.gather [hbm4b:s3+s4], $0x80, v4, vm0, $0xb8;
	[tilespmem:$0x1E100] =	vst v63  }
0x1bf: {  	s20 =	simm.s32 $0xF800  }
0x1c0: {  	[tilespmem:s20], [sflag:$0x5] =	stream.indirect_vreg.gather [hbm4b:s3+s4], $0x80, v3, vm0, $0xb8;
	[tilespmem:$0x1E100] =	vst v63  }
0x1c1: {  	v3 =	vld [tilespmem:$0x1E010];
	_ =	sdelay $0x4  }
0x1c2: {  	v57 =	vshll.u32 v3, $0x1  }
0x1c3: {  	v3 =	vand.u32 $0x7, v3;
	v4 =	vand.u32 $0xFFFFFFF0, v57  }
0x1c4: {  	v3 =	vor.u32 v3, v4  }
0x1c5: {  	v4 =	vperm.xlane v3, v0;
	_ =	sdelay $0x1  }
0x1c6: {  	v3 =	vperm.xlane v3, v2;
	v4 =	vadd.s32 v1, v4;
	_ =	sdelay $0x1  }
0x1c7: {  	v3 =	vadd.s32 v1, v3;
	_ =	sdelay $0x1  }
0x1c8: {  	s21 =	simm.s32 $0x10000  }
0x1c9: {  	[tilespmem:s21], [sflag:$0x5] =	stream.indirect_vreg.gather [hbm4b:s3+s4], $0x80, v4, vm0, $0xb8;
	[tilespmem:$0x1E100] =	vst v63  }
0x1ca: {  	s22 =	simm.s32 $0x10800  }
0x1cb: {  	[tilespmem:s22], [sflag:$0x5] =	stream.indirect_vreg.gather [hbm4b:s3+s4], $0x80, v3, vm0, $0xb8;
	[tilespmem:$0x1E100] =	vst v63  }
0x1cc: {  	v3 =	vld [tilespmem:$0x1E020];
	_ =	sdelay $0x4  }
0x1cd: {  	v58 =	vshll.u32 v3, $0x1  }
0x1ce: {  	v3 =	vand.u32 $0x7, v3;
	v4 =	vand.u32 $0xFFFFFFF0, v58  }
0x1cf: {  	v3 =	vor.u32 v3, v4  }
0x1d0: {  	v4 =	vperm.xlane v3, v0;
	_ =	sdelay $0x1  }
0x1d1: {  	v3 =	vperm.xlane v3, v2;
	v4 =	vadd.s32 v1, v4;
	_ =	sdelay $0x1  }
0x1d2: {  	v3 =	vadd.s32 v1, v3;
	_ =	sdelay $0x1  }
0x1d3: {  	s23 =	simm.s32 $0x11000  }
0x1d4: {  	[tilespmem:s23], [sflag:$0x5] =	stream.indirect_vreg.gather [hbm4b:s3+s4], $0x80, v4, vm0, $0xb8;
	[tilespmem:$0x1E100] =	vst v63  }
0x1d5: {  	s24 =	simm.s32 $0x11800  }
0x1d6: {  	[tilespmem:s24], [sflag:$0x5] =	stream.indirect_vreg.gather [hbm4b:s3+s4], $0x80, v3, vm0, $0xb8;
	[tilespmem:$0x1E100] =	vst v63  }
0x1d7: {  	v3 =	vld [tilespmem:$0x1E030];
	_ =	sdelay $0x4  }
0x1d8: {  	v59 =	vshll.u32 v3, $0x1  }
0x1d9: {  	v3 =	vand.u32 $0x7, v3;
	v4 =	vand.u32 $0xFFFFFFF0, v59  }
0x1da: {  	v3 =	vor.u32 v3, v4  }
0x1db: {  	v4 =	vperm.xlane v3, v0;
	_ =	sdelay $0x1  }
0x1dc: {  	v3 =	vperm.xlane v3, v2;
	v4 =	vadd.s32 v1, v4;
	_ =	sdelay $0x1  }
0x1dd: {  	v3 =	vadd.s32 v1, v3;
	_ =	sdelay $0x2  }
0x1de: {  	[tilespmem:s25], [sflag:$0x5] =	stream.indirect_vreg.gather [hbm4b:s3+s4], $0x80, v4, vm0, $0xb8;
	[tilespmem:$0x1E100] =	vst v63  }
0x1df: {  	_ = 	snop  }
0x1e0: {  	[tilespmem:s26], [sflag:$0x5] =	stream.indirect_vreg.gather [hbm4b:s3+s4], $0x80, v3, vm0, $0xb8;
	[tilespmem:$0x1E100] =	vst v63  }
0x1e1: {  	v3 =	vld [tilespmem:$0x1E040];
	_ =	sdelay $0x4  }
0x1e2: {  	v60 =	vshll.u32 v3, $0x1  }
0x1e3: {  	v3 =	vand.u32 $0x7, v3;
	v4 =	vand.u32 $0xFFFFFFF0, v60  }
0x1e4: {  	v3 =	vor.u32 v3, v4  }
0x1e5: {  	v4 =	vperm.xlane v3, v0;
	_ =	sdelay $0x1  }
0x1e6: {  	v3 =	vperm.xlane v3, v2;
	v4 =	vadd.s32 v1, v4;
	_ =	sdelay $0x1  }
0x1e7: {  	v3 =	vadd.s32 v1, v3;
	_ =	sdelay $0x2  }
0x1e8: {  	[tilespmem:s28], [sflag:$0x5] =	stream.indirect_vreg.gather [hbm4b:s3+s4], $0x80, v4, vm0, $0xb8;
	[tilespmem:$0x1E100] =	vst v63  }
0x1e9: {  	_ = 	snop  }
0x1ea: {  	[tilespmem:s29], [sflag:$0x5] =	stream.indirect_vreg.gather [hbm4b:s3+s4], $0x80, v3, vm0, $0xb8;
	[tilespmem:$0x1E100] =	vst v63  }
0x1eb: {  	v3 =	vld [tilespmem:$0x1E050];
	_ =	sdelay $0x4  }
0x1ec: {  	v61 =	vshll.u32 v3, $0x1  }
0x1ed: {  	v3 =	vand.u32 $0x7, v3;
	v4 =	vand.u32 $0xFFFFFFF0, v61  }
0x1ee: {  	v3 =	vor.u32 v3, v4  }
0x1ef: {  	v4 =	vperm.xlane v3, v0;
	_ =	sdelay $0x1  }
0x1f0: {  	v3 =	vperm.xlane v3, v2;
	v4 =	vadd.s32 v1, v4;
	_ =	sdelay $0x1  }
0x1f1: {  	v3 =	vadd.s32 v1, v3;
	_ =	sdelay $0x2  }
0x1f2: {  	[tilespmem:s30], [sflag:$0x5] =	stream.indirect_vreg.gather [hbm4b:s3+s4], $0x80, v4, vm0, $0xb8;
	[tilespmem:$0x1E100] =	vst v63  }
0x1f3: {  	_ = 	snop  }
0x1f4: {  	[tilespmem:s31], [sflag:$0x5] =	stream.indirect_vreg.gather [hbm4b:s3+s4], $0x80, v3, vm0, $0xb8;
	[tilespmem:$0x1E100] =	vst v63  }
0x1f5: {  	v3 =	vld [tilespmem:$0x1E060];
	_ =	sdelay $0x4  }
0x1f6: {  	v62 =	vshll.u32 v3, $0x1  }
0x1f7: {  	v3 =	vand.u32 $0x7, v3;
	v4 =	vand.u32 $0xFFFFFFF0, v62  }
0x1f8: {  	v3 =	vor.u32 v3, v4  }
0x1f9: {  	v4 =	vperm.xlane v3, v0;
	_ =	sdelay $0x1  }
0x1fa: {  	v3 =	vperm.xlane v3, v2;
	v4 =	vadd.s32 v1, v4;
	_ =	sdelay $0x1  }
0x1fb: {  	v3 =	vadd.s32 v1, v3;
	_ =	sdelay $0x2  }
0x1fc: {  	[tilespmem:s0], [sflag:$0x5] =	stream.indirect_vreg.gather [hbm4b:s3+s4], $0x80, v4, vm0, $0xb8;
	[tilespmem:$0x1E100] =	vst v63  }
0x1fd: {  	_ = 	snop  }
0x1fe: {  	[tilespmem:s1], [sflag:$0x5] =	stream.indirect_vreg.gather [hbm4b:s3+s4], $0x80, v3, vm0, $0xb8;
	[tilespmem:$0x1E100] =	vst v63  }
0x1ff: {  	v3 =	vld.msk [tilespmem:$0x1E070], $0xff;
	_ =	sdelay $0x4  }
0x200: {  	v63 =	vshll.u32 v3, $0x1  }
0x201: {  	v3 =	vand.u32 $0x7, v3;
	v4 =	vand.u32 $0xFFFFFFF0, v63  }
0x202: {  	v3 =	vor.u32 v3, v4  }
0x203: {  	v3 =	vperm.xlane v3, v0;
	_ =	sdelay $0x1  }
0x204: {  	v3 =	vadd.s32 v1, v3  }
.Ltmp9:
0x205: {  	_ = 	snop;
	(pc) =	sbr.rel .LBB2_12-.Ltmp9, $2  }
0x206: {  	_ =	sdelay $0x2  }
0x207: {  	[tilespmem:s15], [sflag:$0x5] =	stream.indirect_vreg.gather [hbm4b:s3+s4], $0x80, v3, vm0, $0xb8;
	[tilespmem:$0x1E100] =	vst v63  }
.LBB2_14:
0x208: {  	_ =	sfence.sel $0x180000  }
0x209: {  	[bflag:$0x0] =	sbarrier.arrive $0xFFFF  }
0x20a: {  	_ =	strace $0x9000004A  }
0x20b: {  	s0 =	stileid.u32;
	[bflag:$0x2] =	sbarrier.arrive $0xFFFF  }
0x20c: {  	p0 =	sne.s32 s0, $0x0;
	s0 =	rddreg [dreg:$0x3]  }
0x20d: {  	s0 =	sadd.s32 @!p0 $0x100000, s0  }
0x20e: {  	[sflag:s0] =	ssyncadd.tile.s32 @!p0 $0x1;
	_ =	shalt  }
.Lfunc_end2:
_tile_overlayer_lowered:
.L_overlay_start_2:
0x20f: {  	(tag) =	ssettag $0x2  }
0x210: {  	s0 =	rddreg [dreg:$0x0];
	s2 =	stileid.u32  }
0x211: {  	s1 =	rddreg [dreg:$0x1];
	p0 =	sne.s32 s2, $0x0  }
0x212: {  	s3 =	rddreg [dreg:$0x2];
	[bflag:$0x3] =	sbarrier.arrive $0xFFFF;
	s2 =	simm.s32 @!p0 $0x1C07  }
0x213: {  	[timem:s3], [sflag:s2] =	dma.local @!p0 [hbm:s0], s1  }
0x214: {  	s0 =	simm.s32 @!p0 $0x7  }
0x215: {  	_ =	swait.ge @!p0 [sflag:s0], s1  }
0x216: {  	s1 =	ssub.s32 @!p0 $0x0, s1;
	[sflag:s0] =	ssyncset.done @!p0 $0x0  }
0x217: {  	[sflag:s0] =	ssyncadd.s32 @!p0 s1  }
0x218: {  	[bflag:$0x3] =	sbarrier.arrive $0xFFFF  }
0x219: {  	_ =	shalt  }

</sc_bundles>
